<compile_context>
chip_gen: v7x
topology: tpu7x:2x2x1
jax: 0.10.2.dev20260603
libtpu: 0.0.44.dev20260713+nightly
codegen_flags: <defaults>
</compile_context>

<pallas_src>
import functools

import jax
import jax.numpy as jnp
from jax import lax
from jax.experimental import pallas as pl
from jax.experimental.pallas import tpu as pltpu
from jax.experimental.pallas import tpu_sc as plsc

DIM = 128
CTX = 2048
B = 4
TOK = B * CTX
NC, NS, LANES = 2, 16, 16
NW = NC * NS
NPOS = CTX // NW

CHUNKS = (
    (0, 0, 32), (0, 32, 32),
    (1, 0, 64),
    (2, 0, 64),
    (3, 0, 32), (3, 32, 32),
)
NCHUNK = len(CHUNKS)
MAXCH = 64


@functools.partial(
    pl.kernel,
    out_type=jax.ShapeDtypeStruct((TOK, DIM), jnp.float32),
    mesh=plsc.VectorSubcoreMesh(core_axis_name="c", subcore_axis_name="s"),
    scratch_types=[
        pltpu.VMEM((NCHUNK, MAXCH), jnp.int32),
        pltpu.VMEM((NPOS, DIM), jnp.float32),
        pltpu.VMEM((B * NPOS, DIM), jnp.float32),
    ]
    + [pltpu.SemaphoreType.DMA] * NCHUNK
    + [
        pltpu.SemaphoreType.DMA,
        pltpu.SemaphoreType.DMA,
    ],
)
def _embed_sc(x_hbm, table_hbm, pos_hbm, out_hbm,
              idx_v, pos_v, rows_v, *sems):
    gsems, psem, ssem = sems[:NCHUNK], sems[NCHUNK], sems[NCHUNK + 1]
    wid = lax.axis_index("s") * NC + lax.axis_index("c")
    pbase = wid * NPOS

    pcp = pltpu.async_copy(pos_hbm.at[pl.ds(pbase, NPOS)], pos_v, psem)
    idx_cps = [
        pltpu.async_copy(
            x_hbm.at[b, pl.ds(pbase + pofs, n)],
            idx_v.at[k, pl.ds(0, n)],
            gsems[k],
        )
        for k, (b, pofs, n) in enumerate(CHUNKS)
    ]

    gathers = []
    rofs_list = []
    rofs = 0
    for k, (b, pofs, n) in enumerate(CHUNKS):
        idx_cps[k].wait()
        rofs_list.append(rofs)
        gathers.append(
            pltpu.async_copy(
                table_hbm.at[idx_v.at[k, pl.ds(0, n)]],
                rows_v.at[pl.ds(rofs, n)],
                gsems[k],
            )
        )
        rofs += n
    pcp.wait()

    stores = []
    for k, (b, pofs, n) in enumerate(CHUNKS):
        gathers[k].wait()
        rofs = rofs_list[k]

        def row_body(i, carry):
            r = i * 2
            for u in range(2):
                for c in range(DIM // LANES):
                    s = pl.ds(c * LANES, LANES)
                    plsc.addupdate(
                        rows_v.at[rofs + r + u, s], pos_v[pofs + r + u, s]
                    )
            return carry

        lax.fori_loop(0, n // 2, row_body, 0)
        stores.append(
            pltpu.async_copy(
                rows_v.at[pl.ds(rofs, n)],
                out_hbm.at[pl.ds(b * CTX + pbase + pofs, n)],
                ssem,
            )
        )

    for cp in stores:
        cp.wait()


def kernel(x, table, pos_emb):
    out = _embed_sc(x.astype(jnp.int32), table, pos_emb)
    return out.reshape(B, CTX, DIM)

# --- scband reference (transcript-rebuilt; emitter-appended) ---
"""Pipeline reference for scband-token-embedding-53979148976160 (READ-ONLY COPY).

The authoritative reference and input builder live on the scoring server;
editing this copy changes nothing except your own understanding.
"""

import jax, jax.numpy as jnp
import numpy as np

VOCAB = 100000
DIM = 128
CTX = 2048
B = 4
PAD_IDX = 77


def setup_inputs(seed: int = 0) -> dict:
    key = jax.random.key(seed)
    k1, k2, k3 = jax.random.split(key, 3)
    x = jax.random.randint(k1, (B, CTX), 0, VOCAB)
    table = jax.random.normal(k2, (VOCAB, DIM), dtype=jnp.float32)
    # nn.Embedding with padding_idx initializes that row to zero
    table = table.at[PAD_IDX].set(0.0)
    pos_emb = jax.random.normal(k3, (CTX, DIM), dtype=jnp.float32)
    return {"x": x, "table": table, "pos_emb": pos_emb}


def reference(x, table, pos_emb):
    # embedding lookup (gather) + broadcast positional embedding add
    emb = jnp.take(table, x, axis=0)  # [B, CTX, DIM]
    return emb + pos_emb[None, :, :]

if __name__ == "__main__":
    import jax
    _d = setup_inputs()
    print(jax.jit(kernel)(*tuple(_d.values())))

</pallas_src>

<mosaic_0001>
#map = affine_map<(d0, d1) -> (0, 0)>
module attributes {stable_mosaic.version = 14 : i64} {
  func.func @_embed_sc(%arg0: i32, %arg1: i32, %arg2: memref<4x2048xi32, #tpu.memory_space<hbm>>, %arg3: memref<100000x128xf32, #tpu.memory_space<hbm>>, %arg4: memref<2048x128xf32, #tpu.memory_space<hbm>>, %arg5: memref<8192x128xf32, #tpu.memory_space<hbm>>, %arg6: memref<6x64xi32, #tpu.memory_space<vmem>>, %arg7: memref<64x128xf32, #tpu.memory_space<vmem>>, %arg8: memref<256x128xf32, #tpu.memory_space<vmem>>, %arg9: memref<!tpu.dma_semaphore, #tpu.memory_space<semaphore_mem>>, %arg10: memref<!tpu.dma_semaphore, #tpu.memory_space<semaphore_mem>>, %arg11: memref<!tpu.dma_semaphore, #tpu.memory_space<semaphore_mem>>, %arg12: memref<!tpu.dma_semaphore, #tpu.memory_space<semaphore_mem>>, %arg13: memref<!tpu.dma_semaphore, #tpu.memory_space<semaphore_mem>>, %arg14: memref<!tpu.dma_semaphore, #tpu.memory_space<semaphore_mem>>, %arg15: memref<!tpu.dma_semaphore, #tpu.memory_space<semaphore_mem>>, %arg16: memref<!tpu.dma_semaphore, #tpu.memory_space<semaphore_mem>>) attributes {dimension_semantics = [#tpu.dimension_semantics<core_parallel>, #tpu.dimension_semantics<subcore_parallel>], iteration_bounds = array<i64: 2, 16>, scalar_prefetch = 0 : i64, scratch_operands = 11 : i64, tpu.core_type = #tpu.core_type<sc_vector_subcore>, window_params = [{transform_indices = #map}, {transform_indices = #map}, {transform_indices = #map}, {transform_indices = #map}]} {
    %mul3A = arith.constant 2 : i32
    %mul3A_0 = arith.muli %arg1, %mul3A : i32
    %add3A = arith.addi %mul3A_0, %arg0 : i32
    %mul3A_1 = arith.constant 64 : i32
    %mul3A_2 = arith.muli %add3A, %mul3A_1 : i32
    %dma_start3A = arith.constant 0 : i32
    %dma_start3A_3 = tpu.memref_slice %arg4[%mul3A_2, %dma_start3A] : memref<2048x128xf32, #tpu.memory_space<hbm>> -> memref<64x128xf32, #tpu.memory_space<hbm>>
    %dma_start3A_4 = arith.constant 0 : i32
    %dma_start3A_5 = tpu.memref_slice %arg4[%mul3A_2, %dma_start3A_4] : memref<2048x128xf32, #tpu.memory_space<hbm>> -> memref<64x128xf32, #tpu.memory_space<hbm>>
    tpu.enqueue_dma source(%dma_start3A_5 : memref<64x128xf32, #tpu.memory_space<hbm>>) target(%arg7 : memref<64x128xf32, #tpu.memory_space<vmem>>) target_semaphore(%arg15 : memref<!tpu.dma_semaphore, #tpu.memory_space<semaphore_mem>>)
    %add3A_6 = arith.constant 0 : i32
    %add3A_7 = arith.addi %mul3A_2, %add3A_6 : i32
    %dma_start3A_8 = arith.constant 0 : i32
    %dma_start3A_9 = arith.constant 0 : i32
    %dma_start3A_10 = arith.constant 0 : i32
    %dma_start3A_11 = tpu.memref_slice %arg6[%dma_start3A_9, %dma_start3A_10] : memref<6x64xi32, #tpu.memory_space<vmem>> -> memref<1x32xi32, #tpu.memory_space<vmem>>
    %dma_start3A_12 = tpu.memref_squeeze %dma_start3A_11 : memref<1x32xi32, #tpu.memory_space<vmem>> -> memref<32xi32, #tpu.memory_space<vmem>>
    %dma_start3A_13 = tpu.memref_slice %arg2[%dma_start3A_8, %add3A_7] : memref<4x2048xi32, #tpu.memory_space<hbm>> -> memref<1x32xi32, #tpu.memory_space<hbm>>
    %dma_start3A_14 = tpu.memref_squeeze %dma_start3A_13 : memref<1x32xi32, #tpu.memory_space<hbm>> -> memref<32xi32, #tpu.memory_space<hbm>>
    %dma_start3A_15 = arith.constant 0 : i32
    %dma_start3A_16 = tpu.memref_slice %arg6[%dma_start3A_9, %dma_start3A_15] : memref<6x64xi32, #tpu.memory_space<vmem>> -> memref<1x32xi32, #tpu.memory_space<vmem>>
    %dma_start3A_17 = tpu.memref_squeeze %dma_start3A_16 : memref<1x32xi32, #tpu.memory_space<vmem>> -> memref<32xi32, #tpu.memory_space<vmem>>
    %dma_start3A_18 = tpu.memref_slice %arg2[%dma_start3A_8, %add3A_7] : memref<4x2048xi32, #tpu.memory_space<hbm>> -> memref<1x32xi32, #tpu.memory_space<hbm>>
    %dma_start3A_19 = tpu.memref_squeeze %dma_start3A_18 : memref<1x32xi32, #tpu.memory_space<hbm>> -> memref<32xi32, #tpu.memory_space<hbm>>
    tpu.enqueue_dma source(%dma_start3A_19 : memref<32xi32, #tpu.memory_space<hbm>>) target(%dma_start3A_17 : memref<32xi32, #tpu.memory_space<vmem>>) target_semaphore(%arg9 : memref<!tpu.dma_semaphore, #tpu.memory_space<semaphore_mem>>)
    %add3A_20 = arith.constant 32 : i32
    %add3A_21 = arith.addi %mul3A_2, %add3A_20 : i32
    %dma_start3A_22 = arith.constant 0 : i32
    %dma_start3A_23 = arith.constant 1 : i32
    %dma_start3A_24 = arith.constant 0 : i32
    %dma_start3A_25 = tpu.memref_slice %arg6[%dma_start3A_23, %dma_start3A_24] : memref<6x64xi32, #tpu.memory_space<vmem>> -> memref<1x32xi32, #tpu.memory_space<vmem>>
    %dma_start3A_26 = tpu.memref_squeeze %dma_start3A_25 : memref<1x32xi32, #tpu.memory_space<vmem>> -> memref<32xi32, #tpu.memory_space<vmem>>
    %dma_start3A_27 = tpu.memref_slice %arg2[%dma_start3A_22, %add3A_21] : memref<4x2048xi32, #tpu.memory_space<hbm>> -> memref<1x32xi32, #tpu.memory_space<hbm>>
    %dma_start3A_28 = tpu.memref_squeeze %dma_start3A_27 : memref<1x32xi32, #tpu.memory_space<hbm>> -> memref<32xi32, #tpu.memory_space<hbm>>
    %dma_start3A_29 = arith.constant 0 : i32
    %dma_start3A_30 = tpu.memref_slice %arg6[%dma_start3A_23, %dma_start3A_29] : memref<6x64xi32, #tpu.memory_space<vmem>> -> memref<1x32xi32, #tpu.memory_space<vmem>>
    %dma_start3A_31 = tpu.memref_squeeze %dma_start3A_30 : memref<1x32xi32, #tpu.memory_space<vmem>> -> memref<32xi32, #tpu.memory_space<vmem>>
    %dma_start3A_32 = tpu.memref_slice %arg2[%dma_start3A_22, %add3A_21] : memref<4x2048xi32, #tpu.memory_space<hbm>> -> memref<1x32xi32, #tpu.memory_space<hbm>>
    %dma_start3A_33 = tpu.memref_squeeze %dma_start3A_32 : memref<1x32xi32, #tpu.memory_space<hbm>> -> memref<32xi32, #tpu.memory_space<hbm>>
    tpu.enqueue_dma source(%dma_start3A_33 : memref<32xi32, #tpu.memory_space<hbm>>) target(%dma_start3A_31 : memref<32xi32, #tpu.memory_space<vmem>>) target_semaphore(%arg10 : memref<!tpu.dma_semaphore, #tpu.memory_space<semaphore_mem>>)
    %add3A_34 = arith.constant 0 : i32
    %add3A_35 = arith.addi %mul3A_2, %add3A_34 : i32
    %dma_start3A_36 = arith.constant 1 : i32
    %dma_start3A_37 = arith.constant 2 : i32
    %dma_start3A_38 = arith.constant 0 : i32
    %dma_start3A_39 = tpu.memref_slice %arg6[%dma_start3A_37, %dma_start3A_38] : memref<6x64xi32, #tpu.memory_space<vmem>> -> memref<1x64xi32, #tpu.memory_space<vmem>>
    %dma_start3A_40 = tpu.memref_squeeze %dma_start3A_39 : memref<1x64xi32, #tpu.memory_space<vmem>> -> memref<64xi32, #tpu.memory_space<vmem>>
    %dma_start3A_41 = tpu.memref_slice %arg2[%dma_start3A_36, %add3A_35] : memref<4x2048xi32, #tpu.memory_space<hbm>> -> memref<1x64xi32, #tpu.memory_space<hbm>>
    %dma_start3A_42 = tpu.memref_squeeze %dma_start3A_41 : memref<1x64xi32, #tpu.memory_space<hbm>> -> memref<64xi32, #tpu.memory_space<hbm>>
    %dma_start3A_43 = arith.constant 0 : i32
    %dma_start3A_44 = tpu.memref_slice %arg6[%dma_start3A_37, %dma_start3A_43] : memref<6x64xi32, #tpu.memory_space<vmem>> -> memref<1x64xi32, #tpu.memory_space<vmem>>
    %dma_start3A_45 = tpu.memref_squeeze %dma_start3A_44 : memref<1x64xi32, #tpu.memory_space<vmem>> -> memref<64xi32, #tpu.memory_space<vmem>>
    %dma_start3A_46 = tpu.memref_slice %arg2[%dma_start3A_36, %add3A_35] : memref<4x2048xi32, #tpu.memory_space<hbm>> -> memref<1x64xi32, #tpu.memory_space<hbm>>
    %dma_start3A_47 = tpu.memref_squeeze %dma_start3A_46 : memref<1x64xi32, #tpu.memory_space<hbm>> -> memref<64xi32, #tpu.memory_space<hbm>>
    tpu.enqueue_dma source(%dma_start3A_47 : memref<64xi32, #tpu.memory_space<hbm>>) target(%dma_start3A_45 : memref<64xi32, #tpu.memory_space<vmem>>) target_semaphore(%arg11 : memref<!tpu.dma_semaphore, #tpu.memory_space<semaphore_mem>>)
    %add3A_48 = arith.constant 0 : i32
    %add3A_49 = arith.addi %mul3A_2, %add3A_48 : i32
    %dma_start3A_50 = arith.constant 2 : i32
    %dma_start3A_51 = arith.constant 3 : i32
    %dma_start3A_52 = arith.constant 0 : i32
    %dma_start3A_53 = tpu.memref_slice %arg6[%dma_start3A_51, %dma_start3A_52] : memref<6x64xi32, #tpu.memory_space<vmem>> -> memref<1x64xi32, #tpu.memory_space<vmem>>
    %dma_start3A_54 = tpu.memref_squeeze %dma_start3A_53 : memref<1x64xi32, #tpu.memory_space<vmem>> -> memref<64xi32, #tpu.memory_space<vmem>>
    %dma_start3A_55 = tpu.memref_slice %arg2[%dma_start3A_50, %add3A_49] : memref<4x2048xi32, #tpu.memory_space<hbm>> -> memref<1x64xi32, #tpu.memory_space<hbm>>
    %dma_start3A_56 = tpu.memref_squeeze %dma_start3A_55 : memref<1x64xi32, #tpu.memory_space<hbm>> -> memref<64xi32, #tpu.memory_space<hbm>>
    %dma_start3A_57 = arith.constant 0 : i32
    %dma_start3A_58 = tpu.memref_slice %arg6[%dma_start3A_51, %dma_start3A_57] : memref<6x64xi32, #tpu.memory_space<vmem>> -> memref<1x64xi32, #tpu.memory_space<vmem>>
    %dma_start3A_59 = tpu.memref_squeeze %dma_start3A_58 : memref<1x64xi32, #tpu.memory_space<vmem>> -> memref<64xi32, #tpu.memory_space<vmem>>
    %dma_start3A_60 = tpu.memref_slice %arg2[%dma_start3A_50, %add3A_49] : memref<4x2048xi32, #tpu.memory_space<hbm>> -> memref<1x64xi32, #tpu.memory_space<hbm>>
    %dma_start3A_61 = tpu.memref_squeeze %dma_start3A_60 : memref<1x64xi32, #tpu.memory_space<hbm>> -> memref<64xi32, #tpu.memory_space<hbm>>
    tpu.enqueue_dma source(%dma_start3A_61 : memref<64xi32, #tpu.memory_space<hbm>>) target(%dma_start3A_59 : memref<64xi32, #tpu.memory_space<vmem>>) target_semaphore(%arg12 : memref<!tpu.dma_semaphore, #tpu.memory_space<semaphore_mem>>)
    %add3A_62 = arith.constant 0 : i32
    %add3A_63 = arith.addi %mul3A_2, %add3A_62 : i32
    %dma_start3A_64 = arith.constant 3 : i32
    %dma_start3A_65 = arith.constant 4 : i32
    %dma_start3A_66 = arith.constant 0 : i32
    %dma_start3A_67 = tpu.memref_slice %arg6[%dma_start3A_65, %dma_start3A_66] : memref<6x64xi32, #tpu.memory_space<vmem>> -> memref<1x32xi32, #tpu.memory_space<vmem>>
    %dma_start3A_68 = tpu.memref_squeeze %dma_start3A_67 : memref<1x32xi32, #tpu.memory_space<vmem>> -> memref<32xi32, #tpu.memory_space<vmem>>
    %dma_start3A_69 = tpu.memref_slice %arg2[%dma_start3A_64, %add3A_63] : memref<4x2048xi32, #tpu.memory_space<hbm>> -> memref<1x32xi32, #tpu.memory_space<hbm>>
    %dma_start3A_70 = tpu.memref_squeeze %dma_start3A_69 : memref<1x32xi32, #tpu.memory_space<hbm>> -> memref<32xi32, #tpu.memory_space<hbm>>
    %dma_start3A_71 = arith.constant 0 : i32
    %dma_start3A_72 = tpu.memref_slice %arg6[%dma_start3A_65, %dma_start3A_71] : memref<6x64xi32, #tpu.memory_space<vmem>> -> memref<1x32xi32, #tpu.memory_space<vmem>>
    %dma_start3A_73 = tpu.memref_squeeze %dma_start3A_72 : memref<1x32xi32, #tpu.memory_space<vmem>> -> memref<32xi32, #tpu.memory_space<vmem>>
    %dma_start3A_74 = tpu.memref_slice %arg2[%dma_start3A_64, %add3A_63] : memref<4x2048xi32, #tpu.memory_space<hbm>> -> memref<1x32xi32, #tpu.memory_space<hbm>>
    %dma_start3A_75 = tpu.memref_squeeze %dma_start3A_74 : memref<1x32xi32, #tpu.memory_space<hbm>> -> memref<32xi32, #tpu.memory_space<hbm>>
    tpu.enqueue_dma source(%dma_start3A_75 : memref<32xi32, #tpu.memory_space<hbm>>) target(%dma_start3A_73 : memref<32xi32, #tpu.memory_space<vmem>>) target_semaphore(%arg13 : memref<!tpu.dma_semaphore, #tpu.memory_space<semaphore_mem>>)
    %add3A_76 = arith.constant 32 : i32
    %add3A_77 = arith.addi %mul3A_2, %add3A_76 : i32
    %dma_start3A_78 = arith.constant 3 : i32
    %dma_start3A_79 = arith.constant 5 : i32
    %dma_start3A_80 = arith.constant 0 : i32
    %dma_start3A_81 = tpu.memref_slice %arg6[%dma_start3A_79, %dma_start3A_80] : memref<6x64xi32, #tpu.memory_space<vmem>> -> memref<1x32xi32, #tpu.memory_space<vmem>>
    %dma_start3A_82 = tpu.memref_squeeze %dma_start3A_81 : memref<1x32xi32, #tpu.memory_space<vmem>> -> memref<32xi32, #tpu.memory_space<vmem>>
    %dma_start3A_83 = tpu.memref_slice %arg2[%dma_start3A_78, %add3A_77] : memref<4x2048xi32, #tpu.memory_space<hbm>> -> memref<1x32xi32, #tpu.memory_space<hbm>>
    %dma_start3A_84 = tpu.memref_squeeze %dma_start3A_83 : memref<1x32xi32, #tpu.memory_space<hbm>> -> memref<32xi32, #tpu.memory_space<hbm>>
    %dma_start3A_85 = arith.constant 0 : i32
    %dma_start3A_86 = tpu.memref_slice %arg6[%dma_start3A_79, %dma_start3A_85] : memref<6x64xi32, #tpu.memory_space<vmem>> -> memref<1x32xi32, #tpu.memory_space<vmem>>
    %dma_start3A_87 = tpu.memref_squeeze %dma_start3A_86 : memref<1x32xi32, #tpu.memory_space<vmem>> -> memref<32xi32, #tpu.memory_space<vmem>>
    %dma_start3A_88 = tpu.memref_slice %arg2[%dma_start3A_78, %add3A_77] : memref<4x2048xi32, #tpu.memory_space<hbm>> -> memref<1x32xi32, #tpu.memory_space<hbm>>
    %dma_start3A_89 = tpu.memref_squeeze %dma_start3A_88 : memref<1x32xi32, #tpu.memory_space<hbm>> -> memref<32xi32, #tpu.memory_space<hbm>>
    tpu.enqueue_dma source(%dma_start3A_89 : memref<32xi32, #tpu.memory_space<hbm>>) target(%dma_start3A_87 : memref<32xi32, #tpu.memory_space<vmem>>) target_semaphore(%arg14 : memref<!tpu.dma_semaphore, #tpu.memory_space<semaphore_mem>>)
    %dma_wait3A = arith.constant 0 : i32
    %dma_wait3A_90 = arith.constant 0 : i32
    %dma_wait3A_91 = arith.constant 0 : i32
    %dma_wait3A_92 = tpu.memref_slice %arg6[%dma_wait3A_90, %dma_wait3A_91] : memref<6x64xi32, #tpu.memory_space<vmem>> -> memref<1x32xi32, #tpu.memory_space<vmem>>
    %dma_wait3A_93 = tpu.memref_squeeze %dma_wait3A_92 : memref<1x32xi32, #tpu.memory_space<vmem>> -> memref<32xi32, #tpu.memory_space<vmem>>
    %dma_wait3A_94 = tpu.memref_slice %arg2[%dma_wait3A, %add3A_7] : memref<4x2048xi32, #tpu.memory_space<hbm>> -> memref<1x32xi32, #tpu.memory_space<hbm>>
    %dma_wait3A_95 = tpu.memref_squeeze %dma_wait3A_94 : memref<1x32xi32, #tpu.memory_space<hbm>> -> memref<32xi32, #tpu.memory_space<hbm>>
    %dma_wait3A_96 = arith.constant 0 : i32
    %dma_wait3A_97 = tpu.memref_slice %arg6[%dma_wait3A_90, %dma_wait3A_96] : memref<6x64xi32, #tpu.memory_space<vmem>> -> memref<1x32xi32, #tpu.memory_space<vmem>>
    %dma_wait3A_98 = tpu.memref_squeeze %dma_wait3A_97 : memref<1x32xi32, #tpu.memory_space<vmem>> -> memref<32xi32, #tpu.memory_space<vmem>>
    %dma_wait3A_99 = tpu.memref_slice %arg2[%dma_wait3A, %add3A_7] : memref<4x2048xi32, #tpu.memory_space<hbm>> -> memref<1x32xi32, #tpu.memory_space<hbm>>
    %dma_wait3A_100 = tpu.memref_squeeze %dma_wait3A_99 : memref<1x32xi32, #tpu.memory_space<hbm>> -> memref<32xi32, #tpu.memory_space<hbm>>
    tpu.wait_dma2 semaphore(%arg9 : memref<!tpu.dma_semaphore, #tpu.memory_space<semaphore_mem>>) src(%dma_wait3A_100 : memref<32xi32, #tpu.memory_space<hbm>>) dst(%dma_wait3A_98 : memref<32xi32, #tpu.memory_space<vmem>>)
    %dma_start3A_101 = arith.constant 0 : i32
    %dma_start3A_102 = arith.constant 0 : i32
    %dma_start3A_103 = arith.constant 0 : i32
    %dma_start3A_104 = tpu.memref_slice %arg8[%dma_start3A_102, %dma_start3A_103] : memref<256x128xf32, #tpu.memory_space<vmem>> -> memref<32x128xf32, #tpu.memory_space<vmem>>
    %dma_start3A_105 = arith.constant 0 : i32
    %dma_start3A_106 = tpu.memref_slice %arg6[%dma_start3A_101, %dma_start3A_105] : memref<6x64xi32, #tpu.memory_space<vmem>> -> memref<1x32xi32, #tpu.memory_space<vmem>>
    %dma_start3A_107 = tpu.memref_squeeze %dma_start3A_106 : memref<1x32xi32, #tpu.memory_space<vmem>> -> memref<32xi32, #tpu.memory_space<vmem>>
    %dma_start3A_108 = arith.constant 0 : i32
    %dma_start3A_109 = arith.constant 0 : i32
    %dma_start3A_110 = tpu.memref_slice %arg3[%dma_start3A_108, %dma_start3A_109] : memref<100000x128xf32, #tpu.memory_space<hbm>> -> memref<100000x128xf32, #tpu.memory_space<hbm>>
    tpu.enqueue_indirect_dma source(%dma_start3A_110 : memref<100000x128xf32, #tpu.memory_space<hbm>>) target(%dma_start3A_104 : memref<32x128xf32, #tpu.memory_space<vmem>>) offsets(%dma_start3A_107 : memref<32xi32, #tpu.memory_space<vmem>>) semaphore(%arg9 : memref<!tpu.dma_semaphore, #tpu.memory_space<semaphore_mem>>)
    %dma_wait3A_111 = arith.constant 0 : i32
    %dma_wait3A_112 = arith.constant 1 : i32
    %dma_wait3A_113 = arith.constant 0 : i32
    %dma_wait3A_114 = tpu.memref_slice %arg6[%dma_wait3A_112, %dma_wait3A_113] : memref<6x64xi32, #tpu.memory_space<vmem>> -> memref<1x32xi32, #tpu.memory_space<vmem>>
    %dma_wait3A_115 = tpu.memref_squeeze %dma_wait3A_114 : memref<1x32xi32, #tpu.memory_space<vmem>> -> memref<32xi32, #tpu.memory_space<vmem>>
    %dma_wait3A_116 = tpu.memref_slice %arg2[%dma_wait3A_111, %add3A_21] : memref<4x2048xi32, #tpu.memory_space<hbm>> -> memref<1x32xi32, #tpu.memory_space<hbm>>
    %dma_wait3A_117 = tpu.memref_squeeze %dma_wait3A_116 : memref<1x32xi32, #tpu.memory_space<hbm>> -> memref<32xi32, #tpu.memory_space<hbm>>
    %dma_wait3A_118 = arith.constant 0 : i32
    %dma_wait3A_119 = tpu.memref_slice %arg6[%dma_wait3A_112, %dma_wait3A_118] : memref<6x64xi32, #tpu.memory_space<vmem>> -> memref<1x32xi32, #tpu.memory_space<vmem>>
    %dma_wait3A_120 = tpu.memref_squeeze %dma_wait3A_119 : memref<1x32xi32, #tpu.memory_space<vmem>> -> memref<32xi32, #tpu.memory_space<vmem>>
    %dma_wait3A_121 = tpu.memref_slice %arg2[%dma_wait3A_111, %add3A_21] : memref<4x2048xi32, #tpu.memory_space<hbm>> -> memref<1x32xi32, #tpu.memory_space<hbm>>
    %dma_wait3A_122 = tpu.memref_squeeze %dma_wait3A_121 : memref<1x32xi32, #tpu.memory_space<hbm>> -> memref<32xi32, #tpu.memory_space<hbm>>
    tpu.wait_dma2 semaphore(%arg10 : memref<!tpu.dma_semaphore, #tpu.memory_space<semaphore_mem>>) src(%dma_wait3A_122 : memref<32xi32, #tpu.memory_space<hbm>>) dst(%dma_wait3A_120 : memref<32xi32, #tpu.memory_space<vmem>>)
    %dma_start3A_123 = arith.constant 1 : i32
    %dma_start3A_124 = arith.constant 32 : i32
    %dma_start3A_125 = arith.constant 0 : i32
    %dma_start3A_126 = tpu.memref_slice %arg8[%dma_start3A_124, %dma_start3A_125] : memref<256x128xf32, #tpu.memory_space<vmem>> -> memref<32x128xf32, #tpu.memory_space<vmem>>
    %dma_start3A_127 = arith.constant 0 : i32
    %dma_start3A_128 = tpu.memref_slice %arg6[%dma_start3A_123, %dma_start3A_127] : memref<6x64xi32, #tpu.memory_space<vmem>> -> memref<1x32xi32, #tpu.memory_space<vmem>>
    %dma_start3A_129 = tpu.memref_squeeze %dma_start3A_128 : memref<1x32xi32, #tpu.memory_space<vmem>> -> memref<32xi32, #tpu.memory_space<vmem>>
    %dma_start3A_130 = arith.constant 0 : i32
    %dma_start3A_131 = arith.constant 0 : i32
    %dma_start3A_132 = tpu.memref_slice %arg3[%dma_start3A_130, %dma_start3A_131] : memref<100000x128xf32, #tpu.memory_space<hbm>> -> memref<100000x128xf32, #tpu.memory_space<hbm>>
    tpu.enqueue_indirect_dma source(%dma_start3A_132 : memref<100000x128xf32, #tpu.memory_space<hbm>>) target(%dma_start3A_126 : memref<32x128xf32, #tpu.memory_space<vmem>>) offsets(%dma_start3A_129 : memref<32xi32, #tpu.memory_space<vmem>>) semaphore(%arg10 : memref<!tpu.dma_semaphore, #tpu.memory_space<semaphore_mem>>)
    %dma_wait3A_133 = arith.constant 1 : i32
    %dma_wait3A_134 = arith.constant 2 : i32
    %dma_wait3A_135 = arith.constant 0 : i32
    %dma_wait3A_136 = tpu.memref_slice %arg6[%dma_wait3A_134, %dma_wait3A_135] : memref<6x64xi32, #tpu.memory_space<vmem>> -> memref<1x64xi32, #tpu.memory_space<vmem>>
    %dma_wait3A_137 = tpu.memref_squeeze %dma_wait3A_136 : memref<1x64xi32, #tpu.memory_space<vmem>> -> memref<64xi32, #tpu.memory_space<vmem>>
    %dma_wait3A_138 = tpu.memref_slice %arg2[%dma_wait3A_133, %add3A_35] : memref<4x2048xi32, #tpu.memory_space<hbm>> -> memref<1x64xi32, #tpu.memory_space<hbm>>
    %dma_wait3A_139 = tpu.memref_squeeze %dma_wait3A_138 : memref<1x64xi32, #tpu.memory_space<hbm>> -> memref<64xi32, #tpu.memory_space<hbm>>
    %dma_wait3A_140 = arith.constant 0 : i32
    %dma_wait3A_141 = tpu.memref_slice %arg6[%dma_wait3A_134, %dma_wait3A_140] : memref<6x64xi32, #tpu.memory_space<vmem>> -> memref<1x64xi32, #tpu.memory_space<vmem>>
    %dma_wait3A_142 = tpu.memref_squeeze %dma_wait3A_141 : memref<1x64xi32, #tpu.memory_space<vmem>> -> memref<64xi32, #tpu.memory_space<vmem>>
    %dma_wait3A_143 = tpu.memref_slice %arg2[%dma_wait3A_133, %add3A_35] : memref<4x2048xi32, #tpu.memory_space<hbm>> -> memref<1x64xi32, #tpu.memory_space<hbm>>
    %dma_wait3A_144 = tpu.memref_squeeze %dma_wait3A_143 : memref<1x64xi32, #tpu.memory_space<hbm>> -> memref<64xi32, #tpu.memory_space<hbm>>
    tpu.wait_dma2 semaphore(%arg11 : memref<!tpu.dma_semaphore, #tpu.memory_space<semaphore_mem>>) src(%dma_wait3A_144 : memref<64xi32, #tpu.memory_space<hbm>>) dst(%dma_wait3A_142 : memref<64xi32, #tpu.memory_space<vmem>>)
    %dma_start3A_145 = arith.constant 2 : i32
    %dma_start3A_146 = arith.constant 64 : i32
    %dma_start3A_147 = arith.constant 0 : i32
    %dma_start3A_148 = tpu.memref_slice %arg8[%dma_start3A_146, %dma_start3A_147] : memref<256x128xf32, #tpu.memory_space<vmem>> -> memref<64x128xf32, #tpu.memory_space<vmem>>
    %dma_start3A_149 = arith.constant 0 : i32
    %dma_start3A_150 = tpu.memref_slice %arg6[%dma_start3A_145, %dma_start3A_149] : memref<6x64xi32, #tpu.memory_space<vmem>> -> memref<1x64xi32, #tpu.memory_space<vmem>>
    %dma_start3A_151 = tpu.memref_squeeze %dma_start3A_150 : memref<1x64xi32, #tpu.memory_space<vmem>> -> memref<64xi32, #tpu.memory_space<vmem>>
    %dma_start3A_152 = arith.constant 0 : i32
    %dma_start3A_153 = arith.constant 0 : i32
    %dma_start3A_154 = tpu.memref_slice %arg3[%dma_start3A_152, %dma_start3A_153] : memref<100000x128xf32, #tpu.memory_space<hbm>> -> memref<100000x128xf32, #tpu.memory_space<hbm>>
    tpu.enqueue_indirect_dma source(%dma_start3A_154 : memref<100000x128xf32, #tpu.memory_space<hbm>>) target(%dma_start3A_148 : memref<64x128xf32, #tpu.memory_space<vmem>>) offsets(%dma_start3A_151 : memref<64xi32, #tpu.memory_space<vmem>>) semaphore(%arg11 : memref<!tpu.dma_semaphore, #tpu.memory_space<semaphore_mem>>)
    %dma_wait3A_155 = arith.constant 2 : i32
    %dma_wait3A_156 = arith.constant 3 : i32
    %dma_wait3A_157 = arith.constant 0 : i32
    %dma_wait3A_158 = tpu.memref_slice %arg6[%dma_wait3A_156, %dma_wait3A_157] : memref<6x64xi32, #tpu.memory_space<vmem>> -> memref<1x64xi32, #tpu.memory_space<vmem>>
    %dma_wait3A_159 = tpu.memref_squeeze %dma_wait3A_158 : memref<1x64xi32, #tpu.memory_space<vmem>> -> memref<64xi32, #tpu.memory_space<vmem>>
    %dma_wait3A_160 = tpu.memref_slice %arg2[%dma_wait3A_155, %add3A_49] : memref<4x2048xi32, #tpu.memory_space<hbm>> -> memref<1x64xi32, #tpu.memory_space<hbm>>
    %dma_wait3A_161 = tpu.memref_squeeze %dma_wait3A_160 : memref<1x64xi32, #tpu.memory_space<hbm>> -> memref<64xi32, #tpu.memory_space<hbm>>
    %dma_wait3A_162 = arith.constant 0 : i32
    %dma_wait3A_163 = tpu.memref_slice %arg6[%dma_wait3A_156, %dma_wait3A_162] : memref<6x64xi32, #tpu.memory_space<vmem>> -> memref<1x64xi32, #tpu.memory_space<vmem>>
    %dma_wait3A_164 = tpu.memref_squeeze %dma_wait3A_163 : memref<1x64xi32, #tpu.memory_space<vmem>> -> memref<64xi32, #tpu.memory_space<vmem>>
    %dma_wait3A_165 = tpu.memref_slice %arg2[%dma_wait3A_155, %add3A_49] : memref<4x2048xi32, #tpu.memory_space<hbm>> -> memref<1x64xi32, #tpu.memory_space<hbm>>
    %dma_wait3A_166 = tpu.memref_squeeze %dma_wait3A_165 : memref<1x64xi32, #tpu.memory_space<hbm>> -> memref<64xi32, #tpu.memory_space<hbm>>
    tpu.wait_dma2 semaphore(%arg12 : memref<!tpu.dma_semaphore, #tpu.memory_space<semaphore_mem>>) src(%dma_wait3A_166 : memref<64xi32, #tpu.memory_space<hbm>>) dst(%dma_wait3A_164 : memref<64xi32, #tpu.memory_space<vmem>>)
    %dma_start3A_167 = arith.constant 3 : i32
    %dma_start3A_168 = arith.constant 128 : i32
    %dma_start3A_169 = arith.constant 0 : i32
    %dma_start3A_170 = tpu.memref_slice %arg8[%dma_start3A_168, %dma_start3A_169] : memref<256x128xf32, #tpu.memory_space<vmem>> -> memref<64x128xf32, #tpu.memory_space<vmem>>
    %dma_start3A_171 = arith.constant 0 : i32
    %dma_start3A_172 = tpu.memref_slice %arg6[%dma_start3A_167, %dma_start3A_171] : memref<6x64xi32, #tpu.memory_space<vmem>> -> memref<1x64xi32, #tpu.memory_space<vmem>>
    %dma_start3A_173 = tpu.memref_squeeze %dma_start3A_172 : memref<1x64xi32, #tpu.memory_space<vmem>> -> memref<64xi32, #tpu.memory_space<vmem>>
    %dma_start3A_174 = arith.constant 0 : i32
    %dma_start3A_175 = arith.constant 0 : i32
    %dma_start3A_176 = tpu.memref_slice %arg3[%dma_start3A_174, %dma_start3A_175] : memref<100000x128xf32, #tpu.memory_space<hbm>> -> memref<100000x128xf32, #tpu.memory_space<hbm>>
    tpu.enqueue_indirect_dma source(%dma_start3A_176 : memref<100000x128xf32, #tpu.memory_space<hbm>>) target(%dma_start3A_170 : memref<64x128xf32, #tpu.memory_space<vmem>>) offsets(%dma_start3A_173 : memref<64xi32, #tpu.memory_space<vmem>>) semaphore(%arg12 : memref<!tpu.dma_semaphore, #tpu.memory_space<semaphore_mem>>)
    %dma_wait3A_177 = arith.constant 3 : i32
    %dma_wait3A_178 = arith.constant 4 : i32
    %dma_wait3A_179 = arith.constant 0 : i32
    %dma_wait3A_180 = tpu.memref_slice %arg6[%dma_wait3A_178, %dma_wait3A_179] : memref<6x64xi32, #tpu.memory_space<vmem>> -> memref<1x32xi32, #tpu.memory_space<vmem>>
    %dma_wait3A_181 = tpu.memref_squeeze %dma_wait3A_180 : memref<1x32xi32, #tpu.memory_space<vmem>> -> memref<32xi32, #tpu.memory_space<vmem>>
    %dma_wait3A_182 = tpu.memref_slice %arg2[%dma_wait3A_177, %add3A_63] : memref<4x2048xi32, #tpu.memory_space<hbm>> -> memref<1x32xi32, #tpu.memory_space<hbm>>
    %dma_wait3A_183 = tpu.memref_squeeze %dma_wait3A_182 : memref<1x32xi32, #tpu.memory_space<hbm>> -> memref<32xi32, #tpu.memory_space<hbm>>
    %dma_wait3A_184 = arith.constant 0 : i32
    %dma_wait3A_185 = tpu.memref_slice %arg6[%dma_wait3A_178, %dma_wait3A_184] : memref<6x64xi32, #tpu.memory_space<vmem>> -> memref<1x32xi32, #tpu.memory_space<vmem>>
    %dma_wait3A_186 = tpu.memref_squeeze %dma_wait3A_185 : memref<1x32xi32, #tpu.memory_space<vmem>> -> memref<32xi32, #tpu.memory_space<vmem>>
    %dma_wait3A_187 = tpu.memref_slice %arg2[%dma_wait3A_177, %add3A_63] : memref<4x2048xi32, #tpu.memory_space<hbm>> -> memref<1x32xi32, #tpu.memory_space<hbm>>
    %dma_wait3A_188 = tpu.memref_squeeze %dma_wait3A_187 : memref<1x32xi32, #tpu.memory_space<hbm>> -> memref<32xi32, #tpu.memory_space<hbm>>
    tpu.wait_dma2 semaphore(%arg13 : memref<!tpu.dma_semaphore, #tpu.memory_space<semaphore_mem>>) src(%dma_wait3A_188 : memref<32xi32, #tpu.memory_space<hbm>>) dst(%dma_wait3A_186 : memref<32xi32, #tpu.memory_space<vmem>>)
    %dma_start3A_189 = arith.constant 4 : i32
    %dma_start3A_190 = arith.constant 192 : i32
    %dma_start3A_191 = arith.constant 0 : i32
    %dma_start3A_192 = tpu.memref_slice %arg8[%dma_start3A_190, %dma_start3A_191] : memref<256x128xf32, #tpu.memory_space<vmem>> -> memref<32x128xf32, #tpu.memory_space<vmem>>
    %dma_start3A_193 = arith.constant 0 : i32
    %dma_start3A_194 = tpu.memref_slice %arg6[%dma_start3A_189, %dma_start3A_193] : memref<6x64xi32, #tpu.memory_space<vmem>> -> memref<1x32xi32, #tpu.memory_space<vmem>>
    %dma_start3A_195 = tpu.memref_squeeze %dma_start3A_194 : memref<1x32xi32, #tpu.memory_space<vmem>> -> memref<32xi32, #tpu.memory_space<vmem>>
    %dma_start3A_196 = arith.constant 0 : i32
    %dma_start3A_197 = arith.constant 0 : i32
    %dma_start3A_198 = tpu.memref_slice %arg3[%dma_start3A_196, %dma_start3A_197] : memref<100000x128xf32, #tpu.memory_space<hbm>> -> memref<100000x128xf32, #tpu.memory_space<hbm>>
    tpu.enqueue_indirect_dma source(%dma_start3A_198 : memref<100000x128xf32, #tpu.memory_space<hbm>>) target(%dma_start3A_192 : memref<32x128xf32, #tpu.memory_space<vmem>>) offsets(%dma_start3A_195 : memref<32xi32, #tpu.memory_space<vmem>>) semaphore(%arg13 : memref<!tpu.dma_semaphore, #tpu.memory_space<semaphore_mem>>)
    %dma_wait3A_199 = arith.constant 3 : i32
    %dma_wait3A_200 = arith.constant 5 : i32
    %dma_wait3A_201 = arith.constant 0 : i32
    %dma_wait3A_202 = tpu.memref_slice %arg6[%dma_wait3A_200, %dma_wait3A_201] : memref<6x64xi32, #tpu.memory_space<vmem>> -> memref<1x32xi32, #tpu.memory_space<vmem>>
    %dma_wait3A_203 = tpu.memref_squeeze %dma_wait3A_202 : memref<1x32xi32, #tpu.memory_space<vmem>> -> memref<32xi32, #tpu.memory_space<vmem>>
    %dma_wait3A_204 = tpu.memref_slice %arg2[%dma_wait3A_199, %add3A_77] : memref<4x2048xi32, #tpu.memory_space<hbm>> -> memref<1x32xi32, #tpu.memory_space<hbm>>
    %dma_wait3A_205 = tpu.memref_squeeze %dma_wait3A_204 : memref<1x32xi32, #tpu.memory_space<hbm>> -> memref<32xi32, #tpu.memory_space<hbm>>
    %dma_wait3A_206 = arith.constant 0 : i32
    %dma_wait3A_207 = tpu.memref_slice %arg6[%dma_wait3A_200, %dma_wait3A_206] : memref<6x64xi32, #tpu.memory_space<vmem>> -> memref<1x32xi32, #tpu.memory_space<vmem>>
    %dma_wait3A_208 = tpu.memref_squeeze %dma_wait3A_207 : memref<1x32xi32, #tpu.memory_space<vmem>> -> memref<32xi32, #tpu.memory_space<vmem>>
    %dma_wait3A_209 = tpu.memref_slice %arg2[%dma_wait3A_199, %add3A_77] : memref<4x2048xi32, #tpu.memory_space<hbm>> -> memref<1x32xi32, #tpu.memory_space<hbm>>
    %dma_wait3A_210 = tpu.memref_squeeze %dma_wait3A_209 : memref<1x32xi32, #tpu.memory_space<hbm>> -> memref<32xi32, #tpu.memory_space<hbm>>
    tpu.wait_dma2 semaphore(%arg14 : memref<!tpu.dma_semaphore, #tpu.memory_space<semaphore_mem>>) src(%dma_wait3A_210 : memref<32xi32, #tpu.memory_space<hbm>>) dst(%dma_wait3A_208 : memref<32xi32, #tpu.memory_space<vmem>>)
    %dma_start3A_211 = arith.constant 5 : i32
    %dma_start3A_212 = arith.constant 224 : i32
    %dma_start3A_213 = arith.constant 0 : i32
    %dma_start3A_214 = tpu.memref_slice %arg8[%dma_start3A_212, %dma_start3A_213] : memref<256x128xf32, #tpu.memory_space<vmem>> -> memref<32x128xf32, #tpu.memory_space<vmem>>
    %dma_start3A_215 = arith.constant 0 : i32
    %dma_start3A_216 = tpu.memref_slice %arg6[%dma_start3A_211, %dma_start3A_215] : memref<6x64xi32, #tpu.memory_space<vmem>> -> memref<1x32xi32, #tpu.memory_space<vmem>>
    %dma_start3A_217 = tpu.memref_squeeze %dma_start3A_216 : memref<1x32xi32, #tpu.memory_space<vmem>> -> memref<32xi32, #tpu.memory_space<vmem>>
    %dma_start3A_218 = arith.constant 0 : i32
    %dma_start3A_219 = arith.constant 0 : i32
    %dma_start3A_220 = tpu.memref_slice %arg3[%dma_start3A_218, %dma_start3A_219] : memref<100000x128xf32, #tpu.memory_space<hbm>> -> memref<100000x128xf32, #tpu.memory_space<hbm>>
    tpu.enqueue_indirect_dma source(%dma_start3A_220 : memref<100000x128xf32, #tpu.memory_space<hbm>>) target(%dma_start3A_214 : memref<32x128xf32, #tpu.memory_space<vmem>>) offsets(%dma_start3A_217 : memref<32xi32, #tpu.memory_space<vmem>>) semaphore(%arg14 : memref<!tpu.dma_semaphore, #tpu.memory_space<semaphore_mem>>)
    %dma_wait3A_221 = arith.constant 0 : i32
    %dma_wait3A_222 = tpu.memref_slice %arg4[%mul3A_2, %dma_wait3A_221] : memref<2048x128xf32, #tpu.memory_space<hbm>> -> memref<64x128xf32, #tpu.memory_space<hbm>>
    %dma_wait3A_223 = arith.constant 0 : i32
    %dma_wait3A_224 = tpu.memref_slice %arg4[%mul3A_2, %dma_wait3A_223] : memref<2048x128xf32, #tpu.memory_space<hbm>> -> memref<64x128xf32, #tpu.memory_space<hbm>>
    tpu.wait_dma2 semaphore(%arg15 : memref<!tpu.dma_semaphore, #tpu.memory_space<semaphore_mem>>) src(%dma_wait3A_224 : memref<64x128xf32, #tpu.memory_space<hbm>>) dst(%arg7 : memref<64x128xf32, #tpu.memory_space<vmem>>)
    %dma_wait3A_225 = arith.constant 0 : i32
    %dma_wait3A_226 = arith.constant 0 : i32
    %dma_wait3A_227 = arith.constant 0 : i32
    %dma_wait3A_228 = tpu.memref_slice %arg8[%dma_wait3A_226, %dma_wait3A_227] : memref<256x128xf32, #tpu.memory_space<vmem>> -> memref<32x128xf32, #tpu.memory_space<vmem>>
    %dma_wait3A_229 = arith.constant 0 : i32
    %dma_wait3A_230 = tpu.memref_slice %arg6[%dma_wait3A_225, %dma_wait3A_229] : memref<6x64xi32, #tpu.memory_space<vmem>> -> memref<1x32xi32, #tpu.memory_space<vmem>>
    %dma_wait3A_231 = tpu.memref_squeeze %dma_wait3A_230 : memref<1x32xi32, #tpu.memory_space<vmem>> -> memref<32xi32, #tpu.memory_space<vmem>>
    %dma_wait3A_232 = arith.constant 0 : i32
    %dma_wait3A_233 = arith.constant 0 : i32
    %dma_wait3A_234 = tpu.memref_slice %arg3[%dma_wait3A_232, %dma_wait3A_233] : memref<100000x128xf32, #tpu.memory_space<hbm>> -> memref<100000x128xf32, #tpu.memory_space<hbm>>
    tpu.wait_indirect_dma semaphore(%arg9 : memref<!tpu.dma_semaphore, #tpu.memory_space<semaphore_mem>>) src(%dma_wait3A_234 : memref<100000x128xf32, #tpu.memory_space<hbm>>) dst(%dma_wait3A_228 : memref<32x128xf32, #tpu.memory_space<vmem>>)
    %scan3A = arith.constant 0 : i32
    %scan3A_235 = arith.constant 0 : i32
    %scan3A_236 = arith.constant 16 : i32
    %scan3A_237 = arith.addi %scan3A_235, %scan3A_236 : i32
    %scan3A_238 = arith.constant 1 : i32
    scf.for %scan3A_464 = %scan3A_235 to %scan3A_237 step %scan3A_238  : i32 {
      %mul3A_465 = arith.constant 2 : i32
      %mul3A_466 = arith.muli %scan3A_464, %mul3A_465 : i32
      %add3A_467 = arith.constant 0 : i32
      %add3A_468 = arith.addi %add3A_467, %mul3A_466 : i32
      %add3A_469 = arith.constant 0 : i32
      %add3A_470 = arith.addi %add3A_468, %add3A_469 : i32
      %add3A_471 = arith.constant 0 : i32
      %add3A_472 = arith.addi %add3A_471, %mul3A_466 : i32
      %add3A_473 = arith.constant 0 : i32
      %add3A_474 = arith.addi %add3A_472, %add3A_473 : i32
      %get3A = arith.index_cast %add3A_474 : i32 to index
      %get3A_475 = arith.constant 0 : index
      %get3A_476 = tpu.vector_load %arg7[%get3A, %get3A_475] {strides = array<i32>} : memref<64x128xf32, #tpu.memory_space<vmem>>, vector<1x16xf32>,
      %get3A_477 = vector.shape_cast %get3A_476 : vector<1x16xf32> to vector<16xf32>
      %swap3A = arith.index_cast %add3A_470 : i32 to index
      %swap3A_478 = arith.constant 0 : index
      %swap3A_479 = tpu.vector_load %arg8[%swap3A, %swap3A_478] {strides = array<i32>} : memref<256x128xf32, #tpu.memory_space<vmem>>, vector<1x16xf32>,
      %swap3A_480 = vector.shape_cast %swap3A_479 : vector<1x16xf32> to vector<16xf32>
      %swap3A_481 = vector.shape_cast %get3A_477 : vector<16xf32> to vector<1x16xf32>
      tpu.vector_store %arg8[%swap3A, %swap3A_478], %swap3A_481 {add = true, strides = array<i32>} : memref<256x128xf32, #tpu.memory_space<vmem>>, vector<1x16xf32>,
      %add3A_482 = arith.constant 0 : i32
      %add3A_483 = arith.addi %add3A_482, %mul3A_466 : i32
      %add3A_484 = arith.constant 0 : i32
      %add3A_485 = arith.addi %add3A_483, %add3A_484 : i32
      %add3A_486 = arith.constant 0 : i32
      %add3A_487 = arith.addi %add3A_486, %mul3A_466 : i32
      %add3A_488 = arith.constant 0 : i32
      %add3A_489 = arith.addi %add3A_487, %add3A_488 : i32
      %get3A_490 = arith.index_cast %add3A_489 : i32 to index
      %get3A_491 = arith.constant 16 : index
      %get3A_492 = tpu.vector_load %arg7[%get3A_490, %get3A_491] {strides = array<i32>} : memref<64x128xf32, #tpu.memory_space<vmem>>, vector<1x16xf32>,
      %get3A_493 = vector.shape_cast %get3A_492 : vector<1x16xf32> to vector<16xf32>
      %swap3A_494 = arith.index_cast %add3A_485 : i32 to index
      %swap3A_495 = arith.constant 16 : index
      %swap3A_496 = tpu.vector_load %arg8[%swap3A_494, %swap3A_495] {strides = array<i32>} : memref<256x128xf32, #tpu.memory_space<vmem>>, vector<1x16xf32>,
      %swap3A_497 = vector.shape_cast %swap3A_496 : vector<1x16xf32> to vector<16xf32>
      %swap3A_498 = vector.shape_cast %get3A_493 : vector<16xf32> to vector<1x16xf32>
      tpu.vector_store %arg8[%swap3A_494, %swap3A_495], %swap3A_498 {add = true, strides = array<i32>} : memref<256x128xf32, #tpu.memory_space<vmem>>, vector<1x16xf32>,
      %add3A_499 = arith.constant 0 : i32
      %add3A_500 = arith.addi %add3A_499, %mul3A_466 : i32
      %add3A_501 = arith.constant 0 : i32
      %add3A_502 = arith.addi %add3A_500, %add3A_501 : i32
      %add3A_503 = arith.constant 0 : i32
      %add3A_504 = arith.addi %add3A_503, %mul3A_466 : i32
      %add3A_505 = arith.constant 0 : i32
      %add3A_506 = arith.addi %add3A_504, %add3A_505 : i32
      %get3A_507 = arith.index_cast %add3A_506 : i32 to index
      %get3A_508 = arith.constant 32 : index
      %get3A_509 = tpu.vector_load %arg7[%get3A_507, %get3A_508] {strides = array<i32>} : memref<64x128xf32, #tpu.memory_space<vmem>>, vector<1x16xf32>,
      %get3A_510 = vector.shape_cast %get3A_509 : vector<1x16xf32> to vector<16xf32>
      %swap3A_511 = arith.index_cast %add3A_502 : i32 to index
      %swap3A_512 = arith.constant 32 : index
      %swap3A_513 = tpu.vector_load %arg8[%swap3A_511, %swap3A_512] {strides = array<i32>} : memref<256x128xf32, #tpu.memory_space<vmem>>, vector<1x16xf32>,
      %swap3A_514 = vector.shape_cast %swap3A_513 : vector<1x16xf32> to vector<16xf32>
      %swap3A_515 = vector.shape_cast %get3A_510 : vector<16xf32> to vector<1x16xf32>
      tpu.vector_store %arg8[%swap3A_511, %swap3A_512], %swap3A_515 {add = true, strides = array<i32>} : memref<256x128xf32, #tpu.memory_space<vmem>>, vector<1x16xf32>,
      %add3A_516 = arith.constant 0 : i32
      %add3A_517 = arith.addi %add3A_516, %mul3A_466 : i32
      %add3A_518 = arith.constant 0 : i32
      %add3A_519 = arith.addi %add3A_517, %add3A_518 : i32
      %add3A_520 = arith.constant 0 : i32
      %add3A_521 = arith.addi %add3A_520, %mul3A_466 : i32
      %add3A_522 = arith.constant 0 : i32
      %add3A_523 = arith.addi %add3A_521, %add3A_522 : i32
      %get3A_524 = arith.index_cast %add3A_523 : i32 to index
      %get3A_525 = arith.constant 48 : index
      %get3A_526 = tpu.vector_load %arg7[%get3A_524, %get3A_525] {strides = array<i32>} : memref<64x128xf32, #tpu.memory_space<vmem>>, vector<1x16xf32>,
      %get3A_527 = vector.shape_cast %get3A_526 : vector<1x16xf32> to vector<16xf32>
      %swap3A_528 = arith.index_cast %add3A_519 : i32 to index
      %swap3A_529 = arith.constant 48 : index
      %swap3A_530 = tpu.vector_load %arg8[%swap3A_528, %swap3A_529] {strides = array<i32>} : memref<256x128xf32, #tpu.memory_space<vmem>>, vector<1x16xf32>,
      %swap3A_531 = vector.shape_cast %swap3A_530 : vector<1x16xf32> to vector<16xf32>
      %swap3A_532 = vector.shape_cast %get3A_527 : vector<16xf32> to vector<1x16xf32>
      tpu.vector_store %arg8[%swap3A_528, %swap3A_529], %swap3A_532 {add = true, strides = array<i32>} : memref<256x128xf32, #tpu.memory_space<vmem>>, vector<1x16xf32>,
      %add3A_533 = arith.constant 0 : i32
      %add3A_534 = arith.addi %add3A_533, %mul3A_466 : i32
      %add3A_535 = arith.constant 0 : i32
      %add3A_536 = arith.addi %add3A_534, %add3A_535 : i32
      %add3A_537 = arith.constant 0 : i32
      %add3A_538 = arith.addi %add3A_537, %mul3A_466 : i32
      %add3A_539 = arith.constant 0 : i32
      %add3A_540 = arith.addi %add3A_538, %add3A_539 : i32
      %get3A_541 = arith.index_cast %add3A_540 : i32 to index
      %get3A_542 = arith.constant 64 : index
      %get3A_543 = tpu.vector_load %arg7[%get3A_541, %get3A_542] {strides = array<i32>} : memref<64x128xf32, #tpu.memory_space<vmem>>, vector<1x16xf32>,
      %get3A_544 = vector.shape_cast %get3A_543 : vector<1x16xf32> to vector<16xf32>
      %swap3A_545 = arith.index_cast %add3A_536 : i32 to index
      %swap3A_546 = arith.constant 64 : index
      %swap3A_547 = tpu.vector_load %arg8[%swap3A_545, %swap3A_546] {strides = array<i32>} : memref<256x128xf32, #tpu.memory_space<vmem>>, vector<1x16xf32>,
      %swap3A_548 = vector.shape_cast %swap3A_547 : vector<1x16xf32> to vector<16xf32>
      %swap3A_549 = vector.shape_cast %get3A_544 : vector<16xf32> to vector<1x16xf32>
      tpu.vector_store %arg8[%swap3A_545, %swap3A_546], %swap3A_549 {add = true, strides = array<i32>} : memref<256x128xf32, #tpu.memory_space<vmem>>, vector<1x16xf32>,
      %add3A_550 = arith.constant 0 : i32
      %add3A_551 = arith.addi %add3A_550, %mul3A_466 : i32
      %add3A_552 = arith.constant 0 : i32
      %add3A_553 = arith.addi %add3A_551, %add3A_552 : i32
      %add3A_554 = arith.constant 0 : i32
      %add3A_555 = arith.addi %add3A_554, %mul3A_466 : i32
      %add3A_556 = arith.constant 0 : i32
      %add3A_557 = arith.addi %add3A_555, %add3A_556 : i32
      %get3A_558 = arith.index_cast %add3A_557 : i32 to index
      %get3A_559 = arith.constant 80 : index
      %get3A_560 = tpu.vector_load %arg7[%get3A_558, %get3A_559] {strides = array<i32>} : memref<64x128xf32, #tpu.memory_space<vmem>>, vector<1x16xf32>,
      %get3A_561 = vector.shape_cast %get3A_560 : vector<1x16xf32> to vector<16xf32>
      %swap3A_562 = arith.index_cast %add3A_553 : i32 to index
      %swap3A_563 = arith.constant 80 : index
      %swap3A_564 = tpu.vector_load %arg8[%swap3A_562, %swap3A_563] {strides = array<i32>} : memref<256x128xf32, #tpu.memory_space<vmem>>, vector<1x16xf32>,
      %swap3A_565 = vector.shape_cast %swap3A_564 : vector<1x16xf32> to vector<16xf32>
      %swap3A_566 = vector.shape_cast %get3A_561 : vector<16xf32> to vector<1x16xf32>
      tpu.vector_store %arg8[%swap3A_562, %swap3A_563], %swap3A_566 {add = true, strides = array<i32>} : memref<256x128xf32, #tpu.memory_space<vmem>>, vector<1x16xf32>,
      %add3A_567 = arith.constant 0 : i32
      %add3A_568 = arith.addi %add3A_567, %mul3A_466 : i32
      %add3A_569 = arith.constant 0 : i32
      %add3A_570 = arith.addi %add3A_568, %add3A_569 : i32
      %add3A_571 = arith.constant 0 : i32
      %add3A_572 = arith.addi %add3A_571, %mul3A_466 : i32
      %add3A_573 = arith.constant 0 : i32
      %add3A_574 = arith.addi %add3A_572, %add3A_573 : i32
      %get3A_575 = arith.index_cast %add3A_574 : i32 to index
      %get3A_576 = arith.constant 96 : index
      %get3A_577 = tpu.vector_load %arg7[%get3A_575, %get3A_576] {strides = array<i32>} : memref<64x128xf32, #tpu.memory_space<vmem>>, vector<1x16xf32>,
      %get3A_578 = vector.shape_cast %get3A_577 : vector<1x16xf32> to vector<16xf32>
      %swap3A_579 = arith.index_cast %add3A_570 : i32 to index
      %swap3A_580 = arith.constant 96 : index
      %swap3A_581 = tpu.vector_load %arg8[%swap3A_579, %swap3A_580] {strides = array<i32>} : memref<256x128xf32, #tpu.memory_space<vmem>>, vector<1x16xf32>,
      %swap3A_582 = vector.shape_cast %swap3A_581 : vector<1x16xf32> to vector<16xf32>
      %swap3A_583 = vector.shape_cast %get3A_578 : vector<16xf32> to vector<1x16xf32>
      tpu.vector_store %arg8[%swap3A_579, %swap3A_580], %swap3A_583 {add = true, strides = array<i32>} : memref<256x128xf32, #tpu.memory_space<vmem>>, vector<1x16xf32>,
      %add3A_584 = arith.constant 0 : i32
      %add3A_585 = arith.addi %add3A_584, %mul3A_466 : i32
      %add3A_586 = arith.constant 0 : i32
      %add3A_587 = arith.addi %add3A_585, %add3A_586 : i32
      %add3A_588 = arith.constant 0 : i32
      %add3A_589 = arith.addi %add3A_588, %mul3A_466 : i32
      %add3A_590 = arith.constant 0 : i32
      %add3A_591 = arith.addi %add3A_589, %add3A_590 : i32
      %get3A_592 = arith.index_cast %add3A_591 : i32 to index
      %get3A_593 = arith.constant 112 : index
      %get3A_594 = tpu.vector_load %arg7[%get3A_592, %get3A_593] {strides = array<i32>} : memref<64x128xf32, #tpu.memory_space<vmem>>, vector<1x16xf32>,
      %get3A_595 = vector.shape_cast %get3A_594 : vector<1x16xf32> to vector<16xf32>
      %swap3A_596 = arith.index_cast %add3A_587 : i32 to index
      %swap3A_597 = arith.constant 112 : index
      %swap3A_598 = tpu.vector_load %arg8[%swap3A_596, %swap3A_597] {strides = array<i32>} : memref<256x128xf32, #tpu.memory_space<vmem>>, vector<1x16xf32>,
      %swap3A_599 = vector.shape_cast %swap3A_598 : vector<1x16xf32> to vector<16xf32>
      %swap3A_600 = vector.shape_cast %get3A_595 : vector<16xf32> to vector<1x16xf32>
      tpu.vector_store %arg8[%swap3A_596, %swap3A_597], %swap3A_600 {add = true, strides = array<i32>} : memref<256x128xf32, #tpu.memory_space<vmem>>, vector<1x16xf32>,
      %add3A_601 = arith.constant 0 : i32
      %add3A_602 = arith.addi %add3A_601, %mul3A_466 : i32
      %add3A_603 = arith.constant 1 : i32
      %add3A_604 = arith.addi %add3A_602, %add3A_603 : i32
      %add3A_605 = arith.constant 0 : i32
      %add3A_606 = arith.addi %add3A_605, %mul3A_466 : i32
      %add3A_607 = arith.constant 1 : i32
      %add3A_608 = arith.addi %add3A_606, %add3A_607 : i32
      %get3A_609 = arith.index_cast %add3A_608 : i32 to index
      %get3A_610 = arith.constant 0 : index
      %get3A_611 = tpu.vector_load %arg7[%get3A_609, %get3A_610] {strides = array<i32>} : memref<64x128xf32, #tpu.memory_space<vmem>>, vector<1x16xf32>,
      %get3A_612 = vector.shape_cast %get3A_611 : vector<1x16xf32> to vector<16xf32>
      %swap3A_613 = arith.index_cast %add3A_604 : i32 to index
      %swap3A_614 = arith.constant 0 : index
      %swap3A_615 = tpu.vector_load %arg8[%swap3A_613, %swap3A_614] {strides = array<i32>} : memref<256x128xf32, #tpu.memory_space<vmem>>, vector<1x16xf32>,
      %swap3A_616 = vector.shape_cast %swap3A_615 : vector<1x16xf32> to vector<16xf32>
      %swap3A_617 = vector.shape_cast %get3A_612 : vector<16xf32> to vector<1x16xf32>
      tpu.vector_store %arg8[%swap3A_613, %swap3A_614], %swap3A_617 {add = true, strides = array<i32>} : memref<256x128xf32, #tpu.memory_space<vmem>>, vector<1x16xf32>,
      %add3A_618 = arith.constant 0 : i32
      %add3A_619 = arith.addi %add3A_618, %mul3A_466 : i32
      %add3A_620 = arith.constant 1 : i32
      %add3A_621 = arith.addi %add3A_619, %add3A_620 : i32
      %add3A_622 = arith.constant 0 : i32
      %add3A_623 = arith.addi %add3A_622, %mul3A_466 : i32
      %add3A_624 = arith.constant 1 : i32
      %add3A_625 = arith.addi %add3A_623, %add3A_624 : i32
      %get3A_626 = arith.index_cast %add3A_625 : i32 to index
      %get3A_627 = arith.constant 16 : index
      %get3A_628 = tpu.vector_load %arg7[%get3A_626, %get3A_627] {strides = array<i32>} : memref<64x128xf32, #tpu.memory_space<vmem>>, vector<1x16xf32>,
      %get3A_629 = vector.shape_cast %get3A_628 : vector<1x16xf32> to vector<16xf32>
      %swap3A_630 = arith.index_cast %add3A_621 : i32 to index
      %swap3A_631 = arith.constant 16 : index
      %swap3A_632 = tpu.vector_load %arg8[%swap3A_630, %swap3A_631] {strides = array<i32>} : memref<256x128xf32, #tpu.memory_space<vmem>>, vector<1x16xf32>,
      %swap3A_633 = vector.shape_cast %swap3A_632 : vector<1x16xf32> to vector<16xf32>
      %swap3A_634 = vector.shape_cast %get3A_629 : vector<16xf32> to vector<1x16xf32>
      tpu.vector_store %arg8[%swap3A_630, %swap3A_631], %swap3A_634 {add = true, strides = array<i32>} : memref<256x128xf32, #tpu.memory_space<vmem>>, vector<1x16xf32>,
      %add3A_635 = arith.constant 0 : i32
      %add3A_636 = arith.addi %add3A_635, %mul3A_466 : i32
      %add3A_637 = arith.constant 1 : i32
      %add3A_638 = arith.addi %add3A_636, %add3A_637 : i32
      %add3A_639 = arith.constant 0 : i32
      %add3A_640 = arith.addi %add3A_639, %mul3A_466 : i32
      %add3A_641 = arith.constant 1 : i32
      %add3A_642 = arith.addi %add3A_640, %add3A_641 : i32
      %get3A_643 = arith.index_cast %add3A_642 : i32 to index
      %get3A_644 = arith.constant 32 : index
      %get3A_645 = tpu.vector_load %arg7[%get3A_643, %get3A_644] {strides = array<i32>} : memref<64x128xf32, #tpu.memory_space<vmem>>, vector<1x16xf32>,
      %get3A_646 = vector.shape_cast %get3A_645 : vector<1x16xf32> to vector<16xf32>
      %swap3A_647 = arith.index_cast %add3A_638 : i32 to index
      %swap3A_648 = arith.constant 32 : index
      %swap3A_649 = tpu.vector_load %arg8[%swap3A_647, %swap3A_648] {strides = array<i32>} : memref<256x128xf32, #tpu.memory_space<vmem>>, vector<1x16xf32>,
      %swap3A_650 = vector.shape_cast %swap3A_649 : vector<1x16xf32> to vector<16xf32>
      %swap3A_651 = vector.shape_cast %get3A_646 : vector<16xf32> to vector<1x16xf32>
      tpu.vector_store %arg8[%swap3A_647, %swap3A_648], %swap3A_651 {add = true, strides = array<i32>} : memref<256x128xf32, #tpu.memory_space<vmem>>, vector<1x16xf32>,
      %add3A_652 = arith.constant 0 : i32
      %add3A_653 = arith.addi %add3A_652, %mul3A_466 : i32
      %add3A_654 = arith.constant 1 : i32
      %add3A_655 = arith.addi %add3A_653, %add3A_654 : i32
      %add3A_656 = arith.constant 0 : i32
      %add3A_657 = arith.addi %add3A_656, %mul3A_466 : i32
      %add3A_658 = arith.constant 1 : i32
      %add3A_659 = arith.addi %add3A_657, %add3A_658 : i32
      %get3A_660 = arith.index_cast %add3A_659 : i32 to index
      %get3A_661 = arith.constant 48 : index
      %get3A_662 = tpu.vector_load %arg7[%get3A_660, %get3A_661] {strides = array<i32>} : memref<64x128xf32, #tpu.memory_space<vmem>>, vector<1x16xf32>,
      %get3A_663 = vector.shape_cast %get3A_662 : vector<1x16xf32> to vector<16xf32>
      %swap3A_664 = arith.index_cast %add3A_655 : i32 to index
      %swap3A_665 = arith.constant 48 : index
      %swap3A_666 = tpu.vector_load %arg8[%swap3A_664, %swap3A_665] {strides = array<i32>} : memref<256x128xf32, #tpu.memory_space<vmem>>, vector<1x16xf32>,
      %swap3A_667 = vector.shape_cast %swap3A_666 : vector<1x16xf32> to vector<16xf32>
      %swap3A_668 = vector.shape_cast %get3A_663 : vector<16xf32> to vector<1x16xf32>
      tpu.vector_store %arg8[%swap3A_664, %swap3A_665], %swap3A_668 {add = true, strides = array<i32>} : memref<256x128xf32, #tpu.memory_space<vmem>>, vector<1x16xf32>,
      %add3A_669 = arith.constant 0 : i32
      %add3A_670 = arith.addi %add3A_669, %mul3A_466 : i32
      %add3A_671 = arith.constant 1 : i32
      %add3A_672 = arith.addi %add3A_670, %add3A_671 : i32
      %add3A_673 = arith.constant 0 : i32
      %add3A_674 = arith.addi %add3A_673, %mul3A_466 : i32
      %add3A_675 = arith.constant 1 : i32
      %add3A_676 = arith.addi %add3A_674, %add3A_675 : i32
      %get3A_677 = arith.index_cast %add3A_676 : i32 to index
      %get3A_678 = arith.constant 64 : index
      %get3A_679 = tpu.vector_load %arg7[%get3A_677, %get3A_678] {strides = array<i32>} : memref<64x128xf32, #tpu.memory_space<vmem>>, vector<1x16xf32>,
      %get3A_680 = vector.shape_cast %get3A_679 : vector<1x16xf32> to vector<16xf32>
      %swap3A_681 = arith.index_cast %add3A_672 : i32 to index
      %swap3A_682 = arith.constant 64 : index
      %swap3A_683 = tpu.vector_load %arg8[%swap3A_681, %swap3A_682] {strides = array<i32>} : memref<256x128xf32, #tpu.memory_space<vmem>>, vector<1x16xf32>,
      %swap3A_684 = vector.shape_cast %swap3A_683 : vector<1x16xf32> to vector<16xf32>
      %swap3A_685 = vector.shape_cast %get3A_680 : vector<16xf32> to vector<1x16xf32>
      tpu.vector_store %arg8[%swap3A_681, %swap3A_682], %swap3A_685 {add = true, strides = array<i32>} : memref<256x128xf32, #tpu.memory_space<vmem>>, vector<1x16xf32>,
      %add3A_686 = arith.constant 0 : i32
      %add3A_687 = arith.addi %add3A_686, %mul3A_466 : i32
      %add3A_688 = arith.constant 1 : i32
      %add3A_689 = arith.addi %add3A_687, %add3A_688 : i32
      %add3A_690 = arith.constant 0 : i32
      %add3A_691 = arith.addi %add3A_690, %mul3A_466 : i32
      %add3A_692 = arith.constant 1 : i32
      %add3A_693 = arith.addi %add3A_691, %add3A_692 : i32
      %get3A_694 = arith.index_cast %add3A_693 : i32 to index
      %get3A_695 = arith.constant 80 : index
      %get3A_696 = tpu.vector_load %arg7[%get3A_694, %get3A_695] {strides = array<i32>} : memref<64x128xf32, #tpu.memory_space<vmem>>, vector<1x16xf32>,
      %get3A_697 = vector.shape_cast %get3A_696 : vector<1x16xf32> to vector<16xf32>
      %swap3A_698 = arith.index_cast %add3A_689 : i32 to index
      %swap3A_699 = arith.constant 80 : index
      %swap3A_700 = tpu.vector_load %arg8[%swap3A_698, %swap3A_699] {strides = array<i32>} : memref<256x128xf32, #tpu.memory_space<vmem>>, vector<1x16xf32>,
      %swap3A_701 = vector.shape_cast %swap3A_700 : vector<1x16xf32> to vector<16xf32>
      %swap3A_702 = vector.shape_cast %get3A_697 : vector<16xf32> to vector<1x16xf32>
      tpu.vector_store %arg8[%swap3A_698, %swap3A_699], %swap3A_702 {add = true, strides = array<i32>} : memref<256x128xf32, #tpu.memory_space<vmem>>, vector<1x16xf32>,
      %add3A_703 = arith.constant 0 : i32
      %add3A_704 = arith.addi %add3A_703, %mul3A_466 : i32
      %add3A_705 = arith.constant 1 : i32
      %add3A_706 = arith.addi %add3A_704, %add3A_705 : i32
      %add3A_707 = arith.constant 0 : i32
      %add3A_708 = arith.addi %add3A_707, %mul3A_466 : i32
      %add3A_709 = arith.constant 1 : i32
      %add3A_710 = arith.addi %add3A_708, %add3A_709 : i32
      %get3A_711 = arith.index_cast %add3A_710 : i32 to index
      %get3A_712 = arith.constant 96 : index
      %get3A_713 = tpu.vector_load %arg7[%get3A_711, %get3A_712] {strides = array<i32>} : memref<64x128xf32, #tpu.memory_space<vmem>>, vector<1x16xf32>,
      %get3A_714 = vector.shape_cast %get3A_713 : vector<1x16xf32> to vector<16xf32>
      %swap3A_715 = arith.index_cast %add3A_706 : i32 to index
      %swap3A_716 = arith.constant 96 : index
      %swap3A_717 = tpu.vector_load %arg8[%swap3A_715, %swap3A_716] {strides = array<i32>} : memref<256x128xf32, #tpu.memory_space<vmem>>, vector<1x16xf32>,
      %swap3A_718 = vector.shape_cast %swap3A_717 : vector<1x16xf32> to vector<16xf32>
      %swap3A_719 = vector.shape_cast %get3A_714 : vector<16xf32> to vector<1x16xf32>
      tpu.vector_store %arg8[%swap3A_715, %swap3A_716], %swap3A_719 {add = true, strides = array<i32>} : memref<256x128xf32, #tpu.memory_space<vmem>>, vector<1x16xf32>,
      %add3A_720 = arith.constant 0 : i32
      %add3A_721 = arith.addi %add3A_720, %mul3A_466 : i32
      %add3A_722 = arith.constant 1 : i32
      %add3A_723 = arith.addi %add3A_721, %add3A_722 : i32
      %add3A_724 = arith.constant 0 : i32
      %add3A_725 = arith.addi %add3A_724, %mul3A_466 : i32
      %add3A_726 = arith.constant 1 : i32
      %add3A_727 = arith.addi %add3A_725, %add3A_726 : i32
      %get3A_728 = arith.index_cast %add3A_727 : i32 to index
      %get3A_729 = arith.constant 112 : index
      %get3A_730 = tpu.vector_load %arg7[%get3A_728, %get3A_729] {strides = array<i32>} : memref<64x128xf32, #tpu.memory_space<vmem>>, vector<1x16xf32>,
      %get3A_731 = vector.shape_cast %get3A_730 : vector<1x16xf32> to vector<16xf32>
      %swap3A_732 = arith.index_cast %add3A_723 : i32 to index
      %swap3A_733 = arith.constant 112 : index
      %swap3A_734 = tpu.vector_load %arg8[%swap3A_732, %swap3A_733] {strides = array<i32>} : memref<256x128xf32, #tpu.memory_space<vmem>>, vector<1x16xf32>,
      %swap3A_735 = vector.shape_cast %swap3A_734 : vector<1x16xf32> to vector<16xf32>
      %swap3A_736 = vector.shape_cast %get3A_731 : vector<16xf32> to vector<1x16xf32>
      tpu.vector_store %arg8[%swap3A_732, %swap3A_733], %swap3A_736 {add = true, strides = array<i32>} : memref<256x128xf32, #tpu.memory_space<vmem>>, vector<1x16xf32>,
    }
    %scan3A_239 = arith.constant 16 : i32
    %add3A_240 = arith.constant 0 : i32
    %add3A_241 = arith.addi %add3A_240, %mul3A_2 : i32
    %add3A_242 = arith.constant 0 : i32
    %add3A_243 = arith.addi %add3A_241, %add3A_242 : i32
    %dma_start3A_244 = arith.constant 0 : i32
    %dma_start3A_245 = arith.constant 0 : i32
    %dma_start3A_246 = tpu.memref_slice %arg8[%dma_start3A_244, %dma_start3A_245] : memref<256x128xf32, #tpu.memory_space<vmem>> -> memref<32x128xf32, #tpu.memory_space<vmem>>
    %dma_start3A_247 = arith.constant 0 : i32
    %dma_start3A_248 = tpu.memref_slice %arg5[%add3A_243, %dma_start3A_247] : memref<8192x128xf32, #tpu.memory_space<hbm>> -> memref<32x128xf32, #tpu.memory_space<hbm>>
    %dma_start3A_249 = arith.constant 0 : i32
    %dma_start3A_250 = tpu.memref_slice %arg5[%add3A_243, %dma_start3A_249] : memref<8192x128xf32, #tpu.memory_space<hbm>> -> memref<32x128xf32, #tpu.memory_space<hbm>>
    %dma_start3A_251 = arith.constant 0 : i32
    %dma_start3A_252 = arith.constant 0 : i32
    %dma_start3A_253 = tpu.memref_slice %arg8[%dma_start3A_251, %dma_start3A_252] : memref<256x128xf32, #tpu.memory_space<vmem>> -> memref<32x128xf32, #tpu.memory_space<vmem>>
    tpu.enqueue_dma source(%dma_start3A_253 : memref<32x128xf32, #tpu.memory_space<vmem>>) target(%dma_start3A_250 : memref<32x128xf32, #tpu.memory_space<hbm>>) target_semaphore(%arg16 : memref<!tpu.dma_semaphore, #tpu.memory_space<semaphore_mem>>)
    %dma_wait3A_254 = arith.constant 1 : i32
    %dma_wait3A_255 = arith.constant 32 : i32
    %dma_wait3A_256 = arith.constant 0 : i32
    %dma_wait3A_257 = tpu.memref_slice %arg8[%dma_wait3A_255, %dma_wait3A_256] : memref<256x128xf32, #tpu.memory_space<vmem>> -> memref<32x128xf32, #tpu.memory_space<vmem>>
    %dma_wait3A_258 = arith.constant 0 : i32
    %dma_wait3A_259 = tpu.memref_slice %arg6[%dma_wait3A_254, %dma_wait3A_258] : memref<6x64xi32, #tpu.memory_space<vmem>> -> memref<1x32xi32, #tpu.memory_space<vmem>>
    %dma_wait3A_260 = tpu.memref_squeeze %dma_wait3A_259 : memref<1x32xi32, #tpu.memory_space<vmem>> -> memref<32xi32, #tpu.memory_space<vmem>>
    %dma_wait3A_261 = arith.constant 0 : i32
    %dma_wait3A_262 = arith.constant 0 : i32
    %dma_wait3A_263 = tpu.memref_slice %arg3[%dma_wait3A_261, %dma_wait3A_262] : memref<100000x128xf32, #tpu.memory_space<hbm>> -> memref<100000x128xf32, #tpu.memory_space<hbm>>
    tpu.wait_indirect_dma semaphore(%arg10 : memref<!tpu.dma_semaphore, #tpu.memory_space<semaphore_mem>>) src(%dma_wait3A_263 : memref<100000x128xf32, #tpu.memory_space<hbm>>) dst(%dma_wait3A_257 : memref<32x128xf32, #tpu.memory_space<vmem>>)
    %scan3A_264 = arith.constant 0 : i32
    %scan3A_265 = arith.constant 0 : i32
    %scan3A_266 = arith.constant 16 : i32
    %scan3A_267 = arith.addi %scan3A_265, %scan3A_266 : i32
    %scan3A_268 = arith.constant 1 : i32
    scf.for %scan3A_464 = %scan3A_265 to %scan3A_267 step %scan3A_268  : i32 {
      %mul3A_465 = arith.constant 2 : i32
      %mul3A_466 = arith.muli %scan3A_464, %mul3A_465 : i32
      %add3A_467 = arith.constant 32 : i32
      %add3A_468 = arith.addi %add3A_467, %mul3A_466 : i32
      %add3A_469 = arith.constant 0 : i32
      %add3A_470 = arith.addi %add3A_468, %add3A_469 : i32
      %add3A_471 = arith.constant 32 : i32
      %add3A_472 = arith.addi %add3A_471, %mul3A_466 : i32
      %add3A_473 = arith.constant 0 : i32
      %add3A_474 = arith.addi %add3A_472, %add3A_473 : i32
      %get3A = arith.index_cast %add3A_474 : i32 to index
      %get3A_475 = arith.constant 0 : index
      %get3A_476 = tpu.vector_load %arg7[%get3A, %get3A_475] {strides = array<i32>} : memref<64x128xf32, #tpu.memory_space<vmem>>, vector<1x16xf32>,
      %get3A_477 = vector.shape_cast %get3A_476 : vector<1x16xf32> to vector<16xf32>
      %swap3A = arith.index_cast %add3A_470 : i32 to index
      %swap3A_478 = arith.constant 0 : index
      %swap3A_479 = tpu.vector_load %arg8[%swap3A, %swap3A_478] {strides = array<i32>} : memref<256x128xf32, #tpu.memory_space<vmem>>, vector<1x16xf32>,
      %swap3A_480 = vector.shape_cast %swap3A_479 : vector<1x16xf32> to vector<16xf32>
      %swap3A_481 = vector.shape_cast %get3A_477 : vector<16xf32> to vector<1x16xf32>
      tpu.vector_store %arg8[%swap3A, %swap3A_478], %swap3A_481 {add = true, strides = array<i32>} : memref<256x128xf32, #tpu.memory_space<vmem>>, vector<1x16xf32>,
      %add3A_482 = arith.constant 32 : i32
      %add3A_483 = arith.addi %add3A_482, %mul3A_466 : i32
      %add3A_484 = arith.constant 0 : i32
      %add3A_485 = arith.addi %add3A_483, %add3A_484 : i32
      %add3A_486 = arith.constant 32 : i32
      %add3A_487 = arith.addi %add3A_486, %mul3A_466 : i32
      %add3A_488 = arith.constant 0 : i32
      %add3A_489 = arith.addi %add3A_487, %add3A_488 : i32
      %get3A_490 = arith.index_cast %add3A_489 : i32 to index
      %get3A_491 = arith.constant 16 : index
      %get3A_492 = tpu.vector_load %arg7[%get3A_490, %get3A_491] {strides = array<i32>} : memref<64x128xf32, #tpu.memory_space<vmem>>, vector<1x16xf32>,
      %get3A_493 = vector.shape_cast %get3A_492 : vector<1x16xf32> to vector<16xf32>
      %swap3A_494 = arith.index_cast %add3A_485 : i32 to index
      %swap3A_495 = arith.constant 16 : index
      %swap3A_496 = tpu.vector_load %arg8[%swap3A_494, %swap3A_495] {strides = array<i32>} : memref<256x128xf32, #tpu.memory_space<vmem>>, vector<1x16xf32>,
      %swap3A_497 = vector.shape_cast %swap3A_496 : vector<1x16xf32> to vector<16xf32>
      %swap3A_498 = vector.shape_cast %get3A_493 : vector<16xf32> to vector<1x16xf32>
      tpu.vector_store %arg8[%swap3A_494, %swap3A_495], %swap3A_498 {add = true, strides = array<i32>} : memref<256x128xf32, #tpu.memory_space<vmem>>, vector<1x16xf32>,
      %add3A_499 = arith.constant 32 : i32
      %add3A_500 = arith.addi %add3A_499, %mul3A_466 : i32
      %add3A_501 = arith.constant 0 : i32
      %add3A_502 = arith.addi %add3A_500, %add3A_501 : i32
      %add3A_503 = arith.constant 32 : i32
      %add3A_504 = arith.addi %add3A_503, %mul3A_466 : i32
      %add3A_505 = arith.constant 0 : i32
      %add3A_506 = arith.addi %add3A_504, %add3A_505 : i32
      %get3A_507 = arith.index_cast %add3A_506 : i32 to index
      %get3A_508 = arith.constant 32 : index
      %get3A_509 = tpu.vector_load %arg7[%get3A_507, %get3A_508] {strides = array<i32>} : memref<64x128xf32, #tpu.memory_space<vmem>>, vector<1x16xf32>,
      %get3A_510 = vector.shape_cast %get3A_509 : vector<1x16xf32> to vector<16xf32>
      %swap3A_511 = arith.index_cast %add3A_502 : i32 to index
      %swap3A_512 = arith.constant 32 : index
      %swap3A_513 = tpu.vector_load %arg8[%swap3A_511, %swap3A_512] {strides = array<i32>} : memref<256x128xf32, #tpu.memory_space<vmem>>, vector<1x16xf32>,
      %swap3A_514 = vector.shape_cast %swap3A_513 : vector<1x16xf32> to vector<16xf32>
      %swap3A_515 = vector.shape_cast %get3A_510 : vector<16xf32> to vector<1x16xf32>
      tpu.vector_store %arg8[%swap3A_511, %swap3A_512], %swap3A_515 {add = true, strides = array<i32>} : memref<256x128xf32, #tpu.memory_space<vmem>>, vector<1x16xf32>,
      %add3A_516 = arith.constant 32 : i32
      %add3A_517 = arith.addi %add3A_516, %mul3A_466 : i32
      %add3A_518 = arith.constant 0 : i32
      %add3A_519 = arith.addi %add3A_517, %add3A_518 : i32
      %add3A_520 = arith.constant 32 : i32
      %add3A_521 = arith.addi %add3A_520, %mul3A_466 : i32
      %add3A_522 = arith.constant 0 : i32
      %add3A_523 = arith.addi %add3A_521, %add3A_522 : i32
      %get3A_524 = arith.index_cast %add3A_523 : i32 to index
      %get3A_525 = arith.constant 48 : index
      %get3A_526 = tpu.vector_load %arg7[%get3A_524, %get3A_525] {strides = array<i32>} : memref<64x128xf32, #tpu.memory_space<vmem>>, vector<1x16xf32>,
      %get3A_527 = vector.shape_cast %get3A_526 : vector<1x16xf32> to vector<16xf32>
      %swap3A_528 = arith.index_cast %add3A_519 : i32 to index
      %swap3A_529 = arith.constant 48 : index
      %swap3A_530 = tpu.vector_load %arg8[%swap3A_528, %swap3A_529] {strides = array<i32>} : memref<256x128xf32, #tpu.memory_space<vmem>>, vector<1x16xf32>,
      %swap3A_531 = vector.shape_cast %swap3A_530 : vector<1x16xf32> to vector<16xf32>
      %swap3A_532 = vector.shape_cast %get3A_527 : vector<16xf32> to vector<1x16xf32>
      tpu.vector_store %arg8[%swap3A_528, %swap3A_529], %swap3A_532 {add = true, strides = array<i32>} : memref<256x128xf32, #tpu.memory_space<vmem>>, vector<1x16xf32>,
      %add3A_533 = arith.constant 32 : i32
      %add3A_534 = arith.addi %add3A_533, %mul3A_466 : i32
      %add3A_535 = arith.constant 0 : i32
      %add3A_536 = arith.addi %add3A_534, %add3A_535 : i32
      %add3A_537 = arith.constant 32 : i32
      %add3A_538 = arith.addi %add3A_537, %mul3A_466 : i32
      %add3A_539 = arith.constant 0 : i32
      %add3A_540 = arith.addi %add3A_538, %add3A_539 : i32
      %get3A_541 = arith.index_cast %add3A_540 : i32 to index
      %get3A_542 = arith.constant 64 : index
      %get3A_543 = tpu.vector_load %arg7[%get3A_541, %get3A_542] {strides = array<i32>} : memref<64x128xf32, #tpu.memory_space<vmem>>, vector<1x16xf32>,
      %get3A_544 = vector.shape_cast %get3A_543 : vector<1x16xf32> to vector<16xf32>
      %swap3A_545 = arith.index_cast %add3A_536 : i32 to index
      %swap3A_546 = arith.constant 64 : index
      %swap3A_547 = tpu.vector_load %arg8[%swap3A_545, %swap3A_546] {strides = array<i32>} : memref<256x128xf32, #tpu.memory_space<vmem>>, vector<1x16xf32>,
      %swap3A_548 = vector.shape_cast %swap3A_547 : vector<1x16xf32> to vector<16xf32>
      %swap3A_549 = vector.shape_cast %get3A_544 : vector<16xf32> to vector<1x16xf32>
      tpu.vector_store %arg8[%swap3A_545, %swap3A_546], %swap3A_549 {add = true, strides = array<i32>} : memref<256x128xf32, #tpu.memory_space<vmem>>, vector<1x16xf32>,
      %add3A_550 = arith.constant 32 : i32
      %add3A_551 = arith.addi %add3A_550, %mul3A_466 : i32
      %add3A_552 = arith.constant 0 : i32
      %add3A_553 = arith.addi %add3A_551, %add3A_552 : i32
      %add3A_554 = arith.constant 32 : i32
      %add3A_555 = arith.addi %add3A_554, %mul3A_466 : i32
      %add3A_556 = arith.constant 0 : i32
      %add3A_557 = arith.addi %add3A_555, %add3A_556 : i32
      %get3A_558 = arith.index_cast %add3A_557 : i32 to index
      %get3A_559 = arith.constant 80 : index
      %get3A_560 = tpu.vector_load %arg7[%get3A_558, %get3A_559] {strides = array<i32>} : memref<64x128xf32, #tpu.memory_space<vmem>>, vector<1x16xf32>,
      %get3A_561 = vector.shape_cast %get3A_560 : vector<1x16xf32> to vector<16xf32>
      %swap3A_562 = arith.index_cast %add3A_553 : i32 to index
      %swap3A_563 = arith.constant 80 : index
      %swap3A_564 = tpu.vector_load %arg8[%swap3A_562, %swap3A_563] {strides = array<i32>} : memref<256x128xf32, #tpu.memory_space<vmem>>, vector<1x16xf32>,
      %swap3A_565 = vector.shape_cast %swap3A_564 : vector<1x16xf32> to vector<16xf32>
      %swap3A_566 = vector.shape_cast %get3A_561 : vector<16xf32> to vector<1x16xf32>
      tpu.vector_store %arg8[%swap3A_562, %swap3A_563], %swap3A_566 {add = true, strides = array<i32>} : memref<256x128xf32, #tpu.memory_space<vmem>>, vector<1x16xf32>,
      %add3A_567 = arith.constant 32 : i32
      %add3A_568 = arith.addi %add3A_567, %mul3A_466 : i32
      %add3A_569 = arith.constant 0 : i32
      %add3A_570 = arith.addi %add3A_568, %add3A_569 : i32
      %add3A_571 = arith.constant 32 : i32
      %add3A_572 = arith.addi %add3A_571, %mul3A_466 : i32
      %add3A_573 = arith.constant 0 : i32
      %add3A_574 = arith.addi %add3A_572, %add3A_573 : i32
      %get3A_575 = arith.index_cast %add3A_574 : i32 to index
      %get3A_576 = arith.constant 96 : index
      %get3A_577 = tpu.vector_load %arg7[%get3A_575, %get3A_576] {strides = array<i32>} : memref<64x128xf32, #tpu.memory_space<vmem>>, vector<1x16xf32>,
      %get3A_578 = vector.shape_cast %get3A_577 : vector<1x16xf32> to vector<16xf32>
      %swap3A_579 = arith.index_cast %add3A_570 : i32 to index
      %swap3A_580 = arith.constant 96 : index
      %swap3A_581 = tpu.vector_load %arg8[%swap3A_579, %swap3A_580] {strides = array<i32>} : memref<256x128xf32, #tpu.memory_space<vmem>>, vector<1x16xf32>,
      %swap3A_582 = vector.shape_cast %swap3A_581 : vector<1x16xf32> to vector<16xf32>
      %swap3A_583 = vector.shape_cast %get3A_578 : vector<16xf32> to vector<1x16xf32>
      tpu.vector_store %arg8[%swap3A_579, %swap3A_580], %swap3A_583 {add = true, strides = array<i32>} : memref<256x128xf32, #tpu.memory_space<vmem>>, vector<1x16xf32>,
      %add3A_584 = arith.constant 32 : i32
      %add3A_585 = arith.addi %add3A_584, %mul3A_466 : i32
      %add3A_586 = arith.constant 0 : i32
      %add3A_587 = arith.addi %add3A_585, %add3A_586 : i32
      %add3A_588 = arith.constant 32 : i32
      %add3A_589 = arith.addi %add3A_588, %mul3A_466 : i32
      %add3A_590 = arith.constant 0 : i32
      %add3A_591 = arith.addi %add3A_589, %add3A_590 : i32
      %get3A_592 = arith.index_cast %add3A_591 : i32 to index
      %get3A_593 = arith.constant 112 : index
      %get3A_594 = tpu.vector_load %arg7[%get3A_592, %get3A_593] {strides = array<i32>} : memref<64x128xf32, #tpu.memory_space<vmem>>, vector<1x16xf32>,
      %get3A_595 = vector.shape_cast %get3A_594 : vector<1x16xf32> to vector<16xf32>
      %swap3A_596 = arith.index_cast %add3A_587 : i32 to index
      %swap3A_597 = arith.constant 112 : index
      %swap3A_598 = tpu.vector_load %arg8[%swap3A_596, %swap3A_597] {strides = array<i32>} : memref<256x128xf32, #tpu.memory_space<vmem>>, vector<1x16xf32>,
      %swap3A_599 = vector.shape_cast %swap3A_598 : vector<1x16xf32> to vector<16xf32>
      %swap3A_600 = vector.shape_cast %get3A_595 : vector<16xf32> to vector<1x16xf32>
      tpu.vector_store %arg8[%swap3A_596, %swap3A_597], %swap3A_600 {add = true, strides = array<i32>} : memref<256x128xf32, #tpu.memory_space<vmem>>, vector<1x16xf32>,
      %add3A_601 = arith.constant 32 : i32
      %add3A_602 = arith.addi %add3A_601, %mul3A_466 : i32
      %add3A_603 = arith.constant 1 : i32
      %add3A_604 = arith.addi %add3A_602, %add3A_603 : i32
      %add3A_605 = arith.constant 32 : i32
      %add3A_606 = arith.addi %add3A_605, %mul3A_466 : i32
      %add3A_607 = arith.constant 1 : i32
      %add3A_608 = arith.addi %add3A_606, %add3A_607 : i32
      %get3A_609 = arith.index_cast %add3A_608 : i32 to index
      %get3A_610 = arith.constant 0 : index
      %get3A_611 = tpu.vector_load %arg7[%get3A_609, %get3A_610] {strides = array<i32>} : memref<64x128xf32, #tpu.memory_space<vmem>>, vector<1x16xf32>,
      %get3A_612 = vector.shape_cast %get3A_611 : vector<1x16xf32> to vector<16xf32>
      %swap3A_613 = arith.index_cast %add3A_604 : i32 to index
      %swap3A_614 = arith.constant 0 : index
      %swap3A_615 = tpu.vector_load %arg8[%swap3A_613, %swap3A_614] {strides = array<i32>} : memref<256x128xf32, #tpu.memory_space<vmem>>, vector<1x16xf32>,
      %swap3A_616 = vector.shape_cast %swap3A_615 : vector<1x16xf32> to vector<16xf32>
      %swap3A_617 = vector.shape_cast %get3A_612 : vector<16xf32> to vector<1x16xf32>
      tpu.vector_store %arg8[%swap3A_613, %swap3A_614], %swap3A_617 {add = true, strides = array<i32>} : memref<256x128xf32, #tpu.memory_space<vmem>>, vector<1x16xf32>,
      %add3A_618 = arith.constant 32 : i32
      %add3A_619 = arith.addi %add3A_618, %mul3A_466 : i32
      %add3A_620 = arith.constant 1 : i32
      %add3A_621 = arith.addi %add3A_619, %add3A_620 : i32
      %add3A_622 = arith.constant 32 : i32
      %add3A_623 = arith.addi %add3A_622, %mul3A_466 : i32
      %add3A_624 = arith.constant 1 : i32
      %add3A_625 = arith.addi %add3A_623, %add3A_624 : i32
      %get3A_626 = arith.index_cast %add3A_625 : i32 to index
      %get3A_627 = arith.constant 16 : index
      %get3A_628 = tpu.vector_load %arg7[%get3A_626, %get3A_627] {strides = array<i32>} : memref<64x128xf32, #tpu.memory_space<vmem>>, vector<1x16xf32>,
      %get3A_629 = vector.shape_cast %get3A_628 : vector<1x16xf32> to vector<16xf32>
      %swap3A_630 = arith.index_cast %add3A_621 : i32 to index
      %swap3A_631 = arith.constant 16 : index
      %swap3A_632 = tpu.vector_load %arg8[%swap3A_630, %swap3A_631] {strides = array<i32>} : memref<256x128xf32, #tpu.memory_space<vmem>>, vector<1x16xf32>,
      %swap3A_633 = vector.shape_cast %swap3A_632 : vector<1x16xf32> to vector<16xf32>
      %swap3A_634 = vector.shape_cast %get3A_629 : vector<16xf32> to vector<1x16xf32>
      tpu.vector_store %arg8[%swap3A_630, %swap3A_631], %swap3A_634 {add = true, strides = array<i32>} : memref<256x128xf32, #tpu.memory_space<vmem>>, vector<1x16xf32>,
      %add3A_635 = arith.constant 32 : i32
      %add3A_636 = arith.addi %add3A_635, %mul3A_466 : i32
      %add3A_637 = arith.constant 1 : i32
      %add3A_638 = arith.addi %add3A_636, %add3A_637 : i32
      %add3A_639 = arith.constant 32 : i32
      %add3A_640 = arith.addi %add3A_639, %mul3A_466 : i32
      %add3A_641 = arith.constant 1 : i32
      %add3A_642 = arith.addi %add3A_640, %add3A_641 : i32
      %get3A_643 = arith.index_cast %add3A_642 : i32 to index
      %get3A_644 = arith.constant 32 : index
      %get3A_645 = tpu.vector_load %arg7[%get3A_643, %get3A_644] {strides = array<i32>} : memref<64x128xf32, #tpu.memory_space<vmem>>, vector<1x16xf32>,
      %get3A_646 = vector.shape_cast %get3A_645 : vector<1x16xf32> to vector<16xf32>
      %swap3A_647 = arith.index_cast %add3A_638 : i32 to index
      %swap3A_648 = arith.constant 32 : index
      %swap3A_649 = tpu.vector_load %arg8[%swap3A_647, %swap3A_648] {strides = array<i32>} : memref<256x128xf32, #tpu.memory_space<vmem>>, vector<1x16xf32>,
      %swap3A_650 = vector.shape_cast %swap3A_649 : vector<1x16xf32> to vector<16xf32>
      %swap3A_651 = vector.shape_cast %get3A_646 : vector<16xf32> to vector<1x16xf32>
      tpu.vector_store %arg8[%swap3A_647, %swap3A_648], %swap3A_651 {add = true, strides = array<i32>} : memref<256x128xf32, #tpu.memory_space<vmem>>, vector<1x16xf32>,
      %add3A_652 = arith.constant 32 : i32
      %add3A_653 = arith.addi %add3A_652, %mul3A_466 : i32
      %add3A_654 = arith.constant 1 : i32
      %add3A_655 = arith.addi %add3A_653, %add3A_654 : i32
      %add3A_656 = arith.constant 32 : i32
      %add3A_657 = arith.addi %add3A_656, %mul3A_466 : i32
      %add3A_658 = arith.constant 1 : i32
      %add3A_659 = arith.addi %add3A_657, %add3A_658 : i32
      %get3A_660 = arith.index_cast %add3A_659 : i32 to index
      %get3A_661 = arith.constant 48 : index
      %get3A_662 = tpu.vector_load %arg7[%get3A_660, %get3A_661] {strides = array<i32>} : memref<64x128xf32, #tpu.memory_space<vmem>>, vector<1x16xf32>,
      %get3A_663 = vector.shape_cast %get3A_662 : vector<1x16xf32> to vector<16xf32>
      %swap3A_664 = arith.index_cast %add3A_655 : i32 to index
      %swap3A_665 = arith.constant 48 : index
      %swap3A_666 = tpu.vector_load %arg8[%swap3A_664, %swap3A_665] {strides = array<i32>} : memref<256x128xf32, #tpu.memory_space<vmem>>, vector<1x16xf32>,
      %swap3A_667 = vector.shape_cast %swap3A_666 : vector<1x16xf32> to vector<16xf32>
      %swap3A_668 = vector.shape_cast %get3A_663 : vector<16xf32> to vector<1x16xf32>
      tpu.vector_store %arg8[%swap3A_664, %swap3A_665], %swap3A_668 {add = true, strides = array<i32>} : memref<256x128xf32, #tpu.memory_space<vmem>>, vector<1x16xf32>,
      %add3A_669 = arith.constant 32 : i32
      %add3A_670 = arith.addi %add3A_669, %mul3A_466 : i32
      %add3A_671 = arith.constant 1 : i32
      %add3A_672 = arith.addi %add3A_670, %add3A_671 : i32
      %add3A_673 = arith.constant 32 : i32
      %add3A_674 = arith.addi %add3A_673, %mul3A_466 : i32
      %add3A_675 = arith.constant 1 : i32
      %add3A_676 = arith.addi %add3A_674, %add3A_675 : i32
      %get3A_677 = arith.index_cast %add3A_676 : i32 to index
      %get3A_678 = arith.constant 64 : index
      %get3A_679 = tpu.vector_load %arg7[%get3A_677, %get3A_678] {strides = array<i32>} : memref<64x128xf32, #tpu.memory_space<vmem>>, vector<1x16xf32>,
      %get3A_680 = vector.shape_cast %get3A_679 : vector<1x16xf32> to vector<16xf32>
      %swap3A_681 = arith.index_cast %add3A_672 : i32 to index
      %swap3A_682 = arith.constant 64 : index
      %swap3A_683 = tpu.vector_load %arg8[%swap3A_681, %swap3A_682] {strides = array<i32>} : memref<256x128xf32, #tpu.memory_space<vmem>>, vector<1x16xf32>,
      %swap3A_684 = vector.shape_cast %swap3A_683 : vector<1x16xf32> to vector<16xf32>
      %swap3A_685 = vector.shape_cast %get3A_680 : vector<16xf32> to vector<1x16xf32>
      tpu.vector_store %arg8[%swap3A_681, %swap3A_682], %swap3A_685 {add = true, strides = array<i32>} : memref<256x128xf32, #tpu.memory_space<vmem>>, vector<1x16xf32>,
      %add3A_686 = arith.constant 32 : i32
      %add3A_687 = arith.addi %add3A_686, %mul3A_466 : i32
      %add3A_688 = arith.constant 1 : i32
      %add3A_689 = arith.addi %add3A_687, %add3A_688 : i32
      %add3A_690 = arith.constant 32 : i32
      %add3A_691 = arith.addi %add3A_690, %mul3A_466 : i32
      %add3A_692 = arith.constant 1 : i32
      %add3A_693 = arith.addi %add3A_691, %add3A_692 : i32
      %get3A_694 = arith.index_cast %add3A_693 : i32 to index
      %get3A_695 = arith.constant 80 : index
      %get3A_696 = tpu.vector_load %arg7[%get3A_694, %get3A_695] {strides = array<i32>} : memref<64x128xf32, #tpu.memory_space<vmem>>, vector<1x16xf32>,
      %get3A_697 = vector.shape_cast %get3A_696 : vector<1x16xf32> to vector<16xf32>
      %swap3A_698 = arith.index_cast %add3A_689 : i32 to index
      %swap3A_699 = arith.constant 80 : index
      %swap3A_700 = tpu.vector_load %arg8[%swap3A_698, %swap3A_699] {strides = array<i32>} : memref<256x128xf32, #tpu.memory_space<vmem>>, vector<1x16xf32>,
      %swap3A_701 = vector.shape_cast %swap3A_700 : vector<1x16xf32> to vector<16xf32>
      %swap3A_702 = vector.shape_cast %get3A_697 : vector<16xf32> to vector<1x16xf32>
      tpu.vector_store %arg8[%swap3A_698, %swap3A_699], %swap3A_702 {add = true, strides = array<i32>} : memref<256x128xf32, #tpu.memory_space<vmem>>, vector<1x16xf32>,
      %add3A_703 = arith.constant 32 : i32
      %add3A_704 = arith.addi %add3A_703, %mul3A_466 : i32
      %add3A_705 = arith.constant 1 : i32
      %add3A_706 = arith.addi %add3A_704, %add3A_705 : i32
      %add3A_707 = arith.constant 32 : i32
      %add3A_708 = arith.addi %add3A_707, %mul3A_466 : i32
      %add3A_709 = arith.constant 1 : i32
      %add3A_710 = arith.addi %add3A_708, %add3A_709 : i32
      %get3A_711 = arith.index_cast %add3A_710 : i32 to index
      %get3A_712 = arith.constant 96 : index
      %get3A_713 = tpu.vector_load %arg7[%get3A_711, %get3A_712] {strides = array<i32>} : memref<64x128xf32, #tpu.memory_space<vmem>>, vector<1x16xf32>,
      %get3A_714 = vector.shape_cast %get3A_713 : vector<1x16xf32> to vector<16xf32>
      %swap3A_715 = arith.index_cast %add3A_706 : i32 to index
      %swap3A_716 = arith.constant 96 : index
      %swap3A_717 = tpu.vector_load %arg8[%swap3A_715, %swap3A_716] {strides = array<i32>} : memref<256x128xf32, #tpu.memory_space<vmem>>, vector<1x16xf32>,
      %swap3A_718 = vector.shape_cast %swap3A_717 : vector<1x16xf32> to vector<16xf32>
      %swap3A_719 = vector.shape_cast %get3A_714 : vector<16xf32> to vector<1x16xf32>
      tpu.vector_store %arg8[%swap3A_715, %swap3A_716], %swap3A_719 {add = true, strides = array<i32>} : memref<256x128xf32, #tpu.memory_space<vmem>>, vector<1x16xf32>,
      %add3A_720 = arith.constant 32 : i32
      %add3A_721 = arith.addi %add3A_720, %mul3A_466 : i32
      %add3A_722 = arith.constant 1 : i32
      %add3A_723 = arith.addi %add3A_721, %add3A_722 : i32
      %add3A_724 = arith.constant 32 : i32
      %add3A_725 = arith.addi %add3A_724, %mul3A_466 : i32
      %add3A_726 = arith.constant 1 : i32
      %add3A_727 = arith.addi %add3A_725, %add3A_726 : i32
      %get3A_728 = arith.index_cast %add3A_727 : i32 to index
      %get3A_729 = arith.constant 112 : index
      %get3A_730 = tpu.vector_load %arg7[%get3A_728, %get3A_729] {strides = array<i32>} : memref<64x128xf32, #tpu.memory_space<vmem>>, vector<1x16xf32>,
      %get3A_731 = vector.shape_cast %get3A_730 : vector<1x16xf32> to vector<16xf32>
      %swap3A_732 = arith.index_cast %add3A_723 : i32 to index
      %swap3A_733 = arith.constant 112 : index
      %swap3A_734 = tpu.vector_load %arg8[%swap3A_732, %swap3A_733] {strides = array<i32>} : memref<256x128xf32, #tpu.memory_space<vmem>>, vector<1x16xf32>,
      %swap3A_735 = vector.shape_cast %swap3A_734 : vector<1x16xf32> to vector<16xf32>
      %swap3A_736 = vector.shape_cast %get3A_731 : vector<16xf32> to vector<1x16xf32>
      tpu.vector_store %arg8[%swap3A_732, %swap3A_733], %swap3A_736 {add = true, strides = array<i32>} : memref<256x128xf32, #tpu.memory_space<vmem>>, vector<1x16xf32>,
    }
    %scan3A_269 = arith.constant 16 : i32
    %add3A_270 = arith.constant 0 : i32
    %add3A_271 = arith.addi %add3A_270, %mul3A_2 : i32
    %add3A_272 = arith.constant 32 : i32
    %add3A_273 = arith.addi %add3A_271, %add3A_272 : i32
    %dma_start3A_274 = arith.constant 32 : i32
    %dma_start3A_275 = arith.constant 0 : i32
    %dma_start3A_276 = tpu.memref_slice %arg8[%dma_start3A_274, %dma_start3A_275] : memref<256x128xf32, #tpu.memory_space<vmem>> -> memref<32x128xf32, #tpu.memory_space<vmem>>
    %dma_start3A_277 = arith.constant 0 : i32
    %dma_start3A_278 = tpu.memref_slice %arg5[%add3A_273, %dma_start3A_277] : memref<8192x128xf32, #tpu.memory_space<hbm>> -> memref<32x128xf32, #tpu.memory_space<hbm>>
    %dma_start3A_279 = arith.constant 0 : i32
    %dma_start3A_280 = tpu.memref_slice %arg5[%add3A_273, %dma_start3A_279] : memref<8192x128xf32, #tpu.memory_space<hbm>> -> memref<32x128xf32, #tpu.memory_space<hbm>>
    %dma_start3A_281 = arith.constant 32 : i32
    %dma_start3A_282 = arith.constant 0 : i32
    %dma_start3A_283 = tpu.memref_slice %arg8[%dma_start3A_281, %dma_start3A_282] : memref<256x128xf32, #tpu.memory_space<vmem>> -> memref<32x128xf32, #tpu.memory_space<vmem>>
    tpu.enqueue_dma source(%dma_start3A_283 : memref<32x128xf32, #tpu.memory_space<vmem>>) target(%dma_start3A_280 : memref<32x128xf32, #tpu.memory_space<hbm>>) target_semaphore(%arg16 : memref<!tpu.dma_semaphore, #tpu.memory_space<semaphore_mem>>)
    %dma_wait3A_284 = arith.constant 2 : i32
    %dma_wait3A_285 = arith.constant 64 : i32
    %dma_wait3A_286 = arith.constant 0 : i32
    %dma_wait3A_287 = tpu.memref_slice %arg8[%dma_wait3A_285, %dma_wait3A_286] : memref<256x128xf32, #tpu.memory_space<vmem>> -> memref<64x128xf32, #tpu.memory_space<vmem>>
    %dma_wait3A_288 = arith.constant 0 : i32
    %dma_wait3A_289 = tpu.memref_slice %arg6[%dma_wait3A_284, %dma_wait3A_288] : memref<6x64xi32, #tpu.memory_space<vmem>> -> memref<1x64xi32, #tpu.memory_space<vmem>>
    %dma_wait3A_290 = tpu.memref_squeeze %dma_wait3A_289 : memref<1x64xi32, #tpu.memory_space<vmem>> -> memref<64xi32, #tpu.memory_space<vmem>>
    %dma_wait3A_291 = arith.constant 0 : i32
    %dma_wait3A_292 = arith.constant 0 : i32
    %dma_wait3A_293 = tpu.memref_slice %arg3[%dma_wait3A_291, %dma_wait3A_292] : memref<100000x128xf32, #tpu.memory_space<hbm>> -> memref<100000x128xf32, #tpu.memory_space<hbm>>
    tpu.wait_indirect_dma semaphore(%arg11 : memref<!tpu.dma_semaphore, #tpu.memory_space<semaphore_mem>>) src(%dma_wait3A_293 : memref<100000x128xf32, #tpu.memory_space<hbm>>) dst(%dma_wait3A_287 : memref<64x128xf32, #tpu.memory_space<vmem>>)
    %scan3A_294 = arith.constant 0 : i32
    %scan3A_295 = arith.constant 0 : i32
    %scan3A_296 = arith.constant 32 : i32
    %scan3A_297 = arith.addi %scan3A_295, %scan3A_296 : i32
    %scan3A_298 = arith.constant 1 : i32
    scf.for %scan3A_464 = %scan3A_295 to %scan3A_297 step %scan3A_298  : i32 {
      %mul3A_465 = arith.constant 2 : i32
      %mul3A_466 = arith.muli %scan3A_464, %mul3A_465 : i32
      %add3A_467 = arith.constant 64 : i32
      %add3A_468 = arith.addi %add3A_467, %mul3A_466 : i32
      %add3A_469 = arith.constant 0 : i32
      %add3A_470 = arith.addi %add3A_468, %add3A_469 : i32
      %add3A_471 = arith.constant 0 : i32
      %add3A_472 = arith.addi %add3A_471, %mul3A_466 : i32
      %add3A_473 = arith.constant 0 : i32
      %add3A_474 = arith.addi %add3A_472, %add3A_473 : i32
      %get3A = arith.index_cast %add3A_474 : i32 to index
      %get3A_475 = arith.constant 0 : index
      %get3A_476 = tpu.vector_load %arg7[%get3A, %get3A_475] {strides = array<i32>} : memref<64x128xf32, #tpu.memory_space<vmem>>, vector<1x16xf32>,
      %get3A_477 = vector.shape_cast %get3A_476 : vector<1x16xf32> to vector<16xf32>
      %swap3A = arith.index_cast %add3A_470 : i32 to index
      %swap3A_478 = arith.constant 0 : index
      %swap3A_479 = tpu.vector_load %arg8[%swap3A, %swap3A_478] {strides = array<i32>} : memref<256x128xf32, #tpu.memory_space<vmem>>, vector<1x16xf32>,
      %swap3A_480 = vector.shape_cast %swap3A_479 : vector<1x16xf32> to vector<16xf32>
      %swap3A_481 = vector.shape_cast %get3A_477 : vector<16xf32> to vector<1x16xf32>
      tpu.vector_store %arg8[%swap3A, %swap3A_478], %swap3A_481 {add = true, strides = array<i32>} : memref<256x128xf32, #tpu.memory_space<vmem>>, vector<1x16xf32>,
      %add3A_482 = arith.constant 64 : i32
      %add3A_483 = arith.addi %add3A_482, %mul3A_466 : i32
      %add3A_484 = arith.constant 0 : i32
      %add3A_485 = arith.addi %add3A_483, %add3A_484 : i32
      %add3A_486 = arith.constant 0 : i32
      %add3A_487 = arith.addi %add3A_486, %mul3A_466 : i32
      %add3A_488 = arith.constant 0 : i32
      %add3A_489 = arith.addi %add3A_487, %add3A_488 : i32
      %get3A_490 = arith.index_cast %add3A_489 : i32 to index
      %get3A_491 = arith.constant 16 : index
      %get3A_492 = tpu.vector_load %arg7[%get3A_490, %get3A_491] {strides = array<i32>} : memref<64x128xf32, #tpu.memory_space<vmem>>, vector<1x16xf32>,
      %get3A_493 = vector.shape_cast %get3A_492 : vector<1x16xf32> to vector<16xf32>
      %swap3A_494 = arith.index_cast %add3A_485 : i32 to index
      %swap3A_495 = arith.constant 16 : index
      %swap3A_496 = tpu.vector_load %arg8[%swap3A_494, %swap3A_495] {strides = array<i32>} : memref<256x128xf32, #tpu.memory_space<vmem>>, vector<1x16xf32>,
      %swap3A_497 = vector.shape_cast %swap3A_496 : vector<1x16xf32> to vector<16xf32>
      %swap3A_498 = vector.shape_cast %get3A_493 : vector<16xf32> to vector<1x16xf32>
      tpu.vector_store %arg8[%swap3A_494, %swap3A_495], %swap3A_498 {add = true, strides = array<i32>} : memref<256x128xf32, #tpu.memory_space<vmem>>, vector<1x16xf32>,
      %add3A_499 = arith.constant 64 : i32
      %add3A_500 = arith.addi %add3A_499, %mul3A_466 : i32
      %add3A_501 = arith.constant 0 : i32
      %add3A_502 = arith.addi %add3A_500, %add3A_501 : i32
      %add3A_503 = arith.constant 0 : i32
      %add3A_504 = arith.addi %add3A_503, %mul3A_466 : i32
      %add3A_505 = arith.constant 0 : i32
      %add3A_506 = arith.addi %add3A_504, %add3A_505 : i32
      %get3A_507 = arith.index_cast %add3A_506 : i32 to index
      %get3A_508 = arith.constant 32 : index
      %get3A_509 = tpu.vector_load %arg7[%get3A_507, %get3A_508] {strides = array<i32>} : memref<64x128xf32, #tpu.memory_space<vmem>>, vector<1x16xf32>,
      %get3A_510 = vector.shape_cast %get3A_509 : vector<1x16xf32> to vector<16xf32>
      %swap3A_511 = arith.index_cast %add3A_502 : i32 to index
      %swap3A_512 = arith.constant 32 : index
      %swap3A_513 = tpu.vector_load %arg8[%swap3A_511, %swap3A_512] {strides = array<i32>} : memref<256x128xf32, #tpu.memory_space<vmem>>, vector<1x16xf32>,
      %swap3A_514 = vector.shape_cast %swap3A_513 : vector<1x16xf32> to vector<16xf32>
      %swap3A_515 = vector.shape_cast %get3A_510 : vector<16xf32> to vector<1x16xf32>
      tpu.vector_store %arg8[%swap3A_511, %swap3A_512], %swap3A_515 {add = true, strides = array<i32>} : memref<256x128xf32, #tpu.memory_space<vmem>>, vector<1x16xf32>,
      %add3A_516 = arith.constant 64 : i32
      %add3A_517 = arith.addi %add3A_516, %mul3A_466 : i32
      %add3A_518 = arith.constant 0 : i32
      %add3A_519 = arith.addi %add3A_517, %add3A_518 : i32
      %add3A_520 = arith.constant 0 : i32
      %add3A_521 = arith.addi %add3A_520, %mul3A_466 : i32
      %add3A_522 = arith.constant 0 : i32
      %add3A_523 = arith.addi %add3A_521, %add3A_522 : i32
      %get3A_524 = arith.index_cast %add3A_523 : i32 to index
      %get3A_525 = arith.constant 48 : index
      %get3A_526 = tpu.vector_load %arg7[%get3A_524, %get3A_525] {strides = array<i32>} : memref<64x128xf32, #tpu.memory_space<vmem>>, vector<1x16xf32>,
      %get3A_527 = vector.shape_cast %get3A_526 : vector<1x16xf32> to vector<16xf32>
      %swap3A_528 = arith.index_cast %add3A_519 : i32 to index
      %swap3A_529 = arith.constant 48 : index
      %swap3A_530 = tpu.vector_load %arg8[%swap3A_528, %swap3A_529] {strides = array<i32>} : memref<256x128xf32, #tpu.memory_space<vmem>>, vector<1x16xf32>,
      %swap3A_531 = vector.shape_cast %swap3A_530 : vector<1x16xf32> to vector<16xf32>
      %swap3A_532 = vector.shape_cast %get3A_527 : vector<16xf32> to vector<1x16xf32>
      tpu.vector_store %arg8[%swap3A_528, %swap3A_529], %swap3A_532 {add = true, strides = array<i32>} : memref<256x128xf32, #tpu.memory_space<vmem>>, vector<1x16xf32>,
      %add3A_533 = arith.constant 64 : i32
      %add3A_534 = arith.addi %add3A_533, %mul3A_466 : i32
      %add3A_535 = arith.constant 0 : i32
      %add3A_536 = arith.addi %add3A_534, %add3A_535 : i32
      %add3A_537 = arith.constant 0 : i32
      %add3A_538 = arith.addi %add3A_537, %mul3A_466 : i32
      %add3A_539 = arith.constant 0 : i32
      %add3A_540 = arith.addi %add3A_538, %add3A_539 : i32
      %get3A_541 = arith.index_cast %add3A_540 : i32 to index
      %get3A_542 = arith.constant 64 : index
      %get3A_543 = tpu.vector_load %arg7[%get3A_541, %get3A_542] {strides = array<i32>} : memref<64x128xf32, #tpu.memory_space<vmem>>, vector<1x16xf32>,
      %get3A_544 = vector.shape_cast %get3A_543 : vector<1x16xf32> to vector<16xf32>
      %swap3A_545 = arith.index_cast %add3A_536 : i32 to index
      %swap3A_546 = arith.constant 64 : index
      %swap3A_547 = tpu.vector_load %arg8[%swap3A_545, %swap3A_546] {strides = array<i32>} : memref<256x128xf32, #tpu.memory_space<vmem>>, vector<1x16xf32>,
      %swap3A_548 = vector.shape_cast %swap3A_547 : vector<1x16xf32> to vector<16xf32>
      %swap3A_549 = vector.shape_cast %get3A_544 : vector<16xf32> to vector<1x16xf32>
      tpu.vector_store %arg8[%swap3A_545, %swap3A_546], %swap3A_549 {add = true, strides = array<i32>} : memref<256x128xf32, #tpu.memory_space<vmem>>, vector<1x16xf32>,
      %add3A_550 = arith.constant 64 : i32
      %add3A_551 = arith.addi %add3A_550, %mul3A_466 : i32
      %add3A_552 = arith.constant 0 : i32
      %add3A_553 = arith.addi %add3A_551, %add3A_552 : i32
      %add3A_554 = arith.constant 0 : i32
      %add3A_555 = arith.addi %add3A_554, %mul3A_466 : i32
      %add3A_556 = arith.constant 0 : i32
      %add3A_557 = arith.addi %add3A_555, %add3A_556 : i32
      %get3A_558 = arith.index_cast %add3A_557 : i32 to index
      %get3A_559 = arith.constant 80 : index
      %get3A_560 = tpu.vector_load %arg7[%get3A_558, %get3A_559] {strides = array<i32>} : memref<64x128xf32, #tpu.memory_space<vmem>>, vector<1x16xf32>,
      %get3A_561 = vector.shape_cast %get3A_560 : vector<1x16xf32> to vector<16xf32>
      %swap3A_562 = arith.index_cast %add3A_553 : i32 to index
      %swap3A_563 = arith.constant 80 : index
      %swap3A_564 = tpu.vector_load %arg8[%swap3A_562, %swap3A_563] {strides = array<i32>} : memref<256x128xf32, #tpu.memory_space<vmem>>, vector<1x16xf32>,
      %swap3A_565 = vector.shape_cast %swap3A_564 : vector<1x16xf32> to vector<16xf32>
      %swap3A_566 = vector.shape_cast %get3A_561 : vector<16xf32> to vector<1x16xf32>
      tpu.vector_store %arg8[%swap3A_562, %swap3A_563], %swap3A_566 {add = true, strides = array<i32>} : memref<256x128xf32, #tpu.memory_space<vmem>>, vector<1x16xf32>,
      %add3A_567 = arith.constant 64 : i32
      %add3A_568 = arith.addi %add3A_567, %mul3A_466 : i32
      %add3A_569 = arith.constant 0 : i32
      %add3A_570 = arith.addi %add3A_568, %add3A_569 : i32
      %add3A_571 = arith.constant 0 : i32
      %add3A_572 = arith.addi %add3A_571, %mul3A_466 : i32
      %add3A_573 = arith.constant 0 : i32
      %add3A_574 = arith.addi %add3A_572, %add3A_573 : i32
      %get3A_575 = arith.index_cast %add3A_574 : i32 to index
      %get3A_576 = arith.constant 96 : index
      %get3A_577 = tpu.vector_load %arg7[%get3A_575, %get3A_576] {strides = array<i32>} : memref<64x128xf32, #tpu.memory_space<vmem>>, vector<1x16xf32>,
      %get3A_578 = vector.shape_cast %get3A_577 : vector<1x16xf32> to vector<16xf32>
      %swap3A_579 = arith.index_cast %add3A_570 : i32 to index
      %swap3A_580 = arith.constant 96 : index
      %swap3A_581 = tpu.vector_load %arg8[%swap3A_579, %swap3A_580] {strides = array<i32>} : memref<256x128xf32, #tpu.memory_space<vmem>>, vector<1x16xf32>,
      %swap3A_582 = vector.shape_cast %swap3A_581 : vector<1x16xf32> to vector<16xf32>
      %swap3A_583 = vector.shape_cast %get3A_578 : vector<16xf32> to vector<1x16xf32>
      tpu.vector_store %arg8[%swap3A_579, %swap3A_580], %swap3A_583 {add = true, strides = array<i32>} : memref<256x128xf32, #tpu.memory_space<vmem>>, vector<1x16xf32>,
      %add3A_584 = arith.constant 64 : i32
      %add3A_585 = arith.addi %add3A_584, %mul3A_466 : i32
      %add3A_586 = arith.constant 0 : i32
      %add3A_587 = arith.addi %add3A_585, %add3A_586 : i32
      %add3A_588 = arith.constant 0 : i32
      %add3A_589 = arith.addi %add3A_588, %mul3A_466 : i32
      %add3A_590 = arith.constant 0 : i32
      %add3A_591 = arith.addi %add3A_589, %add3A_590 : i32
      %get3A_592 = arith.index_cast %add3A_591 : i32 to index
      %get3A_593 = arith.constant 112 : index
      %get3A_594 = tpu.vector_load %arg7[%get3A_592, %get3A_593] {strides = array<i32>} : memref<64x128xf32, #tpu.memory_space<vmem>>, vector<1x16xf32>,
      %get3A_595 = vector.shape_cast %get3A_594 : vector<1x16xf32> to vector<16xf32>
      %swap3A_596 = arith.index_cast %add3A_587 : i32 to index
      %swap3A_597 = arith.constant 112 : index
      %swap3A_598 = tpu.vector_load %arg8[%swap3A_596, %swap3A_597] {strides = array<i32>} : memref<256x128xf32, #tpu.memory_space<vmem>>, vector<1x16xf32>,
      %swap3A_599 = vector.shape_cast %swap3A_598 : vector<1x16xf32> to vector<16xf32>
      %swap3A_600 = vector.shape_cast %get3A_595 : vector<16xf32> to vector<1x16xf32>
      tpu.vector_store %arg8[%swap3A_596, %swap3A_597], %swap3A_600 {add = true, strides = array<i32>} : memref<256x128xf32, #tpu.memory_space<vmem>>, vector<1x16xf32>,
      %add3A_601 = arith.constant 64 : i32
      %add3A_602 = arith.addi %add3A_601, %mul3A_466 : i32
      %add3A_603 = arith.constant 1 : i32
      %add3A_604 = arith.addi %add3A_602, %add3A_603 : i32
      %add3A_605 = arith.constant 0 : i32
      %add3A_606 = arith.addi %add3A_605, %mul3A_466 : i32
      %add3A_607 = arith.constant 1 : i32
      %add3A_608 = arith.addi %add3A_606, %add3A_607 : i32
      %get3A_609 = arith.index_cast %add3A_608 : i32 to index
      %get3A_610 = arith.constant 0 : index
      %get3A_611 = tpu.vector_load %arg7[%get3A_609, %get3A_610] {strides = array<i32>} : memref<64x128xf32, #tpu.memory_space<vmem>>, vector<1x16xf32>,
      %get3A_612 = vector.shape_cast %get3A_611 : vector<1x16xf32> to vector<16xf32>
      %swap3A_613 = arith.index_cast %add3A_604 : i32 to index
      %swap3A_614 = arith.constant 0 : index
      %swap3A_615 = tpu.vector_load %arg8[%swap3A_613, %swap3A_614] {strides = array<i32>} : memref<256x128xf32, #tpu.memory_space<vmem>>, vector<1x16xf32>,
      %swap3A_616 = vector.shape_cast %swap3A_615 : vector<1x16xf32> to vector<16xf32>
      %swap3A_617 = vector.shape_cast %get3A_612 : vector<16xf32> to vector<1x16xf32>
      tpu.vector_store %arg8[%swap3A_613, %swap3A_614], %swap3A_617 {add = true, strides = array<i32>} : memref<256x128xf32, #tpu.memory_space<vmem>>, vector<1x16xf32>,
      %add3A_618 = arith.constant 64 : i32
      %add3A_619 = arith.addi %add3A_618, %mul3A_466 : i32
      %add3A_620 = arith.constant 1 : i32
      %add3A_621 = arith.addi %add3A_619, %add3A_620 : i32
      %add3A_622 = arith.constant 0 : i32
      %add3A_623 = arith.addi %add3A_622, %mul3A_466 : i32
      %add3A_624 = arith.constant 1 : i32
      %add3A_625 = arith.addi %add3A_623, %add3A_624 : i32
      %get3A_626 = arith.index_cast %add3A_625 : i32 to index
      %get3A_627 = arith.constant 16 : index
      %get3A_628 = tpu.vector_load %arg7[%get3A_626, %get3A_627] {strides = array<i32>} : memref<64x128xf32, #tpu.memory_space<vmem>>, vector<1x16xf32>,
      %get3A_629 = vector.shape_cast %get3A_628 : vector<1x16xf32> to vector<16xf32>
      %swap3A_630 = arith.index_cast %add3A_621 : i32 to index
      %swap3A_631 = arith.constant 16 : index
      %swap3A_632 = tpu.vector_load %arg8[%swap3A_630, %swap3A_631] {strides = array<i32>} : memref<256x128xf32, #tpu.memory_space<vmem>>, vector<1x16xf32>,
      %swap3A_633 = vector.shape_cast %swap3A_632 : vector<1x16xf32> to vector<16xf32>
      %swap3A_634 = vector.shape_cast %get3A_629 : vector<16xf32> to vector<1x16xf32>
      tpu.vector_store %arg8[%swap3A_630, %swap3A_631], %swap3A_634 {add = true, strides = array<i32>} : memref<256x128xf32, #tpu.memory_space<vmem>>, vector<1x16xf32>,
      %add3A_635 = arith.constant 64 : i32
      %add3A_636 = arith.addi %add3A_635, %mul3A_466 : i32
      %add3A_637 = arith.constant 1 : i32
      %add3A_638 = arith.addi %add3A_636, %add3A_637 : i32
      %add3A_639 = arith.constant 0 : i32
      %add3A_640 = arith.addi %add3A_639, %mul3A_466 : i32
      %add3A_641 = arith.constant 1 : i32
      %add3A_642 = arith.addi %add3A_640, %add3A_641 : i32
      %get3A_643 = arith.index_cast %add3A_642 : i32 to index
      %get3A_644 = arith.constant 32 : index
      %get3A_645 = tpu.vector_load %arg7[%get3A_643, %get3A_644] {strides = array<i32>} : memref<64x128xf32, #tpu.memory_space<vmem>>, vector<1x16xf32>,
      %get3A_646 = vector.shape_cast %get3A_645 : vector<1x16xf32> to vector<16xf32>
      %swap3A_647 = arith.index_cast %add3A_638 : i32 to index
      %swap3A_648 = arith.constant 32 : index
      %swap3A_649 = tpu.vector_load %arg8[%swap3A_647, %swap3A_648] {strides = array<i32>} : memref<256x128xf32, #tpu.memory_space<vmem>>, vector<1x16xf32>,
      %swap3A_650 = vector.shape_cast %swap3A_649 : vector<1x16xf32> to vector<16xf32>
      %swap3A_651 = vector.shape_cast %get3A_646 : vector<16xf32> to vector<1x16xf32>
      tpu.vector_store %arg8[%swap3A_647, %swap3A_648], %swap3A_651 {add = true, strides = array<i32>} : memref<256x128xf32, #tpu.memory_space<vmem>>, vector<1x16xf32>,
      %add3A_652 = arith.constant 64 : i32
      %add3A_653 = arith.addi %add3A_652, %mul3A_466 : i32
      %add3A_654 = arith.constant 1 : i32
      %add3A_655 = arith.addi %add3A_653, %add3A_654 : i32
      %add3A_656 = arith.constant 0 : i32
      %add3A_657 = arith.addi %add3A_656, %mul3A_466 : i32
      %add3A_658 = arith.constant 1 : i32
      %add3A_659 = arith.addi %add3A_657, %add3A_658 : i32
      %get3A_660 = arith.index_cast %add3A_659 : i32 to index
      %get3A_661 = arith.constant 48 : index
      %get3A_662 = tpu.vector_load %arg7[%get3A_660, %get3A_661] {strides = array<i32>} : memref<64x128xf32, #tpu.memory_space<vmem>>, vector<1x16xf32>,
      %get3A_663 = vector.shape_cast %get3A_662 : vector<1x16xf32> to vector<16xf32>
      %swap3A_664 = arith.index_cast %add3A_655 : i32 to index
      %swap3A_665 = arith.constant 48 : index
      %swap3A_666 = tpu.vector_load %arg8[%swap3A_664, %swap3A_665] {strides = array<i32>} : memref<256x128xf32, #tpu.memory_space<vmem>>, vector<1x16xf32>,
      %swap3A_667 = vector.shape_cast %swap3A_666 : vector<1x16xf32> to vector<16xf32>
      %swap3A_668 = vector.shape_cast %get3A_663 : vector<16xf32> to vector<1x16xf32>
      tpu.vector_store %arg8[%swap3A_664, %swap3A_665], %swap3A_668 {add = true, strides = array<i32>} : memref<256x128xf32, #tpu.memory_space<vmem>>, vector<1x16xf32>,
      %add3A_669 = arith.constant 64 : i32
      %add3A_670 = arith.addi %add3A_669, %mul3A_466 : i32
      %add3A_671 = arith.constant 1 : i32
      %add3A_672 = arith.addi %add3A_670, %add3A_671 : i32
      %add3A_673 = arith.constant 0 : i32
      %add3A_674 = arith.addi %add3A_673, %mul3A_466 : i32
      %add3A_675 = arith.constant 1 : i32
      %add3A_676 = arith.addi %add3A_674, %add3A_675 : i32
      %get3A_677 = arith.index_cast %add3A_676 : i32 to index
      %get3A_678 = arith.constant 64 : index
      %get3A_679 = tpu.vector_load %arg7[%get3A_677, %get3A_678] {strides = array<i32>} : memref<64x128xf32, #tpu.memory_space<vmem>>, vector<1x16xf32>,
      %get3A_680 = vector.shape_cast %get3A_679 : vector<1x16xf32> to vector<16xf32>
      %swap3A_681 = arith.index_cast %add3A_672 : i32 to index
      %swap3A_682 = arith.constant 64 : index
      %swap3A_683 = tpu.vector_load %arg8[%swap3A_681, %swap3A_682] {strides = array<i32>} : memref<256x128xf32, #tpu.memory_space<vmem>>, vector<1x16xf32>,
      %swap3A_684 = vector.shape_cast %swap3A_683 : vector<1x16xf32> to vector<16xf32>
      %swap3A_685 = vector.shape_cast %get3A_680 : vector<16xf32> to vector<1x16xf32>
      tpu.vector_store %arg8[%swap3A_681, %swap3A_682], %swap3A_685 {add = true, strides = array<i32>} : memref<256x128xf32, #tpu.memory_space<vmem>>, vector<1x16xf32>,
      %add3A_686 = arith.constant 64 : i32
      %add3A_687 = arith.addi %add3A_686, %mul3A_466 : i32
      %add3A_688 = arith.constant 1 : i32
      %add3A_689 = arith.addi %add3A_687, %add3A_688 : i32
      %add3A_690 = arith.constant 0 : i32
      %add3A_691 = arith.addi %add3A_690, %mul3A_466 : i32
      %add3A_692 = arith.constant 1 : i32
      %add3A_693 = arith.addi %add3A_691, %add3A_692 : i32
      %get3A_694 = arith.index_cast %add3A_693 : i32 to index
      %get3A_695 = arith.constant 80 : index
      %get3A_696 = tpu.vector_load %arg7[%get3A_694, %get3A_695] {strides = array<i32>} : memref<64x128xf32, #tpu.memory_space<vmem>>, vector<1x16xf32>,
      %get3A_697 = vector.shape_cast %get3A_696 : vector<1x16xf32> to vector<16xf32>
      %swap3A_698 = arith.index_cast %add3A_689 : i32 to index
      %swap3A_699 = arith.constant 80 : index
      %swap3A_700 = tpu.vector_load %arg8[%swap3A_698, %swap3A_699] {strides = array<i32>} : memref<256x128xf32, #tpu.memory_space<vmem>>, vector<1x16xf32>,
      %swap3A_701 = vector.shape_cast %swap3A_700 : vector<1x16xf32> to vector<16xf32>
      %swap3A_702 = vector.shape_cast %get3A_697 : vector<16xf32> to vector<1x16xf32>
      tpu.vector_store %arg8[%swap3A_698, %swap3A_699], %swap3A_702 {add = true, strides = array<i32>} : memref<256x128xf32, #tpu.memory_space<vmem>>, vector<1x16xf32>,
      %add3A_703 = arith.constant 64 : i32
      %add3A_704 = arith.addi %add3A_703, %mul3A_466 : i32
      %add3A_705 = arith.constant 1 : i32
      %add3A_706 = arith.addi %add3A_704, %add3A_705 : i32
      %add3A_707 = arith.constant 0 : i32
      %add3A_708 = arith.addi %add3A_707, %mul3A_466 : i32
      %add3A_709 = arith.constant 1 : i32
      %add3A_710 = arith.addi %add3A_708, %add3A_709 : i32
      %get3A_711 = arith.index_cast %add3A_710 : i32 to index
      %get3A_712 = arith.constant 96 : index
      %get3A_713 = tpu.vector_load %arg7[%get3A_711, %get3A_712] {strides = array<i32>} : memref<64x128xf32, #tpu.memory_space<vmem>>, vector<1x16xf32>,
      %get3A_714 = vector.shape_cast %get3A_713 : vector<1x16xf32> to vector<16xf32>
      %swap3A_715 = arith.index_cast %add3A_706 : i32 to index
      %swap3A_716 = arith.constant 96 : index
      %swap3A_717 = tpu.vector_load %arg8[%swap3A_715, %swap3A_716] {strides = array<i32>} : memref<256x128xf32, #tpu.memory_space<vmem>>, vector<1x16xf32>,
      %swap3A_718 = vector.shape_cast %swap3A_717 : vector<1x16xf32> to vector<16xf32>
      %swap3A_719 = vector.shape_cast %get3A_714 : vector<16xf32> to vector<1x16xf32>
      tpu.vector_store %arg8[%swap3A_715, %swap3A_716], %swap3A_719 {add = true, strides = array<i32>} : memref<256x128xf32, #tpu.memory_space<vmem>>, vector<1x16xf32>,
      %add3A_720 = arith.constant 64 : i32
      %add3A_721 = arith.addi %add3A_720, %mul3A_466 : i32
      %add3A_722 = arith.constant 1 : i32
      %add3A_723 = arith.addi %add3A_721, %add3A_722 : i32
      %add3A_724 = arith.constant 0 : i32
      %add3A_725 = arith.addi %add3A_724, %mul3A_466 : i32
      %add3A_726 = arith.constant 1 : i32
      %add3A_727 = arith.addi %add3A_725, %add3A_726 : i32
      %get3A_728 = arith.index_cast %add3A_727 : i32 to index
      %get3A_729 = arith.constant 112 : index
      %get3A_730 = tpu.vector_load %arg7[%get3A_728, %get3A_729] {strides = array<i32>} : memref<64x128xf32, #tpu.memory_space<vmem>>, vector<1x16xf32>,
      %get3A_731 = vector.shape_cast %get3A_730 : vector<1x16xf32> to vector<16xf32>
      %swap3A_732 = arith.index_cast %add3A_723 : i32 to index
      %swap3A_733 = arith.constant 112 : index
      %swap3A_734 = tpu.vector_load %arg8[%swap3A_732, %swap3A_733] {strides = array<i32>} : memref<256x128xf32, #tpu.memory_space<vmem>>, vector<1x16xf32>,
      %swap3A_735 = vector.shape_cast %swap3A_734 : vector<1x16xf32> to vector<16xf32>
      %swap3A_736 = vector.shape_cast %get3A_731 : vector<16xf32> to vector<1x16xf32>
      tpu.vector_store %arg8[%swap3A_732, %swap3A_733], %swap3A_736 {add = true, strides = array<i32>} : memref<256x128xf32, #tpu.memory_space<vmem>>, vector<1x16xf32>,
    }
    %scan3A_299 = arith.constant 32 : i32
    %add3A_300 = arith.constant 2048 : i32
    %add3A_301 = arith.addi %add3A_300, %mul3A_2 : i32
    %add3A_302 = arith.constant 0 : i32
    %add3A_303 = arith.addi %add3A_301, %add3A_302 : i32
    %dma_start3A_304 = arith.constant 64 : i32
    %dma_start3A_305 = arith.constant 0 : i32
    %dma_start3A_306 = tpu.memref_slice %arg8[%dma_start3A_304, %dma_start3A_305] : memref<256x128xf32, #tpu.memory_space<vmem>> -> memref<64x128xf32, #tpu.memory_space<vmem>>
    %dma_start3A_307 = arith.constant 0 : i32
    %dma_start3A_308 = tpu.memref_slice %arg5[%add3A_303, %dma_start3A_307] : memref<8192x128xf32, #tpu.memory_space<hbm>> -> memref<64x128xf32, #tpu.memory_space<hbm>>
    %dma_start3A_309 = arith.constant 0 : i32
    %dma_start3A_310 = tpu.memref_slice %arg5[%add3A_303, %dma_start3A_309] : memref<8192x128xf32, #tpu.memory_space<hbm>> -> memref<64x128xf32, #tpu.memory_space<hbm>>
    %dma_start3A_311 = arith.constant 64 : i32
    %dma_start3A_312 = arith.constant 0 : i32
    %dma_start3A_313 = tpu.memref_slice %arg8[%dma_start3A_311, %dma_start3A_312] : memref<256x128xf32, #tpu.memory_space<vmem>> -> memref<64x128xf32, #tpu.memory_space<vmem>>
    tpu.enqueue_dma source(%dma_start3A_313 : memref<64x128xf32, #tpu.memory_space<vmem>>) target(%dma_start3A_310 : memref<64x128xf32, #tpu.memory_space<hbm>>) target_semaphore(%arg16 : memref<!tpu.dma_semaphore, #tpu.memory_space<semaphore_mem>>)
    %dma_wait3A_314 = arith.constant 3 : i32
    %dma_wait3A_315 = arith.constant 128 : i32
    %dma_wait3A_316 = arith.constant 0 : i32
    %dma_wait3A_317 = tpu.memref_slice %arg8[%dma_wait3A_315, %dma_wait3A_316] : memref<256x128xf32, #tpu.memory_space<vmem>> -> memref<64x128xf32, #tpu.memory_space<vmem>>
    %dma_wait3A_318 = arith.constant 0 : i32
    %dma_wait3A_319 = tpu.memref_slice %arg6[%dma_wait3A_314, %dma_wait3A_318] : memref<6x64xi32, #tpu.memory_space<vmem>> -> memref<1x64xi32, #tpu.memory_space<vmem>>
    %dma_wait3A_320 = tpu.memref_squeeze %dma_wait3A_319 : memref<1x64xi32, #tpu.memory_space<vmem>> -> memref<64xi32, #tpu.memory_space<vmem>>
    %dma_wait3A_321 = arith.constant 0 : i32
    %dma_wait3A_322 = arith.constant 0 : i32
    %dma_wait3A_323 = tpu.memref_slice %arg3[%dma_wait3A_321, %dma_wait3A_322] : memref<100000x128xf32, #tpu.memory_space<hbm>> -> memref<100000x128xf32, #tpu.memory_space<hbm>>
    tpu.wait_indirect_dma semaphore(%arg12 : memref<!tpu.dma_semaphore, #tpu.memory_space<semaphore_mem>>) src(%dma_wait3A_323 : memref<100000x128xf32, #tpu.memory_space<hbm>>) dst(%dma_wait3A_317 : memref<64x128xf32, #tpu.memory_space<vmem>>)
    %scan3A_324 = arith.constant 0 : i32
    %scan3A_325 = arith.constant 0 : i32
    %scan3A_326 = arith.constant 32 : i32
    %scan3A_327 = arith.addi %scan3A_325, %scan3A_326 : i32
    %scan3A_328 = arith.constant 1 : i32
    scf.for %scan3A_464 = %scan3A_325 to %scan3A_327 step %scan3A_328  : i32 {
      %mul3A_465 = arith.constant 2 : i32
      %mul3A_466 = arith.muli %scan3A_464, %mul3A_465 : i32
      %add3A_467 = arith.constant 128 : i32
      %add3A_468 = arith.addi %add3A_467, %mul3A_466 : i32
      %add3A_469 = arith.constant 0 : i32
      %add3A_470 = arith.addi %add3A_468, %add3A_469 : i32
      %add3A_471 = arith.constant 0 : i32
      %add3A_472 = arith.addi %add3A_471, %mul3A_466 : i32
      %add3A_473 = arith.constant 0 : i32
      %add3A_474 = arith.addi %add3A_472, %add3A_473 : i32
      %get3A = arith.index_cast %add3A_474 : i32 to index
      %get3A_475 = arith.constant 0 : index
      %get3A_476 = tpu.vector_load %arg7[%get3A, %get3A_475] {strides = array<i32>} : memref<64x128xf32, #tpu.memory_space<vmem>>, vector<1x16xf32>,
      %get3A_477 = vector.shape_cast %get3A_476 : vector<1x16xf32> to vector<16xf32>
      %swap3A = arith.index_cast %add3A_470 : i32 to index
      %swap3A_478 = arith.constant 0 : index
      %swap3A_479 = tpu.vector_load %arg8[%swap3A, %swap3A_478] {strides = array<i32>} : memref<256x128xf32, #tpu.memory_space<vmem>>, vector<1x16xf32>,
      %swap3A_480 = vector.shape_cast %swap3A_479 : vector<1x16xf32> to vector<16xf32>
      %swap3A_481 = vector.shape_cast %get3A_477 : vector<16xf32> to vector<1x16xf32>
      tpu.vector_store %arg8[%swap3A, %swap3A_478], %swap3A_481 {add = true, strides = array<i32>} : memref<256x128xf32, #tpu.memory_space<vmem>>, vector<1x16xf32>,
      %add3A_482 = arith.constant 128 : i32
      %add3A_483 = arith.addi %add3A_482, %mul3A_466 : i32
      %add3A_484 = arith.constant 0 : i32
      %add3A_485 = arith.addi %add3A_483, %add3A_484 : i32
      %add3A_486 = arith.constant 0 : i32
      %add3A_487 = arith.addi %add3A_486, %mul3A_466 : i32
      %add3A_488 = arith.constant 0 : i32
      %add3A_489 = arith.addi %add3A_487, %add3A_488 : i32
      %get3A_490 = arith.index_cast %add3A_489 : i32 to index
      %get3A_491 = arith.constant 16 : index
      %get3A_492 = tpu.vector_load %arg7[%get3A_490, %get3A_491] {strides = array<i32>} : memref<64x128xf32, #tpu.memory_space<vmem>>, vector<1x16xf32>,
      %get3A_493 = vector.shape_cast %get3A_492 : vector<1x16xf32> to vector<16xf32>
      %swap3A_494 = arith.index_cast %add3A_485 : i32 to index
      %swap3A_495 = arith.constant 16 : index
      %swap3A_496 = tpu.vector_load %arg8[%swap3A_494, %swap3A_495] {strides = array<i32>} : memref<256x128xf32, #tpu.memory_space<vmem>>, vector<1x16xf32>,
      %swap3A_497 = vector.shape_cast %swap3A_496 : vector<1x16xf32> to vector<16xf32>
      %swap3A_498 = vector.shape_cast %get3A_493 : vector<16xf32> to vector<1x16xf32>
      tpu.vector_store %arg8[%swap3A_494, %swap3A_495], %swap3A_498 {add = true, strides = array<i32>} : memref<256x128xf32, #tpu.memory_space<vmem>>, vector<1x16xf32>,
      %add3A_499 = arith.constant 128 : i32
      %add3A_500 = arith.addi %add3A_499, %mul3A_466 : i32
      %add3A_501 = arith.constant 0 : i32
      %add3A_502 = arith.addi %add3A_500, %add3A_501 : i32
      %add3A_503 = arith.constant 0 : i32
      %add3A_504 = arith.addi %add3A_503, %mul3A_466 : i32
      %add3A_505 = arith.constant 0 : i32
      %add3A_506 = arith.addi %add3A_504, %add3A_505 : i32
      %get3A_507 = arith.index_cast %add3A_506 : i32 to index
      %get3A_508 = arith.constant 32 : index
      %get3A_509 = tpu.vector_load %arg7[%get3A_507, %get3A_508] {strides = array<i32>} : memref<64x128xf32, #tpu.memory_space<vmem>>, vector<1x16xf32>,
      %get3A_510 = vector.shape_cast %get3A_509 : vector<1x16xf32> to vector<16xf32>
      %swap3A_511 = arith.index_cast %add3A_502 : i32 to index
      %swap3A_512 = arith.constant 32 : index
      %swap3A_513 = tpu.vector_load %arg8[%swap3A_511, %swap3A_512] {strides = array<i32>} : memref<256x128xf32, #tpu.memory_space<vmem>>, vector<1x16xf32>,
      %swap3A_514 = vector.shape_cast %swap3A_513 : vector<1x16xf32> to vector<16xf32>
      %swap3A_515 = vector.shape_cast %get3A_510 : vector<16xf32> to vector<1x16xf32>
      tpu.vector_store %arg8[%swap3A_511, %swap3A_512], %swap3A_515 {add = true, strides = array<i32>} : memref<256x128xf32, #tpu.memory_space<vmem>>, vector<1x16xf32>,
      %add3A_516 = arith.constant 128 : i32
      %add3A_517 = arith.addi %add3A_516, %mul3A_466 : i32
      %add3A_518 = arith.constant 0 : i32
      %add3A_519 = arith.addi %add3A_517, %add3A_518 : i32
      %add3A_520 = arith.constant 0 : i32
      %add3A_521 = arith.addi %add3A_520, %mul3A_466 : i32
      %add3A_522 = arith.constant 0 : i32
      %add3A_523 = arith.addi %add3A_521, %add3A_522 : i32
      %get3A_524 = arith.index_cast %add3A_523 : i32 to index
      %get3A_525 = arith.constant 48 : index
      %get3A_526 = tpu.vector_load %arg7[%get3A_524, %get3A_525] {strides = array<i32>} : memref<64x128xf32, #tpu.memory_space<vmem>>, vector<1x16xf32>,
      %get3A_527 = vector.shape_cast %get3A_526 : vector<1x16xf32> to vector<16xf32>
      %swap3A_528 = arith.index_cast %add3A_519 : i32 to index
      %swap3A_529 = arith.constant 48 : index
      %swap3A_530 = tpu.vector_load %arg8[%swap3A_528, %swap3A_529] {strides = array<i32>} : memref<256x128xf32, #tpu.memory_space<vmem>>, vector<1x16xf32>,
      %swap3A_531 = vector.shape_cast %swap3A_530 : vector<1x16xf32> to vector<16xf32>
      %swap3A_532 = vector.shape_cast %get3A_527 : vector<16xf32> to vector<1x16xf32>
      tpu.vector_store %arg8[%swap3A_528, %swap3A_529], %swap3A_532 {add = true, strides = array<i32>} : memref<256x128xf32, #tpu.memory_space<vmem>>, vector<1x16xf32>,
      %add3A_533 = arith.constant 128 : i32
      %add3A_534 = arith.addi %add3A_533, %mul3A_466 : i32
      %add3A_535 = arith.constant 0 : i32
      %add3A_536 = arith.addi %add3A_534, %add3A_535 : i32
      %add3A_537 = arith.constant 0 : i32
      %add3A_538 = arith.addi %add3A_537, %mul3A_466 : i32
      %add3A_539 = arith.constant 0 : i32
      %add3A_540 = arith.addi %add3A_538, %add3A_539 : i32
      %get3A_541 = arith.index_cast %add3A_540 : i32 to index
      %get3A_542 = arith.constant 64 : index
      %get3A_543 = tpu.vector_load %arg7[%get3A_541, %get3A_542] {strides = array<i32>} : memref<64x128xf32, #tpu.memory_space<vmem>>, vector<1x16xf32>,
      %get3A_544 = vector.shape_cast %get3A_543 : vector<1x16xf32> to vector<16xf32>
      %swap3A_545 = arith.index_cast %add3A_536 : i32 to index
      %swap3A_546 = arith.constant 64 : index
      %swap3A_547 = tpu.vector_load %arg8[%swap3A_545, %swap3A_546] {strides = array<i32>} : memref<256x128xf32, #tpu.memory_space<vmem>>, vector<1x16xf32>,
      %swap3A_548 = vector.shape_cast %swap3A_547 : vector<1x16xf32> to vector<16xf32>
      %swap3A_549 = vector.shape_cast %get3A_544 : vector<16xf32> to vector<1x16xf32>
      tpu.vector_store %arg8[%swap3A_545, %swap3A_546], %swap3A_549 {add = true, strides = array<i32>} : memref<256x128xf32, #tpu.memory_space<vmem>>, vector<1x16xf32>,
      %add3A_550 = arith.constant 128 : i32
      %add3A_551 = arith.addi %add3A_550, %mul3A_466 : i32
      %add3A_552 = arith.constant 0 : i32
      %add3A_553 = arith.addi %add3A_551, %add3A_552 : i32
      %add3A_554 = arith.constant 0 : i32
      %add3A_555 = arith.addi %add3A_554, %mul3A_466 : i32
      %add3A_556 = arith.constant 0 : i32
      %add3A_557 = arith.addi %add3A_555, %add3A_556 : i32
      %get3A_558 = arith.index_cast %add3A_557 : i32 to index
      %get3A_559 = arith.constant 80 : index
      %get3A_560 = tpu.vector_load %arg7[%get3A_558, %get3A_559] {strides = array<i32>} : memref<64x128xf32, #tpu.memory_space<vmem>>, vector<1x16xf32>,
      %get3A_561 = vector.shape_cast %get3A_560 : vector<1x16xf32> to vector<16xf32>
      %swap3A_562 = arith.index_cast %add3A_553 : i32 to index
      %swap3A_563 = arith.constant 80 : index
      %swap3A_564 = tpu.vector_load %arg8[%swap3A_562, %swap3A_563] {strides = array<i32>} : memref<256x128xf32, #tpu.memory_space<vmem>>, vector<1x16xf32>,
      %swap3A_565 = vector.shape_cast %swap3A_564 : vector<1x16xf32> to vector<16xf32>
      %swap3A_566 = vector.shape_cast %get3A_561 : vector<16xf32> to vector<1x16xf32>
      tpu.vector_store %arg8[%swap3A_562, %swap3A_563], %swap3A_566 {add = true, strides = array<i32>} : memref<256x128xf32, #tpu.memory_space<vmem>>, vector<1x16xf32>,
      %add3A_567 = arith.constant 128 : i32
      %add3A_568 = arith.addi %add3A_567, %mul3A_466 : i32
      %add3A_569 = arith.constant 0 : i32
      %add3A_570 = arith.addi %add3A_568, %add3A_569 : i32
      %add3A_571 = arith.constant 0 : i32
      %add3A_572 = arith.addi %add3A_571, %mul3A_466 : i32
      %add3A_573 = arith.constant 0 : i32
      %add3A_574 = arith.addi %add3A_572, %add3A_573 : i32
      %get3A_575 = arith.index_cast %add3A_574 : i32 to index
      %get3A_576 = arith.constant 96 : index
      %get3A_577 = tpu.vector_load %arg7[%get3A_575, %get3A_576] {strides = array<i32>} : memref<64x128xf32, #tpu.memory_space<vmem>>, vector<1x16xf32>,
      %get3A_578 = vector.shape_cast %get3A_577 : vector<1x16xf32> to vector<16xf32>
      %swap3A_579 = arith.index_cast %add3A_570 : i32 to index
      %swap3A_580 = arith.constant 96 : index
      %swap3A_581 = tpu.vector_load %arg8[%swap3A_579, %swap3A_580] {strides = array<i32>} : memref<256x128xf32, #tpu.memory_space<vmem>>, vector<1x16xf32>,
      %swap3A_582 = vector.shape_cast %swap3A_581 : vector<1x16xf32> to vector<16xf32>
      %swap3A_583 = vector.shape_cast %get3A_578 : vector<16xf32> to vector<1x16xf32>
      tpu.vector_store %arg8[%swap3A_579, %swap3A_580], %swap3A_583 {add = true, strides = array<i32>} : memref<256x128xf32, #tpu.memory_space<vmem>>, vector<1x16xf32>,
      %add3A_584 = arith.constant 128 : i32
      %add3A_585 = arith.addi %add3A_584, %mul3A_466 : i32
      %add3A_586 = arith.constant 0 : i32
      %add3A_587 = arith.addi %add3A_585, %add3A_586 : i32
      %add3A_588 = arith.constant 0 : i32
      %add3A_589 = arith.addi %add3A_588, %mul3A_466 : i32
      %add3A_590 = arith.constant 0 : i32
      %add3A_591 = arith.addi %add3A_589, %add3A_590 : i32
      %get3A_592 = arith.index_cast %add3A_591 : i32 to index
      %get3A_593 = arith.constant 112 : index
      %get3A_594 = tpu.vector_load %arg7[%get3A_592, %get3A_593] {strides = array<i32>} : memref<64x128xf32, #tpu.memory_space<vmem>>, vector<1x16xf32>,
      %get3A_595 = vector.shape_cast %get3A_594 : vector<1x16xf32> to vector<16xf32>
      %swap3A_596 = arith.index_cast %add3A_587 : i32 to index
      %swap3A_597 = arith.constant 112 : index
      %swap3A_598 = tpu.vector_load %arg8[%swap3A_596, %swap3A_597] {strides = array<i32>} : memref<256x128xf32, #tpu.memory_space<vmem>>, vector<1x16xf32>,
      %swap3A_599 = vector.shape_cast %swap3A_598 : vector<1x16xf32> to vector<16xf32>
      %swap3A_600 = vector.shape_cast %get3A_595 : vector<16xf32> to vector<1x16xf32>
      tpu.vector_store %arg8[%swap3A_596, %swap3A_597], %swap3A_600 {add = true, strides = array<i32>} : memref<256x128xf32, #tpu.memory_space<vmem>>, vector<1x16xf32>,
      %add3A_601 = arith.constant 128 : i32
      %add3A_602 = arith.addi %add3A_601, %mul3A_466 : i32
      %add3A_603 = arith.constant 1 : i32
      %add3A_604 = arith.addi %add3A_602, %add3A_603 : i32
      %add3A_605 = arith.constant 0 : i32
      %add3A_606 = arith.addi %add3A_605, %mul3A_466 : i32
      %add3A_607 = arith.constant 1 : i32
      %add3A_608 = arith.addi %add3A_606, %add3A_607 : i32
      %get3A_609 = arith.index_cast %add3A_608 : i32 to index
      %get3A_610 = arith.constant 0 : index
      %get3A_611 = tpu.vector_load %arg7[%get3A_609, %get3A_610] {strides = array<i32>} : memref<64x128xf32, #tpu.memory_space<vmem>>, vector<1x16xf32>,
      %get3A_612 = vector.shape_cast %get3A_611 : vector<1x16xf32> to vector<16xf32>
      %swap3A_613 = arith.index_cast %add3A_604 : i32 to index
      %swap3A_614 = arith.constant 0 : index
      %swap3A_615 = tpu.vector_load %arg8[%swap3A_613, %swap3A_614] {strides = array<i32>} : memref<256x128xf32, #tpu.memory_space<vmem>>, vector<1x16xf32>,
      %swap3A_616 = vector.shape_cast %swap3A_615 : vector<1x16xf32> to vector<16xf32>
      %swap3A_617 = vector.shape_cast %get3A_612 : vector<16xf32> to vector<1x16xf32>
      tpu.vector_store %arg8[%swap3A_613, %swap3A_614], %swap3A_617 {add = true, strides = array<i32>} : memref<256x128xf32, #tpu.memory_space<vmem>>, vector<1x16xf32>,
      %add3A_618 = arith.constant 128 : i32
      %add3A_619 = arith.addi %add3A_618, %mul3A_466 : i32
      %add3A_620 = arith.constant 1 : i32
      %add3A_621 = arith.addi %add3A_619, %add3A_620 : i32
      %add3A_622 = arith.constant 0 : i32
      %add3A_623 = arith.addi %add3A_622, %mul3A_466 : i32
      %add3A_624 = arith.constant 1 : i32
      %add3A_625 = arith.addi %add3A_623, %add3A_624 : i32
      %get3A_626 = arith.index_cast %add3A_625 : i32 to index
      %get3A_627 = arith.constant 16 : index
      %get3A_628 = tpu.vector_load %arg7[%get3A_626, %get3A_627] {strides = array<i32>} : memref<64x128xf32, #tpu.memory_space<vmem>>, vector<1x16xf32>,
      %get3A_629 = vector.shape_cast %get3A_628 : vector<1x16xf32> to vector<16xf32>
      %swap3A_630 = arith.index_cast %add3A_621 : i32 to index
      %swap3A_631 = arith.constant 16 : index
      %swap3A_632 = tpu.vector_load %arg8[%swap3A_630, %swap3A_631] {strides = array<i32>} : memref<256x128xf32, #tpu.memory_space<vmem>>, vector<1x16xf32>,
      %swap3A_633 = vector.shape_cast %swap3A_632 : vector<1x16xf32> to vector<16xf32>
      %swap3A_634 = vector.shape_cast %get3A_629 : vector<16xf32> to vector<1x16xf32>
      tpu.vector_store %arg8[%swap3A_630, %swap3A_631], %swap3A_634 {add = true, strides = array<i32>} : memref<256x128xf32, #tpu.memory_space<vmem>>, vector<1x16xf32>,
      %add3A_635 = arith.constant 128 : i32
      %add3A_636 = arith.addi %add3A_635, %mul3A_466 : i32
      %add3A_637 = arith.constant 1 : i32
      %add3A_638 = arith.addi %add3A_636, %add3A_637 : i32
      %add3A_639 = arith.constant 0 : i32
      %add3A_640 = arith.addi %add3A_639, %mul3A_466 : i32
      %add3A_641 = arith.constant 1 : i32
      %add3A_642 = arith.addi %add3A_640, %add3A_641 : i32
      %get3A_643 = arith.index_cast %add3A_642 : i32 to index
      %get3A_644 = arith.constant 32 : index
      %get3A_645 = tpu.vector_load %arg7[%get3A_643, %get3A_644] {strides = array<i32>} : memref<64x128xf32, #tpu.memory_space<vmem>>, vector<1x16xf32>,
      %get3A_646 = vector.shape_cast %get3A_645 : vector<1x16xf32> to vector<16xf32>
      %swap3A_647 = arith.index_cast %add3A_638 : i32 to index
      %swap3A_648 = arith.constant 32 : index
      %swap3A_649 = tpu.vector_load %arg8[%swap3A_647, %swap3A_648] {strides = array<i32>} : memref<256x128xf32, #tpu.memory_space<vmem>>, vector<1x16xf32>,
      %swap3A_650 = vector.shape_cast %swap3A_649 : vector<1x16xf32> to vector<16xf32>
      %swap3A_651 = vector.shape_cast %get3A_646 : vector<16xf32> to vector<1x16xf32>
      tpu.vector_store %arg8[%swap3A_647, %swap3A_648], %swap3A_651 {add = true, strides = array<i32>} : memref<256x128xf32, #tpu.memory_space<vmem>>, vector<1x16xf32>,
      %add3A_652 = arith.constant 128 : i32
      %add3A_653 = arith.addi %add3A_652, %mul3A_466 : i32
      %add3A_654 = arith.constant 1 : i32
      %add3A_655 = arith.addi %add3A_653, %add3A_654 : i32
      %add3A_656 = arith.constant 0 : i32
      %add3A_657 = arith.addi %add3A_656, %mul3A_466 : i32
      %add3A_658 = arith.constant 1 : i32
      %add3A_659 = arith.addi %add3A_657, %add3A_658 : i32
      %get3A_660 = arith.index_cast %add3A_659 : i32 to index
      %get3A_661 = arith.constant 48 : index
      %get3A_662 = tpu.vector_load %arg7[%get3A_660, %get3A_661] {strides = array<i32>} : memref<64x128xf32, #tpu.memory_space<vmem>>, vector<1x16xf32>,
      %get3A_663 = vector.shape_cast %get3A_662 : vector<1x16xf32> to vector<16xf32>
      %swap3A_664 = arith.index_cast %add3A_655 : i32 to index
      %swap3A_665 = arith.constant 48 : index
      %swap3A_666 = tpu.vector_load %arg8[%swap3A_664, %swap3A_665] {strides = array<i32>} : memref<256x128xf32, #tpu.memory_space<vmem>>, vector<1x16xf32>,
      %swap3A_667 = vector.shape_cast %swap3A_666 : vector<1x16xf32> to vector<16xf32>
      %swap3A_668 = vector.shape_cast %get3A_663 : vector<16xf32> to vector<1x16xf32>
      tpu.vector_store %arg8[%swap3A_664, %swap3A_665], %swap3A_668 {add = true, strides = array<i32>} : memref<256x128xf32, #tpu.memory_space<vmem>>, vector<1x16xf32>,
      %add3A_669 = arith.constant 128 : i32
      %add3A_670 = arith.addi %add3A_669, %mul3A_466 : i32
      %add3A_671 = arith.constant 1 : i32
      %add3A_672 = arith.addi %add3A_670, %add3A_671 : i32
      %add3A_673 = arith.constant 0 : i32
      %add3A_674 = arith.addi %add3A_673, %mul3A_466 : i32
      %add3A_675 = arith.constant 1 : i32
      %add3A_676 = arith.addi %add3A_674, %add3A_675 : i32
      %get3A_677 = arith.index_cast %add3A_676 : i32 to index
      %get3A_678 = arith.constant 64 : index
      %get3A_679 = tpu.vector_load %arg7[%get3A_677, %get3A_678] {strides = array<i32>} : memref<64x128xf32, #tpu.memory_space<vmem>>, vector<1x16xf32>,
      %get3A_680 = vector.shape_cast %get3A_679 : vector<1x16xf32> to vector<16xf32>
      %swap3A_681 = arith.index_cast %add3A_672 : i32 to index
      %swap3A_682 = arith.constant 64 : index
      %swap3A_683 = tpu.vector_load %arg8[%swap3A_681, %swap3A_682] {strides = array<i32>} : memref<256x128xf32, #tpu.memory_space<vmem>>, vector<1x16xf32>,
      %swap3A_684 = vector.shape_cast %swap3A_683 : vector<1x16xf32> to vector<16xf32>
      %swap3A_685 = vector.shape_cast %get3A_680 : vector<16xf32> to vector<1x16xf32>
      tpu.vector_store %arg8[%swap3A_681, %swap3A_682], %swap3A_685 {add = true, strides = array<i32>} : memref<256x128xf32, #tpu.memory_space<vmem>>, vector<1x16xf32>,
      %add3A_686 = arith.constant 128 : i32
      %add3A_687 = arith.addi %add3A_686, %mul3A_466 : i32
      %add3A_688 = arith.constant 1 : i32
      %add3A_689 = arith.addi %add3A_687, %add3A_688 : i32
      %add3A_690 = arith.constant 0 : i32
      %add3A_691 = arith.addi %add3A_690, %mul3A_466 : i32
      %add3A_692 = arith.constant 1 : i32
      %add3A_693 = arith.addi %add3A_691, %add3A_692 : i32
      %get3A_694 = arith.index_cast %add3A_693 : i32 to index
      %get3A_695 = arith.constant 80 : index
      %get3A_696 = tpu.vector_load %arg7[%get3A_694, %get3A_695] {strides = array<i32>} : memref<64x128xf32, #tpu.memory_space<vmem>>, vector<1x16xf32>,
      %get3A_697 = vector.shape_cast %get3A_696 : vector<1x16xf32> to vector<16xf32>
      %swap3A_698 = arith.index_cast %add3A_689 : i32 to index
      %swap3A_699 = arith.constant 80 : index
      %swap3A_700 = tpu.vector_load %arg8[%swap3A_698, %swap3A_699] {strides = array<i32>} : memref<256x128xf32, #tpu.memory_space<vmem>>, vector<1x16xf32>,
      %swap3A_701 = vector.shape_cast %swap3A_700 : vector<1x16xf32> to vector<16xf32>
      %swap3A_702 = vector.shape_cast %get3A_697 : vector<16xf32> to vector<1x16xf32>
      tpu.vector_store %arg8[%swap3A_698, %swap3A_699], %swap3A_702 {add = true, strides = array<i32>} : memref<256x128xf32, #tpu.memory_space<vmem>>, vector<1x16xf32>,
      %add3A_703 = arith.constant 128 : i32
      %add3A_704 = arith.addi %add3A_703, %mul3A_466 : i32
      %add3A_705 = arith.constant 1 : i32
      %add3A_706 = arith.addi %add3A_704, %add3A_705 : i32
      %add3A_707 = arith.constant 0 : i32
      %add3A_708 = arith.addi %add3A_707, %mul3A_466 : i32
      %add3A_709 = arith.constant 1 : i32
      %add3A_710 = arith.addi %add3A_708, %add3A_709 : i32
      %get3A_711 = arith.index_cast %add3A_710 : i32 to index
      %get3A_712 = arith.constant 96 : index
      %get3A_713 = tpu.vector_load %arg7[%get3A_711, %get3A_712] {strides = array<i32>} : memref<64x128xf32, #tpu.memory_space<vmem>>, vector<1x16xf32>,
      %get3A_714 = vector.shape_cast %get3A_713 : vector<1x16xf32> to vector<16xf32>
      %swap3A_715 = arith.index_cast %add3A_706 : i32 to index
      %swap3A_716 = arith.constant 96 : index
      %swap3A_717 = tpu.vector_load %arg8[%swap3A_715, %swap3A_716] {strides = array<i32>} : memref<256x128xf32, #tpu.memory_space<vmem>>, vector<1x16xf32>,
      %swap3A_718 = vector.shape_cast %swap3A_717 : vector<1x16xf32> to vector<16xf32>
      %swap3A_719 = vector.shape_cast %get3A_714 : vector<16xf32> to vector<1x16xf32>
      tpu.vector_store %arg8[%swap3A_715, %swap3A_716], %swap3A_719 {add = true, strides = array<i32>} : memref<256x128xf32, #tpu.memory_space<vmem>>, vector<1x16xf32>,
      %add3A_720 = arith.constant 128 : i32
      %add3A_721 = arith.addi %add3A_720, %mul3A_466 : i32
      %add3A_722 = arith.constant 1 : i32
      %add3A_723 = arith.addi %add3A_721, %add3A_722 : i32
      %add3A_724 = arith.constant 0 : i32
      %add3A_725 = arith.addi %add3A_724, %mul3A_466 : i32
      %add3A_726 = arith.constant 1 : i32
      %add3A_727 = arith.addi %add3A_725, %add3A_726 : i32
      %get3A_728 = arith.index_cast %add3A_727 : i32 to index
      %get3A_729 = arith.constant 112 : index
      %get3A_730 = tpu.vector_load %arg7[%get3A_728, %get3A_729] {strides = array<i32>} : memref<64x128xf32, #tpu.memory_space<vmem>>, vector<1x16xf32>,
      %get3A_731 = vector.shape_cast %get3A_730 : vector<1x16xf32> to vector<16xf32>
      %swap3A_732 = arith.index_cast %add3A_723 : i32 to index
      %swap3A_733 = arith.constant 112 : index
      %swap3A_734 = tpu.vector_load %arg8[%swap3A_732, %swap3A_733] {strides = array<i32>} : memref<256x128xf32, #tpu.memory_space<vmem>>, vector<1x16xf32>,
      %swap3A_735 = vector.shape_cast %swap3A_734 : vector<1x16xf32> to vector<16xf32>
      %swap3A_736 = vector.shape_cast %get3A_731 : vector<16xf32> to vector<1x16xf32>
      tpu.vector_store %arg8[%swap3A_732, %swap3A_733], %swap3A_736 {add = true, strides = array<i32>} : memref<256x128xf32, #tpu.memory_space<vmem>>, vector<1x16xf32>,
    }
    %scan3A_329 = arith.constant 32 : i32
    %add3A_330 = arith.constant 4096 : i32
    %add3A_331 = arith.addi %add3A_330, %mul3A_2 : i32
    %add3A_332 = arith.constant 0 : i32
    %add3A_333 = arith.addi %add3A_331, %add3A_332 : i32
    %dma_start3A_334 = arith.constant 128 : i32
    %dma_start3A_335 = arith.constant 0 : i32
    %dma_start3A_336 = tpu.memref_slice %arg8[%dma_start3A_334, %dma_start3A_335] : memref<256x128xf32, #tpu.memory_space<vmem>> -> memref<64x128xf32, #tpu.memory_space<vmem>>
    %dma_start3A_337 = arith.constant 0 : i32
    %dma_start3A_338 = tpu.memref_slice %arg5[%add3A_333, %dma_start3A_337] : memref<8192x128xf32, #tpu.memory_space<hbm>> -> memref<64x128xf32, #tpu.memory_space<hbm>>
    %dma_start3A_339 = arith.constant 0 : i32
    %dma_start3A_340 = tpu.memref_slice %arg5[%add3A_333, %dma_start3A_339] : memref<8192x128xf32, #tpu.memory_space<hbm>> -> memref<64x128xf32, #tpu.memory_space<hbm>>
    %dma_start3A_341 = arith.constant 128 : i32
    %dma_start3A_342 = arith.constant 0 : i32
    %dma_start3A_343 = tpu.memref_slice %arg8[%dma_start3A_341, %dma_start3A_342] : memref<256x128xf32, #tpu.memory_space<vmem>> -> memref<64x128xf32, #tpu.memory_space<vmem>>
    tpu.enqueue_dma source(%dma_start3A_343 : memref<64x128xf32, #tpu.memory_space<vmem>>) target(%dma_start3A_340 : memref<64x128xf32, #tpu.memory_space<hbm>>) target_semaphore(%arg16 : memref<!tpu.dma_semaphore, #tpu.memory_space<semaphore_mem>>)
    %dma_wait3A_344 = arith.constant 4 : i32
    %dma_wait3A_345 = arith.constant 192 : i32
    %dma_wait3A_346 = arith.constant 0 : i32
    %dma_wait3A_347 = tpu.memref_slice %arg8[%dma_wait3A_345, %dma_wait3A_346] : memref<256x128xf32, #tpu.memory_space<vmem>> -> memref<32x128xf32, #tpu.memory_space<vmem>>
    %dma_wait3A_348 = arith.constant 0 : i32
    %dma_wait3A_349 = tpu.memref_slice %arg6[%dma_wait3A_344, %dma_wait3A_348] : memref<6x64xi32, #tpu.memory_space<vmem>> -> memref<1x32xi32, #tpu.memory_space<vmem>>
    %dma_wait3A_350 = tpu.memref_squeeze %dma_wait3A_349 : memref<1x32xi32, #tpu.memory_space<vmem>> -> memref<32xi32, #tpu.memory_space<vmem>>
    %dma_wait3A_351 = arith.constant 0 : i32
    %dma_wait3A_352 = arith.constant 0 : i32
    %dma_wait3A_353 = tpu.memref_slice %arg3[%dma_wait3A_351, %dma_wait3A_352] : memref<100000x128xf32, #tpu.memory_space<hbm>> -> memref<100000x128xf32, #tpu.memory_space<hbm>>
    tpu.wait_indirect_dma semaphore(%arg13 : memref<!tpu.dma_semaphore, #tpu.memory_space<semaphore_mem>>) src(%dma_wait3A_353 : memref<100000x128xf32, #tpu.memory_space<hbm>>) dst(%dma_wait3A_347 : memref<32x128xf32, #tpu.memory_space<vmem>>)
    %scan3A_354 = arith.constant 0 : i32
    %scan3A_355 = arith.constant 0 : i32
    %scan3A_356 = arith.constant 16 : i32
    %scan3A_357 = arith.addi %scan3A_355, %scan3A_356 : i32
    %scan3A_358 = arith.constant 1 : i32
    scf.for %scan3A_464 = %scan3A_355 to %scan3A_357 step %scan3A_358  : i32 {
      %mul3A_465 = arith.constant 2 : i32
      %mul3A_466 = arith.muli %scan3A_464, %mul3A_465 : i32
      %add3A_467 = arith.constant 192 : i32
      %add3A_468 = arith.addi %add3A_467, %mul3A_466 : i32
      %add3A_469 = arith.constant 0 : i32
      %add3A_470 = arith.addi %add3A_468, %add3A_469 : i32
      %add3A_471 = arith.constant 0 : i32
      %add3A_472 = arith.addi %add3A_471, %mul3A_466 : i32
      %add3A_473 = arith.constant 0 : i32
      %add3A_474 = arith.addi %add3A_472, %add3A_473 : i32
      %get3A = arith.index_cast %add3A_474 : i32 to index
      %get3A_475 = arith.constant 0 : index
      %get3A_476 = tpu.vector_load %arg7[%get3A, %get3A_475] {strides = array<i32>} : memref<64x128xf32, #tpu.memory_space<vmem>>, vector<1x16xf32>,
      %get3A_477 = vector.shape_cast %get3A_476 : vector<1x16xf32> to vector<16xf32>
      %swap3A = arith.index_cast %add3A_470 : i32 to index
      %swap3A_478 = arith.constant 0 : index
      %swap3A_479 = tpu.vector_load %arg8[%swap3A, %swap3A_478] {strides = array<i32>} : memref<256x128xf32, #tpu.memory_space<vmem>>, vector<1x16xf32>,
      %swap3A_480 = vector.shape_cast %swap3A_479 : vector<1x16xf32> to vector<16xf32>
      %swap3A_481 = vector.shape_cast %get3A_477 : vector<16xf32> to vector<1x16xf32>
      tpu.vector_store %arg8[%swap3A, %swap3A_478], %swap3A_481 {add = true, strides = array<i32>} : memref<256x128xf32, #tpu.memory_space<vmem>>, vector<1x16xf32>,
      %add3A_482 = arith.constant 192 : i32
      %add3A_483 = arith.addi %add3A_482, %mul3A_466 : i32
      %add3A_484 = arith.constant 0 : i32
      %add3A_485 = arith.addi %add3A_483, %add3A_484 : i32
      %add3A_486 = arith.constant 0 : i32
      %add3A_487 = arith.addi %add3A_486, %mul3A_466 : i32
      %add3A_488 = arith.constant 0 : i32
      %add3A_489 = arith.addi %add3A_487, %add3A_488 : i32
      %get3A_490 = arith.index_cast %add3A_489 : i32 to index
      %get3A_491 = arith.constant 16 : index
      %get3A_492 = tpu.vector_load %arg7[%get3A_490, %get3A_491] {strides = array<i32>} : memref<64x128xf32, #tpu.memory_space<vmem>>, vector<1x16xf32>,
      %get3A_493 = vector.shape_cast %get3A_492 : vector<1x16xf32> to vector<16xf32>
      %swap3A_494 = arith.index_cast %add3A_485 : i32 to index
      %swap3A_495 = arith.constant 16 : index
      %swap3A_496 = tpu.vector_load %arg8[%swap3A_494, %swap3A_495] {strides = array<i32>} : memref<256x128xf32, #tpu.memory_space<vmem>>, vector<1x16xf32>,
      %swap3A_497 = vector.shape_cast %swap3A_496 : vector<1x16xf32> to vector<16xf32>
      %swap3A_498 = vector.shape_cast %get3A_493 : vector<16xf32> to vector<1x16xf32>
      tpu.vector_store %arg8[%swap3A_494, %swap3A_495], %swap3A_498 {add = true, strides = array<i32>} : memref<256x128xf32, #tpu.memory_space<vmem>>, vector<1x16xf32>,
      %add3A_499 = arith.constant 192 : i32
      %add3A_500 = arith.addi %add3A_499, %mul3A_466 : i32
      %add3A_501 = arith.constant 0 : i32
      %add3A_502 = arith.addi %add3A_500, %add3A_501 : i32
      %add3A_503 = arith.constant 0 : i32
      %add3A_504 = arith.addi %add3A_503, %mul3A_466 : i32
      %add3A_505 = arith.constant 0 : i32
      %add3A_506 = arith.addi %add3A_504, %add3A_505 : i32
      %get3A_507 = arith.index_cast %add3A_506 : i32 to index
      %get3A_508 = arith.constant 32 : index
      %get3A_509 = tpu.vector_load %arg7[%get3A_507, %get3A_508] {strides = array<i32>} : memref<64x128xf32, #tpu.memory_space<vmem>>, vector<1x16xf32>,
      %get3A_510 = vector.shape_cast %get3A_509 : vector<1x16xf32> to vector<16xf32>
      %swap3A_511 = arith.index_cast %add3A_502 : i32 to index
      %swap3A_512 = arith.constant 32 : index
      %swap3A_513 = tpu.vector_load %arg8[%swap3A_511, %swap3A_512] {strides = array<i32>} : memref<256x128xf32, #tpu.memory_space<vmem>>, vector<1x16xf32>,
      %swap3A_514 = vector.shape_cast %swap3A_513 : vector<1x16xf32> to vector<16xf32>
      %swap3A_515 = vector.shape_cast %get3A_510 : vector<16xf32> to vector<1x16xf32>
      tpu.vector_store %arg8[%swap3A_511, %swap3A_512], %swap3A_515 {add = true, strides = array<i32>} : memref<256x128xf32, #tpu.memory_space<vmem>>, vector<1x16xf32>,
      %add3A_516 = arith.constant 192 : i32
      %add3A_517 = arith.addi %add3A_516, %mul3A_466 : i32
      %add3A_518 = arith.constant 0 : i32
      %add3A_519 = arith.addi %add3A_517, %add3A_518 : i32
      %add3A_520 = arith.constant 0 : i32
      %add3A_521 = arith.addi %add3A_520, %mul3A_466 : i32
      %add3A_522 = arith.constant 0 : i32
      %add3A_523 = arith.addi %add3A_521, %add3A_522 : i32
      %get3A_524 = arith.index_cast %add3A_523 : i32 to index
      %get3A_525 = arith.constant 48 : index
      %get3A_526 = tpu.vector_load %arg7[%get3A_524, %get3A_525] {strides = array<i32>} : memref<64x128xf32, #tpu.memory_space<vmem>>, vector<1x16xf32>,
      %get3A_527 = vector.shape_cast %get3A_526 : vector<1x16xf32> to vector<16xf32>
      %swap3A_528 = arith.index_cast %add3A_519 : i32 to index
      %swap3A_529 = arith.constant 48 : index
      %swap3A_530 = tpu.vector_load %arg8[%swap3A_528, %swap3A_529] {strides = array<i32>} : memref<256x128xf32, #tpu.memory_space<vmem>>, vector<1x16xf32>,
      %swap3A_531 = vector.shape_cast %swap3A_530 : vector<1x16xf32> to vector<16xf32>
      %swap3A_532 = vector.shape_cast %get3A_527 : vector<16xf32> to vector<1x16xf32>
      tpu.vector_store %arg8[%swap3A_528, %swap3A_529], %swap3A_532 {add = true, strides = array<i32>} : memref<256x128xf32, #tpu.memory_space<vmem>>, vector<1x16xf32>,
      %add3A_533 = arith.constant 192 : i32
      %add3A_534 = arith.addi %add3A_533, %mul3A_466 : i32
      %add3A_535 = arith.constant 0 : i32
      %add3A_536 = arith.addi %add3A_534, %add3A_535 : i32
      %add3A_537 = arith.constant 0 : i32
      %add3A_538 = arith.addi %add3A_537, %mul3A_466 : i32
      %add3A_539 = arith.constant 0 : i32
      %add3A_540 = arith.addi %add3A_538, %add3A_539 : i32
      %get3A_541 = arith.index_cast %add3A_540 : i32 to index
      %get3A_542 = arith.constant 64 : index
      %get3A_543 = tpu.vector_load %arg7[%get3A_541, %get3A_542] {strides = array<i32>} : memref<64x128xf32, #tpu.memory_space<vmem>>, vector<1x16xf32>,
      %get3A_544 = vector.shape_cast %get3A_543 : vector<1x16xf32> to vector<16xf32>
      %swap3A_545 = arith.index_cast %add3A_536 : i32 to index
      %swap3A_546 = arith.constant 64 : index
      %swap3A_547 = tpu.vector_load %arg8[%swap3A_545, %swap3A_546] {strides = array<i32>} : memref<256x128xf32, #tpu.memory_space<vmem>>, vector<1x16xf32>,
      %swap3A_548 = vector.shape_cast %swap3A_547 : vector<1x16xf32> to vector<16xf32>
      %swap3A_549 = vector.shape_cast %get3A_544 : vector<16xf32> to vector<1x16xf32>
      tpu.vector_store %arg8[%swap3A_545, %swap3A_546], %swap3A_549 {add = true, strides = array<i32>} : memref<256x128xf32, #tpu.memory_space<vmem>>, vector<1x16xf32>,
      %add3A_550 = arith.constant 192 : i32
      %add3A_551 = arith.addi %add3A_550, %mul3A_466 : i32
      %add3A_552 = arith.constant 0 : i32
      %add3A_553 = arith.addi %add3A_551, %add3A_552 : i32
      %add3A_554 = arith.constant 0 : i32
      %add3A_555 = arith.addi %add3A_554, %mul3A_466 : i32
      %add3A_556 = arith.constant 0 : i32
      %add3A_557 = arith.addi %add3A_555, %add3A_556 : i32
      %get3A_558 = arith.index_cast %add3A_557 : i32 to index
      %get3A_559 = arith.constant 80 : index
      %get3A_560 = tpu.vector_load %arg7[%get3A_558, %get3A_559] {strides = array<i32>} : memref<64x128xf32, #tpu.memory_space<vmem>>, vector<1x16xf32>,
      %get3A_561 = vector.shape_cast %get3A_560 : vector<1x16xf32> to vector<16xf32>
      %swap3A_562 = arith.index_cast %add3A_553 : i32 to index
      %swap3A_563 = arith.constant 80 : index
      %swap3A_564 = tpu.vector_load %arg8[%swap3A_562, %swap3A_563] {strides = array<i32>} : memref<256x128xf32, #tpu.memory_space<vmem>>, vector<1x16xf32>,
      %swap3A_565 = vector.shape_cast %swap3A_564 : vector<1x16xf32> to vector<16xf32>
      %swap3A_566 = vector.shape_cast %get3A_561 : vector<16xf32> to vector<1x16xf32>
      tpu.vector_store %arg8[%swap3A_562, %swap3A_563], %swap3A_566 {add = true, strides = array<i32>} : memref<256x128xf32, #tpu.memory_space<vmem>>, vector<1x16xf32>,
      %add3A_567 = arith.constant 192 : i32
      %add3A_568 = arith.addi %add3A_567, %mul3A_466 : i32
      %add3A_569 = arith.constant 0 : i32
      %add3A_570 = arith.addi %add3A_568, %add3A_569 : i32
      %add3A_571 = arith.constant 0 : i32
      %add3A_572 = arith.addi %add3A_571, %mul3A_466 : i32
      %add3A_573 = arith.constant 0 : i32
      %add3A_574 = arith.addi %add3A_572, %add3A_573 : i32
      %get3A_575 = arith.index_cast %add3A_574 : i32 to index
      %get3A_576 = arith.constant 96 : index
      %get3A_577 = tpu.vector_load %arg7[%get3A_575, %get3A_576] {strides = array<i32>} : memref<64x128xf32, #tpu.memory_space<vmem>>, vector<1x16xf32>,
      %get3A_578 = vector.shape_cast %get3A_577 : vector<1x16xf32> to vector<16xf32>
      %swap3A_579 = arith.index_cast %add3A_570 : i32 to index
      %swap3A_580 = arith.constant 96 : index
      %swap3A_581 = tpu.vector_load %arg8[%swap3A_579, %swap3A_580] {strides = array<i32>} : memref<256x128xf32, #tpu.memory_space<vmem>>, vector<1x16xf32>,
      %swap3A_582 = vector.shape_cast %swap3A_581 : vector<1x16xf32> to vector<16xf32>
      %swap3A_583 = vector.shape_cast %get3A_578 : vector<16xf32> to vector<1x16xf32>
      tpu.vector_store %arg8[%swap3A_579, %swap3A_580], %swap3A_583 {add = true, strides = array<i32>} : memref<256x128xf32, #tpu.memory_space<vmem>>, vector<1x16xf32>,
      %add3A_584 = arith.constant 192 : i32
      %add3A_585 = arith.addi %add3A_584, %mul3A_466 : i32
      %add3A_586 = arith.constant 0 : i32
      %add3A_587 = arith.addi %add3A_585, %add3A_586 : i32
      %add3A_588 = arith.constant 0 : i32
      %add3A_589 = arith.addi %add3A_588, %mul3A_466 : i32
      %add3A_590 = arith.constant 0 : i32
      %add3A_591 = arith.addi %add3A_589, %add3A_590 : i32
      %get3A_592 = arith.index_cast %add3A_591 : i32 to index
      %get3A_593 = arith.constant 112 : index
      %get3A_594 = tpu.vector_load %arg7[%get3A_592, %get3A_593] {strides = array<i32>} : memref<64x128xf32, #tpu.memory_space<vmem>>, vector<1x16xf32>,
      %get3A_595 = vector.shape_cast %get3A_594 : vector<1x16xf32> to vector<16xf32>
      %swap3A_596 = arith.index_cast %add3A_587 : i32 to index
      %swap3A_597 = arith.constant 112 : index
      %swap3A_598 = tpu.vector_load %arg8[%swap3A_596, %swap3A_597] {strides = array<i32>} : memref<256x128xf32, #tpu.memory_space<vmem>>, vector<1x16xf32>,
      %swap3A_599 = vector.shape_cast %swap3A_598 : vector<1x16xf32> to vector<16xf32>
      %swap3A_600 = vector.shape_cast %get3A_595 : vector<16xf32> to vector<1x16xf32>
      tpu.vector_store %arg8[%swap3A_596, %swap3A_597], %swap3A_600 {add = true, strides = array<i32>} : memref<256x128xf32, #tpu.memory_space<vmem>>, vector<1x16xf32>,
      %add3A_601 = arith.constant 192 : i32
      %add3A_602 = arith.addi %add3A_601, %mul3A_466 : i32
      %add3A_603 = arith.constant 1 : i32
      %add3A_604 = arith.addi %add3A_602, %add3A_603 : i32
      %add3A_605 = arith.constant 0 : i32
      %add3A_606 = arith.addi %add3A_605, %mul3A_466 : i32
      %add3A_607 = arith.constant 1 : i32
      %add3A_608 = arith.addi %add3A_606, %add3A_607 : i32
      %get3A_609 = arith.index_cast %add3A_608 : i32 to index
      %get3A_610 = arith.constant 0 : index
      %get3A_611 = tpu.vector_load %arg7[%get3A_609, %get3A_610] {strides = array<i32>} : memref<64x128xf32, #tpu.memory_space<vmem>>, vector<1x16xf32>,
      %get3A_612 = vector.shape_cast %get3A_611 : vector<1x16xf32> to vector<16xf32>
      %swap3A_613 = arith.index_cast %add3A_604 : i32 to index
      %swap3A_614 = arith.constant 0 : index
      %swap3A_615 = tpu.vector_load %arg8[%swap3A_613, %swap3A_614] {strides = array<i32>} : memref<256x128xf32, #tpu.memory_space<vmem>>, vector<1x16xf32>,
      %swap3A_616 = vector.shape_cast %swap3A_615 : vector<1x16xf32> to vector<16xf32>
      %swap3A_617 = vector.shape_cast %get3A_612 : vector<16xf32> to vector<1x16xf32>
      tpu.vector_store %arg8[%swap3A_613, %swap3A_614], %swap3A_617 {add = true, strides = array<i32>} : memref<256x128xf32, #tpu.memory_space<vmem>>, vector<1x16xf32>,
      %add3A_618 = arith.constant 192 : i32
      %add3A_619 = arith.addi %add3A_618, %mul3A_466 : i32
      %add3A_620 = arith.constant 1 : i32
      %add3A_621 = arith.addi %add3A_619, %add3A_620 : i32
      %add3A_622 = arith.constant 0 : i32
      %add3A_623 = arith.addi %add3A_622, %mul3A_466 : i32
      %add3A_624 = arith.constant 1 : i32
      %add3A_625 = arith.addi %add3A_623, %add3A_624 : i32
      %get3A_626 = arith.index_cast %add3A_625 : i32 to index
      %get3A_627 = arith.constant 16 : index
      %get3A_628 = tpu.vector_load %arg7[%get3A_626, %get3A_627] {strides = array<i32>} : memref<64x128xf32, #tpu.memory_space<vmem>>, vector<1x16xf32>,
      %get3A_629 = vector.shape_cast %get3A_628 : vector<1x16xf32> to vector<16xf32>
      %swap3A_630 = arith.index_cast %add3A_621 : i32 to index
      %swap3A_631 = arith.constant 16 : index
      %swap3A_632 = tpu.vector_load %arg8[%swap3A_630, %swap3A_631] {strides = array<i32>} : memref<256x128xf32, #tpu.memory_space<vmem>>, vector<1x16xf32>,
      %swap3A_633 = vector.shape_cast %swap3A_632 : vector<1x16xf32> to vector<16xf32>
      %swap3A_634 = vector.shape_cast %get3A_629 : vector<16xf32> to vector<1x16xf32>
      tpu.vector_store %arg8[%swap3A_630, %swap3A_631], %swap3A_634 {add = true, strides = array<i32>} : memref<256x128xf32, #tpu.memory_space<vmem>>, vector<1x16xf32>,
      %add3A_635 = arith.constant 192 : i32
      %add3A_636 = arith.addi %add3A_635, %mul3A_466 : i32
      %add3A_637 = arith.constant 1 : i32
      %add3A_638 = arith.addi %add3A_636, %add3A_637 : i32
      %add3A_639 = arith.constant 0 : i32
      %add3A_640 = arith.addi %add3A_639, %mul3A_466 : i32
      %add3A_641 = arith.constant 1 : i32
      %add3A_642 = arith.addi %add3A_640, %add3A_641 : i32
      %get3A_643 = arith.index_cast %add3A_642 : i32 to index
      %get3A_644 = arith.constant 32 : index
      %get3A_645 = tpu.vector_load %arg7[%get3A_643, %get3A_644] {strides = array<i32>} : memref<64x128xf32, #tpu.memory_space<vmem>>, vector<1x16xf32>,
      %get3A_646 = vector.shape_cast %get3A_645 : vector<1x16xf32> to vector<16xf32>
      %swap3A_647 = arith.index_cast %add3A_638 : i32 to index
      %swap3A_648 = arith.constant 32 : index
      %swap3A_649 = tpu.vector_load %arg8[%swap3A_647, %swap3A_648] {strides = array<i32>} : memref<256x128xf32, #tpu.memory_space<vmem>>, vector<1x16xf32>,
      %swap3A_650 = vector.shape_cast %swap3A_649 : vector<1x16xf32> to vector<16xf32>
      %swap3A_651 = vector.shape_cast %get3A_646 : vector<16xf32> to vector<1x16xf32>
      tpu.vector_store %arg8[%swap3A_647, %swap3A_648], %swap3A_651 {add = true, strides = array<i32>} : memref<256x128xf32, #tpu.memory_space<vmem>>, vector<1x16xf32>,
      %add3A_652 = arith.constant 192 : i32
      %add3A_653 = arith.addi %add3A_652, %mul3A_466 : i32
      %add3A_654 = arith.constant 1 : i32
      %add3A_655 = arith.addi %add3A_653, %add3A_654 : i32
      %add3A_656 = arith.constant 0 : i32
      %add3A_657 = arith.addi %add3A_656, %mul3A_466 : i32
      %add3A_658 = arith.constant 1 : i32
      %add3A_659 = arith.addi %add3A_657, %add3A_658 : i32
      %get3A_660 = arith.index_cast %add3A_659 : i32 to index
      %get3A_661 = arith.constant 48 : index
      %get3A_662 = tpu.vector_load %arg7[%get3A_660, %get3A_661] {strides = array<i32>} : memref<64x128xf32, #tpu.memory_space<vmem>>, vector<1x16xf32>,
      %get3A_663 = vector.shape_cast %get3A_662 : vector<1x16xf32> to vector<16xf32>
      %swap3A_664 = arith.index_cast %add3A_655 : i32 to index
      %swap3A_665 = arith.constant 48 : index
      %swap3A_666 = tpu.vector_load %arg8[%swap3A_664, %swap3A_665] {strides = array<i32>} : memref<256x128xf32, #tpu.memory_space<vmem>>, vector<1x16xf32>,
      %swap3A_667 = vector.shape_cast %swap3A_666 : vector<1x16xf32> to vector<16xf32>
      %swap3A_668 = vector.shape_cast %get3A_663 : vector<16xf32> to vector<1x16xf32>
      tpu.vector_store %arg8[%swap3A_664, %swap3A_665], %swap3A_668 {add = true, strides = array<i32>} : memref<256x128xf32, #tpu.memory_space<vmem>>, vector<1x16xf32>,
      %add3A_669 = arith.constant 192 : i32
      %add3A_670 = arith.addi %add3A_669, %mul3A_466 : i32
      %add3A_671 = arith.constant 1 : i32
      %add3A_672 = arith.addi %add3A_670, %add3A_671 : i32
      %add3A_673 = arith.constant 0 : i32
      %add3A_674 = arith.addi %add3A_673, %mul3A_466 : i32
      %add3A_675 = arith.constant 1 : i32
      %add3A_676 = arith.addi %add3A_674, %add3A_675 : i32
      %get3A_677 = arith.index_cast %add3A_676 : i32 to index
      %get3A_678 = arith.constant 64 : index
      %get3A_679 = tpu.vector_load %arg7[%get3A_677, %get3A_678] {strides = array<i32>} : memref<64x128xf32, #tpu.memory_space<vmem>>, vector<1x16xf32>,
      %get3A_680 = vector.shape_cast %get3A_679 : vector<1x16xf32> to vector<16xf32>
      %swap3A_681 = arith.index_cast %add3A_672 : i32 to index
      %swap3A_682 = arith.constant 64 : index
      %swap3A_683 = tpu.vector_load %arg8[%swap3A_681, %swap3A_682] {strides = array<i32>} : memref<256x128xf32, #tpu.memory_space<vmem>>, vector<1x16xf32>,
      %swap3A_684 = vector.shape_cast %swap3A_683 : vector<1x16xf32> to vector<16xf32>
      %swap3A_685 = vector.shape_cast %get3A_680 : vector<16xf32> to vector<1x16xf32>
      tpu.vector_store %arg8[%swap3A_681, %swap3A_682], %swap3A_685 {add = true, strides = array<i32>} : memref<256x128xf32, #tpu.memory_space<vmem>>, vector<1x16xf32>,
      %add3A_686 = arith.constant 192 : i32
      %add3A_687 = arith.addi %add3A_686, %mul3A_466 : i32
      %add3A_688 = arith.constant 1 : i32
      %add3A_689 = arith.addi %add3A_687, %add3A_688 : i32
      %add3A_690 = arith.constant 0 : i32
      %add3A_691 = arith.addi %add3A_690, %mul3A_466 : i32
      %add3A_692 = arith.constant 1 : i32
      %add3A_693 = arith.addi %add3A_691, %add3A_692 : i32
      %get3A_694 = arith.index_cast %add3A_693 : i32 to index
      %get3A_695 = arith.constant 80 : index
      %get3A_696 = tpu.vector_load %arg7[%get3A_694, %get3A_695] {strides = array<i32>} : memref<64x128xf32, #tpu.memory_space<vmem>>, vector<1x16xf32>,
      %get3A_697 = vector.shape_cast %get3A_696 : vector<1x16xf32> to vector<16xf32>
      %swap3A_698 = arith.index_cast %add3A_689 : i32 to index
      %swap3A_699 = arith.constant 80 : index
      %swap3A_700 = tpu.vector_load %arg8[%swap3A_698, %swap3A_699] {strides = array<i32>} : memref<256x128xf32, #tpu.memory_space<vmem>>, vector<1x16xf32>,
      %swap3A_701 = vector.shape_cast %swap3A_700 : vector<1x16xf32> to vector<16xf32>
      %swap3A_702 = vector.shape_cast %get3A_697 : vector<16xf32> to vector<1x16xf32>
      tpu.vector_store %arg8[%swap3A_698, %swap3A_699], %swap3A_702 {add = true, strides = array<i32>} : memref<256x128xf32, #tpu.memory_space<vmem>>, vector<1x16xf32>,
      %add3A_703 = arith.constant 192 : i32
      %add3A_704 = arith.addi %add3A_703, %mul3A_466 : i32
      %add3A_705 = arith.constant 1 : i32
      %add3A_706 = arith.addi %add3A_704, %add3A_705 : i32
      %add3A_707 = arith.constant 0 : i32
      %add3A_708 = arith.addi %add3A_707, %mul3A_466 : i32
      %add3A_709 = arith.constant 1 : i32
      %add3A_710 = arith.addi %add3A_708, %add3A_709 : i32
      %get3A_711 = arith.index_cast %add3A_710 : i32 to index
      %get3A_712 = arith.constant 96 : index
      %get3A_713 = tpu.vector_load %arg7[%get3A_711, %get3A_712] {strides = array<i32>} : memref<64x128xf32, #tpu.memory_space<vmem>>, vector<1x16xf32>,
      %get3A_714 = vector.shape_cast %get3A_713 : vector<1x16xf32> to vector<16xf32>
      %swap3A_715 = arith.index_cast %add3A_706 : i32 to index
      %swap3A_716 = arith.constant 96 : index
      %swap3A_717 = tpu.vector_load %arg8[%swap3A_715, %swap3A_716] {strides = array<i32>} : memref<256x128xf32, #tpu.memory_space<vmem>>, vector<1x16xf32>,
      %swap3A_718 = vector.shape_cast %swap3A_717 : vector<1x16xf32> to vector<16xf32>
      %swap3A_719 = vector.shape_cast %get3A_714 : vector<16xf32> to vector<1x16xf32>
      tpu.vector_store %arg8[%swap3A_715, %swap3A_716], %swap3A_719 {add = true, strides = array<i32>} : memref<256x128xf32, #tpu.memory_space<vmem>>, vector<1x16xf32>,
      %add3A_720 = arith.constant 192 : i32
      %add3A_721 = arith.addi %add3A_720, %mul3A_466 : i32
      %add3A_722 = arith.constant 1 : i32
      %add3A_723 = arith.addi %add3A_721, %add3A_722 : i32
      %add3A_724 = arith.constant 0 : i32
      %add3A_725 = arith.addi %add3A_724, %mul3A_466 : i32
      %add3A_726 = arith.constant 1 : i32
      %add3A_727 = arith.addi %add3A_725, %add3A_726 : i32
      %get3A_728 = arith.index_cast %add3A_727 : i32 to index
      %get3A_729 = arith.constant 112 : index
      %get3A_730 = tpu.vector_load %arg7[%get3A_728, %get3A_729] {strides = array<i32>} : memref<64x128xf32, #tpu.memory_space<vmem>>, vector<1x16xf32>,
      %get3A_731 = vector.shape_cast %get3A_730 : vector<1x16xf32> to vector<16xf32>
      %swap3A_732 = arith.index_cast %add3A_723 : i32 to index
      %swap3A_733 = arith.constant 112 : index
      %swap3A_734 = tpu.vector_load %arg8[%swap3A_732, %swap3A_733] {strides = array<i32>} : memref<256x128xf32, #tpu.memory_space<vmem>>, vector<1x16xf32>,
      %swap3A_735 = vector.shape_cast %swap3A_734 : vector<1x16xf32> to vector<16xf32>
      %swap3A_736 = vector.shape_cast %get3A_731 : vector<16xf32> to vector<1x16xf32>
      tpu.vector_store %arg8[%swap3A_732, %swap3A_733], %swap3A_736 {add = true, strides = array<i32>} : memref<256x128xf32, #tpu.memory_space<vmem>>, vector<1x16xf32>,
    }
    %scan3A_359 = arith.constant 16 : i32
    %add3A_360 = arith.constant 6144 : i32
    %add3A_361 = arith.addi %add3A_360, %mul3A_2 : i32
    %add3A_362 = arith.constant 0 : i32
    %add3A_363 = arith.addi %add3A_361, %add3A_362 : i32
    %dma_start3A_364 = arith.constant 192 : i32
    %dma_start3A_365 = arith.constant 0 : i32
    %dma_start3A_366 = tpu.memref_slice %arg8[%dma_start3A_364, %dma_start3A_365] : memref<256x128xf32, #tpu.memory_space<vmem>> -> memref<32x128xf32, #tpu.memory_space<vmem>>
    %dma_start3A_367 = arith.constant 0 : i32
    %dma_start3A_368 = tpu.memref_slice %arg5[%add3A_363, %dma_start3A_367] : memref<8192x128xf32, #tpu.memory_space<hbm>> -> memref<32x128xf32, #tpu.memory_space<hbm>>
    %dma_start3A_369 = arith.constant 0 : i32
    %dma_start3A_370 = tpu.memref_slice %arg5[%add3A_363, %dma_start3A_369] : memref<8192x128xf32, #tpu.memory_space<hbm>> -> memref<32x128xf32, #tpu.memory_space<hbm>>
    %dma_start3A_371 = arith.constant 192 : i32
    %dma_start3A_372 = arith.constant 0 : i32
    %dma_start3A_373 = tpu.memref_slice %arg8[%dma_start3A_371, %dma_start3A_372] : memref<256x128xf32, #tpu.memory_space<vmem>> -> memref<32x128xf32, #tpu.memory_space<vmem>>
    tpu.enqueue_dma source(%dma_start3A_373 : memref<32x128xf32, #tpu.memory_space<vmem>>) target(%dma_start3A_370 : memref<32x128xf32, #tpu.memory_space<hbm>>) target_semaphore(%arg16 : memref<!tpu.dma_semaphore, #tpu.memory_space<semaphore_mem>>)
    %dma_wait3A_374 = arith.constant 5 : i32
    %dma_wait3A_375 = arith.constant 224 : i32
    %dma_wait3A_376 = arith.constant 0 : i32
    %dma_wait3A_377 = tpu.memref_slice %arg8[%dma_wait3A_375, %dma_wait3A_376] : memref<256x128xf32, #tpu.memory_space<vmem>> -> memref<32x128xf32, #tpu.memory_space<vmem>>
    %dma_wait3A_378 = arith.constant 0 : i32
    %dma_wait3A_379 = tpu.memref_slice %arg6[%dma_wait3A_374, %dma_wait3A_378] : memref<6x64xi32, #tpu.memory_space<vmem>> -> memref<1x32xi32, #tpu.memory_space<vmem>>
    %dma_wait3A_380 = tpu.memref_squeeze %dma_wait3A_379 : memref<1x32xi32, #tpu.memory_space<vmem>> -> memref<32xi32, #tpu.memory_space<vmem>>
    %dma_wait3A_381 = arith.constant 0 : i32
    %dma_wait3A_382 = arith.constant 0 : i32
    %dma_wait3A_383 = tpu.memref_slice %arg3[%dma_wait3A_381, %dma_wait3A_382] : memref<100000x128xf32, #tpu.memory_space<hbm>> -> memref<100000x128xf32, #tpu.memory_space<hbm>>
    tpu.wait_indirect_dma semaphore(%arg14 : memref<!tpu.dma_semaphore, #tpu.memory_space<semaphore_mem>>) src(%dma_wait3A_383 : memref<100000x128xf32, #tpu.memory_space<hbm>>) dst(%dma_wait3A_377 : memref<32x128xf32, #tpu.memory_space<vmem>>)
    %scan3A_384 = arith.constant 0 : i32
    %scan3A_385 = arith.constant 0 : i32
    %scan3A_386 = arith.constant 16 : i32
    %scan3A_387 = arith.addi %scan3A_385, %scan3A_386 : i32
    %scan3A_388 = arith.constant 1 : i32
    scf.for %scan3A_464 = %scan3A_385 to %scan3A_387 step %scan3A_388  : i32 {
      %mul3A_465 = arith.constant 2 : i32
      %mul3A_466 = arith.muli %scan3A_464, %mul3A_465 : i32
      %add3A_467 = arith.constant 224 : i32
      %add3A_468 = arith.addi %add3A_467, %mul3A_466 : i32
      %add3A_469 = arith.constant 0 : i32
      %add3A_470 = arith.addi %add3A_468, %add3A_469 : i32
      %add3A_471 = arith.constant 32 : i32
      %add3A_472 = arith.addi %add3A_471, %mul3A_466 : i32
      %add3A_473 = arith.constant 0 : i32
      %add3A_474 = arith.addi %add3A_472, %add3A_473 : i32
      %get3A = arith.index_cast %add3A_474 : i32 to index
      %get3A_475 = arith.constant 0 : index
      %get3A_476 = tpu.vector_load %arg7[%get3A, %get3A_475] {strides = array<i32>} : memref<64x128xf32, #tpu.memory_space<vmem>>, vector<1x16xf32>,
      %get3A_477 = vector.shape_cast %get3A_476 : vector<1x16xf32> to vector<16xf32>
      %swap3A = arith.index_cast %add3A_470 : i32 to index
      %swap3A_478 = arith.constant 0 : index
      %swap3A_479 = tpu.vector_load %arg8[%swap3A, %swap3A_478] {strides = array<i32>} : memref<256x128xf32, #tpu.memory_space<vmem>>, vector<1x16xf32>,
      %swap3A_480 = vector.shape_cast %swap3A_479 : vector<1x16xf32> to vector<16xf32>
      %swap3A_481 = vector.shape_cast %get3A_477 : vector<16xf32> to vector<1x16xf32>
      tpu.vector_store %arg8[%swap3A, %swap3A_478], %swap3A_481 {add = true, strides = array<i32>} : memref<256x128xf32, #tpu.memory_space<vmem>>, vector<1x16xf32>,
      %add3A_482 = arith.constant 224 : i32
      %add3A_483 = arith.addi %add3A_482, %mul3A_466 : i32
      %add3A_484 = arith.constant 0 : i32
      %add3A_485 = arith.addi %add3A_483, %add3A_484 : i32
      %add3A_486 = arith.constant 32 : i32
      %add3A_487 = arith.addi %add3A_486, %mul3A_466 : i32
      %add3A_488 = arith.constant 0 : i32
      %add3A_489 = arith.addi %add3A_487, %add3A_488 : i32
      %get3A_490 = arith.index_cast %add3A_489 : i32 to index
      %get3A_491 = arith.constant 16 : index
      %get3A_492 = tpu.vector_load %arg7[%get3A_490, %get3A_491] {strides = array<i32>} : memref<64x128xf32, #tpu.memory_space<vmem>>, vector<1x16xf32>,
      %get3A_493 = vector.shape_cast %get3A_492 : vector<1x16xf32> to vector<16xf32>
      %swap3A_494 = arith.index_cast %add3A_485 : i32 to index
      %swap3A_495 = arith.constant 16 : index
      %swap3A_496 = tpu.vector_load %arg8[%swap3A_494, %swap3A_495] {strides = array<i32>} : memref<256x128xf32, #tpu.memory_space<vmem>>, vector<1x16xf32>,
      %swap3A_497 = vector.shape_cast %swap3A_496 : vector<1x16xf32> to vector<16xf32>
      %swap3A_498 = vector.shape_cast %get3A_493 : vector<16xf32> to vector<1x16xf32>
      tpu.vector_store %arg8[%swap3A_494, %swap3A_495], %swap3A_498 {add = true, strides = array<i32>} : memref<256x128xf32, #tpu.memory_space<vmem>>, vector<1x16xf32>,
      %add3A_499 = arith.constant 224 : i32
      %add3A_500 = arith.addi %add3A_499, %mul3A_466 : i32
      %add3A_501 = arith.constant 0 : i32
      %add3A_502 = arith.addi %add3A_500, %add3A_501 : i32
      %add3A_503 = arith.constant 32 : i32
      %add3A_504 = arith.addi %add3A_503, %mul3A_466 : i32
      %add3A_505 = arith.constant 0 : i32
      %add3A_506 = arith.addi %add3A_504, %add3A_505 : i32
      %get3A_507 = arith.index_cast %add3A_506 : i32 to index
      %get3A_508 = arith.constant 32 : index
      %get3A_509 = tpu.vector_load %arg7[%get3A_507, %get3A_508] {strides = array<i32>} : memref<64x128xf32, #tpu.memory_space<vmem>>, vector<1x16xf32>,
      %get3A_510 = vector.shape_cast %get3A_509 : vector<1x16xf32> to vector<16xf32>
      %swap3A_511 = arith.index_cast %add3A_502 : i32 to index
      %swap3A_512 = arith.constant 32 : index
      %swap3A_513 = tpu.vector_load %arg8[%swap3A_511, %swap3A_512] {strides = array<i32>} : memref<256x128xf32, #tpu.memory_space<vmem>>, vector<1x16xf32>,
      %swap3A_514 = vector.shape_cast %swap3A_513 : vector<1x16xf32> to vector<16xf32>
      %swap3A_515 = vector.shape_cast %get3A_510 : vector<16xf32> to vector<1x16xf32>
      tpu.vector_store %arg8[%swap3A_511, %swap3A_512], %swap3A_515 {add = true, strides = array<i32>} : memref<256x128xf32, #tpu.memory_space<vmem>>, vector<1x16xf32>,
      %add3A_516 = arith.constant 224 : i32
      %add3A_517 = arith.addi %add3A_516, %mul3A_466 : i32
      %add3A_518 = arith.constant 0 : i32
      %add3A_519 = arith.addi %add3A_517, %add3A_518 : i32
      %add3A_520 = arith.constant 32 : i32
      %add3A_521 = arith.addi %add3A_520, %mul3A_466 : i32
      %add3A_522 = arith.constant 0 : i32
      %add3A_523 = arith.addi %add3A_521, %add3A_522 : i32
      %get3A_524 = arith.index_cast %add3A_523 : i32 to index
      %get3A_525 = arith.constant 48 : index
      %get3A_526 = tpu.vector_load %arg7[%get3A_524, %get3A_525] {strides = array<i32>} : memref<64x128xf32, #tpu.memory_space<vmem>>, vector<1x16xf32>,
      %get3A_527 = vector.shape_cast %get3A_526 : vector<1x16xf32> to vector<16xf32>
      %swap3A_528 = arith.index_cast %add3A_519 : i32 to index
      %swap3A_529 = arith.constant 48 : index
      %swap3A_530 = tpu.vector_load %arg8[%swap3A_528, %swap3A_529] {strides = array<i32>} : memref<256x128xf32, #tpu.memory_space<vmem>>, vector<1x16xf32>,
      %swap3A_531 = vector.shape_cast %swap3A_530 : vector<1x16xf32> to vector<16xf32>
      %swap3A_532 = vector.shape_cast %get3A_527 : vector<16xf32> to vector<1x16xf32>
      tpu.vector_store %arg8[%swap3A_528, %swap3A_529], %swap3A_532 {add = true, strides = array<i32>} : memref<256x128xf32, #tpu.memory_space<vmem>>, vector<1x16xf32>,
      %add3A_533 = arith.constant 224 : i32
      %add3A_534 = arith.addi %add3A_533, %mul3A_466 : i32
      %add3A_535 = arith.constant 0 : i32
      %add3A_536 = arith.addi %add3A_534, %add3A_535 : i32
      %add3A_537 = arith.constant 32 : i32
      %add3A_538 = arith.addi %add3A_537, %mul3A_466 : i32
      %add3A_539 = arith.constant 0 : i32
      %add3A_540 = arith.addi %add3A_538, %add3A_539 : i32
      %get3A_541 = arith.index_cast %add3A_540 : i32 to index
      %get3A_542 = arith.constant 64 : index
      %get3A_543 = tpu.vector_load %arg7[%get3A_541, %get3A_542] {strides = array<i32>} : memref<64x128xf32, #tpu.memory_space<vmem>>, vector<1x16xf32>,
      %get3A_544 = vector.shape_cast %get3A_543 : vector<1x16xf32> to vector<16xf32>
      %swap3A_545 = arith.index_cast %add3A_536 : i32 to index
      %swap3A_546 = arith.constant 64 : index
      %swap3A_547 = tpu.vector_load %arg8[%swap3A_545, %swap3A_546] {strides = array<i32>} : memref<256x128xf32, #tpu.memory_space<vmem>>, vector<1x16xf32>,
      %swap3A_548 = vector.shape_cast %swap3A_547 : vector<1x16xf32> to vector<16xf32>
      %swap3A_549 = vector.shape_cast %get3A_544 : vector<16xf32> to vector<1x16xf32>
      tpu.vector_store %arg8[%swap3A_545, %swap3A_546], %swap3A_549 {add = true, strides = array<i32>} : memref<256x128xf32, #tpu.memory_space<vmem>>, vector<1x16xf32>,
      %add3A_550 = arith.constant 224 : i32
      %add3A_551 = arith.addi %add3A_550, %mul3A_466 : i32
      %add3A_552 = arith.constant 0 : i32
      %add3A_553 = arith.addi %add3A_551, %add3A_552 : i32
      %add3A_554 = arith.constant 32 : i32
      %add3A_555 = arith.addi %add3A_554, %mul3A_466 : i32
      %add3A_556 = arith.constant 0 : i32
      %add3A_557 = arith.addi %add3A_555, %add3A_556 : i32
      %get3A_558 = arith.index_cast %add3A_557 : i32 to index
      %get3A_559 = arith.constant 80 : index
      %get3A_560 = tpu.vector_load %arg7[%get3A_558, %get3A_559] {strides = array<i32>} : memref<64x128xf32, #tpu.memory_space<vmem>>, vector<1x16xf32>,
      %get3A_561 = vector.shape_cast %get3A_560 : vector<1x16xf32> to vector<16xf32>
      %swap3A_562 = arith.index_cast %add3A_553 : i32 to index
      %swap3A_563 = arith.constant 80 : index
      %swap3A_564 = tpu.vector_load %arg8[%swap3A_562, %swap3A_563] {strides = array<i32>} : memref<256x128xf32, #tpu.memory_space<vmem>>, vector<1x16xf32>,
      %swap3A_565 = vector.shape_cast %swap3A_564 : vector<1x16xf32> to vector<16xf32>
      %swap3A_566 = vector.shape_cast %get3A_561 : vector<16xf32> to vector<1x16xf32>
      tpu.vector_store %arg8[%swap3A_562, %swap3A_563], %swap3A_566 {add = true, strides = array<i32>} : memref<256x128xf32, #tpu.memory_space<vmem>>, vector<1x16xf32>,
      %add3A_567 = arith.constant 224 : i32
      %add3A_568 = arith.addi %add3A_567, %mul3A_466 : i32
      %add3A_569 = arith.constant 0 : i32
      %add3A_570 = arith.addi %add3A_568, %add3A_569 : i32
      %add3A_571 = arith.constant 32 : i32
      %add3A_572 = arith.addi %add3A_571, %mul3A_466 : i32
      %add3A_573 = arith.constant 0 : i32
      %add3A_574 = arith.addi %add3A_572, %add3A_573 : i32
      %get3A_575 = arith.index_cast %add3A_574 : i32 to index
      %get3A_576 = arith.constant 96 : index
      %get3A_577 = tpu.vector_load %arg7[%get3A_575, %get3A_576] {strides = array<i32>} : memref<64x128xf32, #tpu.memory_space<vmem>>, vector<1x16xf32>,
      %get3A_578 = vector.shape_cast %get3A_577 : vector<1x16xf32> to vector<16xf32>
      %swap3A_579 = arith.index_cast %add3A_570 : i32 to index
      %swap3A_580 = arith.constant 96 : index
      %swap3A_581 = tpu.vector_load %arg8[%swap3A_579, %swap3A_580] {strides = array<i32>} : memref<256x128xf32, #tpu.memory_space<vmem>>, vector<1x16xf32>,
      %swap3A_582 = vector.shape_cast %swap3A_581 : vector<1x16xf32> to vector<16xf32>
      %swap3A_583 = vector.shape_cast %get3A_578 : vector<16xf32> to vector<1x16xf32>
      tpu.vector_store %arg8[%swap3A_579, %swap3A_580], %swap3A_583 {add = true, strides = array<i32>} : memref<256x128xf32, #tpu.memory_space<vmem>>, vector<1x16xf32>,
      %add3A_584 = arith.constant 224 : i32
      %add3A_585 = arith.addi %add3A_584, %mul3A_466 : i32
      %add3A_586 = arith.constant 0 : i32
      %add3A_587 = arith.addi %add3A_585, %add3A_586 : i32
      %add3A_588 = arith.constant 32 : i32
      %add3A_589 = arith.addi %add3A_588, %mul3A_466 : i32
      %add3A_590 = arith.constant 0 : i32
      %add3A_591 = arith.addi %add3A_589, %add3A_590 : i32
      %get3A_592 = arith.index_cast %add3A_591 : i32 to index
      %get3A_593 = arith.constant 112 : index
      %get3A_594 = tpu.vector_load %arg7[%get3A_592, %get3A_593] {strides = array<i32>} : memref<64x128xf32, #tpu.memory_space<vmem>>, vector<1x16xf32>,
      %get3A_595 = vector.shape_cast %get3A_594 : vector<1x16xf32> to vector<16xf32>
      %swap3A_596 = arith.index_cast %add3A_587 : i32 to index
      %swap3A_597 = arith.constant 112 : index
      %swap3A_598 = tpu.vector_load %arg8[%swap3A_596, %swap3A_597] {strides = array<i32>} : memref<256x128xf32, #tpu.memory_space<vmem>>, vector<1x16xf32>,
      %swap3A_599 = vector.shape_cast %swap3A_598 : vector<1x16xf32> to vector<16xf32>
      %swap3A_600 = vector.shape_cast %get3A_595 : vector<16xf32> to vector<1x16xf32>
      tpu.vector_store %arg8[%swap3A_596, %swap3A_597], %swap3A_600 {add = true, strides = array<i32>} : memref<256x128xf32, #tpu.memory_space<vmem>>, vector<1x16xf32>,
      %add3A_601 = arith.constant 224 : i32
      %add3A_602 = arith.addi %add3A_601, %mul3A_466 : i32
      %add3A_603 = arith.constant 1 : i32
      %add3A_604 = arith.addi %add3A_602, %add3A_603 : i32
      %add3A_605 = arith.constant 32 : i32
      %add3A_606 = arith.addi %add3A_605, %mul3A_466 : i32
      %add3A_607 = arith.constant 1 : i32
      %add3A_608 = arith.addi %add3A_606, %add3A_607 : i32
      %get3A_609 = arith.index_cast %add3A_608 : i32 to index
      %get3A_610 = arith.constant 0 : index
      %get3A_611 = tpu.vector_load %arg7[%get3A_609, %get3A_610] {strides = array<i32>} : memref<64x128xf32, #tpu.memory_space<vmem>>, vector<1x16xf32>,
      %get3A_612 = vector.shape_cast %get3A_611 : vector<1x16xf32> to vector<16xf32>
      %swap3A_613 = arith.index_cast %add3A_604 : i32 to index
      %swap3A_614 = arith.constant 0 : index
      %swap3A_615 = tpu.vector_load %arg8[%swap3A_613, %swap3A_614] {strides = array<i32>} : memref<256x128xf32, #tpu.memory_space<vmem>>, vector<1x16xf32>,
      %swap3A_616 = vector.shape_cast %swap3A_615 : vector<1x16xf32> to vector<16xf32>
      %swap3A_617 = vector.shape_cast %get3A_612 : vector<16xf32> to vector<1x16xf32>
      tpu.vector_store %arg8[%swap3A_613, %swap3A_614], %swap3A_617 {add = true, strides = array<i32>} : memref<256x128xf32, #tpu.memory_space<vmem>>, vector<1x16xf32>,
      %add3A_618 = arith.constant 224 : i32
      %add3A_619 = arith.addi %add3A_618, %mul3A_466 : i32
      %add3A_620 = arith.constant 1 : i32
      %add3A_621 = arith.addi %add3A_619, %add3A_620 : i32
      %add3A_622 = arith.constant 32 : i32
      %add3A_623 = arith.addi %add3A_622, %mul3A_466 : i32
      %add3A_624 = arith.constant 1 : i32
      %add3A_625 = arith.addi %add3A_623, %add3A_624 : i32
      %get3A_626 = arith.index_cast %add3A_625 : i32 to index
      %get3A_627 = arith.constant 16 : index
      %get3A_628 = tpu.vector_load %arg7[%get3A_626, %get3A_627] {strides = array<i32>} : memref<64x128xf32, #tpu.memory_space<vmem>>, vector<1x16xf32>,
      %get3A_629 = vector.shape_cast %get3A_628 : vector<1x16xf32> to vector<16xf32>
      %swap3A_630 = arith.index_cast %add3A_621 : i32 to index
      %swap3A_631 = arith.constant 16 : index
      %swap3A_632 = tpu.vector_load %arg8[%swap3A_630, %swap3A_631] {strides = array<i32>} : memref<256x128xf32, #tpu.memory_space<vmem>>, vector<1x16xf32>,
      %swap3A_633 = vector.shape_cast %swap3A_632 : vector<1x16xf32> to vector<16xf32>
      %swap3A_634 = vector.shape_cast %get3A_629 : vector<16xf32> to vector<1x16xf32>
      tpu.vector_store %arg8[%swap3A_630, %swap3A_631], %swap3A_634 {add = true, strides = array<i32>} : memref<256x128xf32, #tpu.memory_space<vmem>>, vector<1x16xf32>,
      %add3A_635 = arith.constant 224 : i32
      %add3A_636 = arith.addi %add3A_635, %mul3A_466 : i32
      %add3A_637 = arith.constant 1 : i32
      %add3A_638 = arith.addi %add3A_636, %add3A_637 : i32
      %add3A_639 = arith.constant 32 : i32
      %add3A_640 = arith.addi %add3A_639, %mul3A_466 : i32
      %add3A_641 = arith.constant 1 : i32
      %add3A_642 = arith.addi %add3A_640, %add3A_641 : i32
      %get3A_643 = arith.index_cast %add3A_642 : i32 to index
      %get3A_644 = arith.constant 32 : index
      %get3A_645 = tpu.vector_load %arg7[%get3A_643, %get3A_644] {strides = array<i32>} : memref<64x128xf32, #tpu.memory_space<vmem>>, vector<1x16xf32>,
      %get3A_646 = vector.shape_cast %get3A_645 : vector<1x16xf32> to vector<16xf32>
      %swap3A_647 = arith.index_cast %add3A_638 : i32 to index
      %swap3A_648 = arith.constant 32 : index
      %swap3A_649 = tpu.vector_load %arg8[%swap3A_647, %swap3A_648] {strides = array<i32>} : memref<256x128xf32, #tpu.memory_space<vmem>>, vector<1x16xf32>,
      %swap3A_650 = vector.shape_cast %swap3A_649 : vector<1x16xf32> to vector<16xf32>
      %swap3A_651 = vector.shape_cast %get3A_646 : vector<16xf32> to vector<1x16xf32>
      tpu.vector_store %arg8[%swap3A_647, %swap3A_648], %swap3A_651 {add = true, strides = array<i32>} : memref<256x128xf32, #tpu.memory_space<vmem>>, vector<1x16xf32>,
      %add3A_652 = arith.constant 224 : i32
      %add3A_653 = arith.addi %add3A_652, %mul3A_466 : i32
      %add3A_654 = arith.constant 1 : i32
      %add3A_655 = arith.addi %add3A_653, %add3A_654 : i32
      %add3A_656 = arith.constant 32 : i32
      %add3A_657 = arith.addi %add3A_656, %mul3A_466 : i32
      %add3A_658 = arith.constant 1 : i32
      %add3A_659 = arith.addi %add3A_657, %add3A_658 : i32
      %get3A_660 = arith.index_cast %add3A_659 : i32 to index
      %get3A_661 = arith.constant 48 : index
      %get3A_662 = tpu.vector_load %arg7[%get3A_660, %get3A_661] {strides = array<i32>} : memref<64x128xf32, #tpu.memory_space<vmem>>, vector<1x16xf32>,
      %get3A_663 = vector.shape_cast %get3A_662 : vector<1x16xf32> to vector<16xf32>
      %swap3A_664 = arith.index_cast %add3A_655 : i32 to index
      %swap3A_665 = arith.constant 48 : index
      %swap3A_666 = tpu.vector_load %arg8[%swap3A_664, %swap3A_665] {strides = array<i32>} : memref<256x128xf32, #tpu.memory_space<vmem>>, vector<1x16xf32>,
      %swap3A_667 = vector.shape_cast %swap3A_666 : vector<1x16xf32> to vector<16xf32>
      %swap3A_668 = vector.shape_cast %get3A_663 : vector<16xf32> to vector<1x16xf32>
      tpu.vector_store %arg8[%swap3A_664, %swap3A_665], %swap3A_668 {add = true, strides = array<i32>} : memref<256x128xf32, #tpu.memory_space<vmem>>, vector<1x16xf32>,
      %add3A_669 = arith.constant 224 : i32
      %add3A_670 = arith.addi %add3A_669, %mul3A_466 : i32
      %add3A_671 = arith.constant 1 : i32
      %add3A_672 = arith.addi %add3A_670, %add3A_671 : i32
      %add3A_673 = arith.constant 32 : i32
      %add3A_674 = arith.addi %add3A_673, %mul3A_466 : i32
      %add3A_675 = arith.constant 1 : i32
      %add3A_676 = arith.addi %add3A_674, %add3A_675 : i32
      %get3A_677 = arith.index_cast %add3A_676 : i32 to index
      %get3A_678 = arith.constant 64 : index
      %get3A_679 = tpu.vector_load %arg7[%get3A_677, %get3A_678] {strides = array<i32>} : memref<64x128xf32, #tpu.memory_space<vmem>>, vector<1x16xf32>,
      %get3A_680 = vector.shape_cast %get3A_679 : vector<1x16xf32> to vector<16xf32>
      %swap3A_681 = arith.index_cast %add3A_672 : i32 to index
      %swap3A_682 = arith.constant 64 : index
      %swap3A_683 = tpu.vector_load %arg8[%swap3A_681, %swap3A_682] {strides = array<i32>} : memref<256x128xf32, #tpu.memory_space<vmem>>, vector<1x16xf32>,
      %swap3A_684 = vector.shape_cast %swap3A_683 : vector<1x16xf32> to vector<16xf32>
      %swap3A_685 = vector.shape_cast %get3A_680 : vector<16xf32> to vector<1x16xf32>
      tpu.vector_store %arg8[%swap3A_681, %swap3A_682], %swap3A_685 {add = true, strides = array<i32>} : memref<256x128xf32, #tpu.memory_space<vmem>>, vector<1x16xf32>,
      %add3A_686 = arith.constant 224 : i32
      %add3A_687 = arith.addi %add3A_686, %mul3A_466 : i32
      %add3A_688 = arith.constant 1 : i32
      %add3A_689 = arith.addi %add3A_687, %add3A_688 : i32
      %add3A_690 = arith.constant 32 : i32
      %add3A_691 = arith.addi %add3A_690, %mul3A_466 : i32
      %add3A_692 = arith.constant 1 : i32
      %add3A_693 = arith.addi %add3A_691, %add3A_692 : i32
      %get3A_694 = arith.index_cast %add3A_693 : i32 to index
      %get3A_695 = arith.constant 80 : index
      %get3A_696 = tpu.vector_load %arg7[%get3A_694, %get3A_695] {strides = array<i32>} : memref<64x128xf32, #tpu.memory_space<vmem>>, vector<1x16xf32>,
      %get3A_697 = vector.shape_cast %get3A_696 : vector<1x16xf32> to vector<16xf32>
      %swap3A_698 = arith.index_cast %add3A_689 : i32 to index
      %swap3A_699 = arith.constant 80 : index
      %swap3A_700 = tpu.vector_load %arg8[%swap3A_698, %swap3A_699] {strides = array<i32>} : memref<256x128xf32, #tpu.memory_space<vmem>>, vector<1x16xf32>,
      %swap3A_701 = vector.shape_cast %swap3A_700 : vector<1x16xf32> to vector<16xf32>
      %swap3A_702 = vector.shape_cast %get3A_697 : vector<16xf32> to vector<1x16xf32>
      tpu.vector_store %arg8[%swap3A_698, %swap3A_699], %swap3A_702 {add = true, strides = array<i32>} : memref<256x128xf32, #tpu.memory_space<vmem>>, vector<1x16xf32>,
      %add3A_703 = arith.constant 224 : i32
      %add3A_704 = arith.addi %add3A_703, %mul3A_466 : i32
      %add3A_705 = arith.constant 1 : i32
      %add3A_706 = arith.addi %add3A_704, %add3A_705 : i32
      %add3A_707 = arith.constant 32 : i32
      %add3A_708 = arith.addi %add3A_707, %mul3A_466 : i32
      %add3A_709 = arith.constant 1 : i32
      %add3A_710 = arith.addi %add3A_708, %add3A_709 : i32
      %get3A_711 = arith.index_cast %add3A_710 : i32 to index
      %get3A_712 = arith.constant 96 : index
      %get3A_713 = tpu.vector_load %arg7[%get3A_711, %get3A_712] {strides = array<i32>} : memref<64x128xf32, #tpu.memory_space<vmem>>, vector<1x16xf32>,
      %get3A_714 = vector.shape_cast %get3A_713 : vector<1x16xf32> to vector<16xf32>
      %swap3A_715 = arith.index_cast %add3A_706 : i32 to index
      %swap3A_716 = arith.constant 96 : index
      %swap3A_717 = tpu.vector_load %arg8[%swap3A_715, %swap3A_716] {strides = array<i32>} : memref<256x128xf32, #tpu.memory_space<vmem>>, vector<1x16xf32>,
      %swap3A_718 = vector.shape_cast %swap3A_717 : vector<1x16xf32> to vector<16xf32>
      %swap3A_719 = vector.shape_cast %get3A_714 : vector<16xf32> to vector<1x16xf32>
      tpu.vector_store %arg8[%swap3A_715, %swap3A_716], %swap3A_719 {add = true, strides = array<i32>} : memref<256x128xf32, #tpu.memory_space<vmem>>, vector<1x16xf32>,
      %add3A_720 = arith.constant 224 : i32
      %add3A_721 = arith.addi %add3A_720, %mul3A_466 : i32
      %add3A_722 = arith.constant 1 : i32
      %add3A_723 = arith.addi %add3A_721, %add3A_722 : i32
      %add3A_724 = arith.constant 32 : i32
      %add3A_725 = arith.addi %add3A_724, %mul3A_466 : i32
      %add3A_726 = arith.constant 1 : i32
      %add3A_727 = arith.addi %add3A_725, %add3A_726 : i32
      %get3A_728 = arith.index_cast %add3A_727 : i32 to index
      %get3A_729 = arith.constant 112 : index
      %get3A_730 = tpu.vector_load %arg7[%get3A_728, %get3A_729] {strides = array<i32>} : memref<64x128xf32, #tpu.memory_space<vmem>>, vector<1x16xf32>,
      %get3A_731 = vector.shape_cast %get3A_730 : vector<1x16xf32> to vector<16xf32>
      %swap3A_732 = arith.index_cast %add3A_723 : i32 to index
      %swap3A_733 = arith.constant 112 : index
      %swap3A_734 = tpu.vector_load %arg8[%swap3A_732, %swap3A_733] {strides = array<i32>} : memref<256x128xf32, #tpu.memory_space<vmem>>, vector<1x16xf32>,
      %swap3A_735 = vector.shape_cast %swap3A_734 : vector<1x16xf32> to vector<16xf32>
      %swap3A_736 = vector.shape_cast %get3A_731 : vector<16xf32> to vector<1x16xf32>
      tpu.vector_store %arg8[%swap3A_732, %swap3A_733], %swap3A_736 {add = true, strides = array<i32>} : memref<256x128xf32, #tpu.memory_space<vmem>>, vector<1x16xf32>,
    }
    %scan3A_389 = arith.constant 16 : i32
    %add3A_390 = arith.constant 6144 : i32
    %add3A_391 = arith.addi %add3A_390, %mul3A_2 : i32
    %add3A_392 = arith.constant 32 : i32
    %add3A_393 = arith.addi %add3A_391, %add3A_392 : i32
    %dma_start3A_394 = arith.constant 224 : i32
    %dma_start3A_395 = arith.constant 0 : i32
    %dma_start3A_396 = tpu.memref_slice %arg8[%dma_start3A_394, %dma_start3A_395] : memref<256x128xf32, #tpu.memory_space<vmem>> -> memref<32x128xf32, #tpu.memory_space<vmem>>
    %dma_start3A_397 = arith.constant 0 : i32
    %dma_start3A_398 = tpu.memref_slice %arg5[%add3A_393, %dma_start3A_397] : memref<8192x128xf32, #tpu.memory_space<hbm>> -> memref<32x128xf32, #tpu.memory_space<hbm>>
    %dma_start3A_399 = arith.constant 0 : i32
    %dma_start3A_400 = tpu.memref_slice %arg5[%add3A_393, %dma_start3A_399] : memref<8192x128xf32, #tpu.memory_space<hbm>> -> memref<32x128xf32, #tpu.memory_space<hbm>>
    %dma_start3A_401 = arith.constant 224 : i32
    %dma_start3A_402 = arith.constant 0 : i32
    %dma_start3A_403 = tpu.memref_slice %arg8[%dma_start3A_401, %dma_start3A_402] : memref<256x128xf32, #tpu.memory_space<vmem>> -> memref<32x128xf32, #tpu.memory_space<vmem>>
    tpu.enqueue_dma source(%dma_start3A_403 : memref<32x128xf32, #tpu.memory_space<vmem>>) target(%dma_start3A_400 : memref<32x128xf32, #tpu.memory_space<hbm>>) target_semaphore(%arg16 : memref<!tpu.dma_semaphore, #tpu.memory_space<semaphore_mem>>)
    %dma_wait3A_404 = arith.constant 0 : i32
    %dma_wait3A_405 = arith.constant 0 : i32
    %dma_wait3A_406 = tpu.memref_slice %arg8[%dma_wait3A_404, %dma_wait3A_405] : memref<256x128xf32, #tpu.memory_space<vmem>> -> memref<32x128xf32, #tpu.memory_space<vmem>>
    %dma_wait3A_407 = arith.constant 0 : i32
    %dma_wait3A_408 = tpu.memref_slice %arg5[%add3A_243, %dma_wait3A_407] : memref<8192x128xf32, #tpu.memory_space<hbm>> -> memref<32x128xf32, #tpu.memory_space<hbm>>
    %dma_wait3A_409 = arith.constant 0 : i32
    %dma_wait3A_410 = tpu.memref_slice %arg5[%add3A_243, %dma_wait3A_409] : memref<8192x128xf32, #tpu.memory_space<hbm>> -> memref<32x128xf32, #tpu.memory_space<hbm>>
    %dma_wait3A_411 = arith.constant 0 : i32
    %dma_wait3A_412 = arith.constant 0 : i32
    %dma_wait3A_413 = tpu.memref_slice %arg8[%dma_wait3A_411, %dma_wait3A_412] : memref<256x128xf32, #tpu.memory_space<vmem>> -> memref<32x128xf32, #tpu.memory_space<vmem>>
    tpu.wait_dma2 semaphore(%arg16 : memref<!tpu.dma_semaphore, #tpu.memory_space<semaphore_mem>>) src(%dma_wait3A_413 : memref<32x128xf32, #tpu.memory_space<vmem>>) dst(%dma_wait3A_410 : memref<32x128xf32, #tpu.memory_space<hbm>>)
    %dma_wait3A_414 = arith.constant 32 : i32
    %dma_wait3A_415 = arith.constant 0 : i32
    %dma_wait3A_416 = tpu.memref_slice %arg8[%dma_wait3A_414, %dma_wait3A_415] : memref<256x128xf32, #tpu.memory_space<vmem>> -> memref<32x128xf32, #tpu.memory_space<vmem>>
    %dma_wait3A_417 = arith.constant 0 : i32
    %dma_wait3A_418 = tpu.memref_slice %arg5[%add3A_273, %dma_wait3A_417] : memref<8192x128xf32, #tpu.memory_space<hbm>> -> memref<32x128xf32, #tpu.memory_space<hbm>>
    %dma_wait3A_419 = arith.constant 0 : i32
    %dma_wait3A_420 = tpu.memref_slice %arg5[%add3A_273, %dma_wait3A_419] : memref<8192x128xf32, #tpu.memory_space<hbm>> -> memref<32x128xf32, #tpu.memory_space<hbm>>
    %dma_wait3A_421 = arith.constant 32 : i32
    %dma_wait3A_422 = arith.constant 0 : i32
    %dma_wait3A_423 = tpu.memref_slice %arg8[%dma_wait3A_421, %dma_wait3A_422] : memref<256x128xf32, #tpu.memory_space<vmem>> -> memref<32x128xf32, #tpu.memory_space<vmem>>
    tpu.wait_dma2 semaphore(%arg16 : memref<!tpu.dma_semaphore, #tpu.memory_space<semaphore_mem>>) src(%dma_wait3A_423 : memref<32x128xf32, #tpu.memory_space<vmem>>) dst(%dma_wait3A_420 : memref<32x128xf32, #tpu.memory_space<hbm>>)
    %dma_wait3A_424 = arith.constant 64 : i32
    %dma_wait3A_425 = arith.constant 0 : i32
    %dma_wait3A_426 = tpu.memref_slice %arg8[%dma_wait3A_424, %dma_wait3A_425] : memref<256x128xf32, #tpu.memory_space<vmem>> -> memref<64x128xf32, #tpu.memory_space<vmem>>
    %dma_wait3A_427 = arith.constant 0 : i32
    %dma_wait3A_428 = tpu.memref_slice %arg5[%add3A_303, %dma_wait3A_427] : memref<8192x128xf32, #tpu.memory_space<hbm>> -> memref<64x128xf32, #tpu.memory_space<hbm>>
    %dma_wait3A_429 = arith.constant 0 : i32
    %dma_wait3A_430 = tpu.memref_slice %arg5[%add3A_303, %dma_wait3A_429] : memref<8192x128xf32, #tpu.memory_space<hbm>> -> memref<64x128xf32, #tpu.memory_space<hbm>>
    %dma_wait3A_431 = arith.constant 64 : i32
    %dma_wait3A_432 = arith.constant 0 : i32
    %dma_wait3A_433 = tpu.memref_slice %arg8[%dma_wait3A_431, %dma_wait3A_432] : memref<256x128xf32, #tpu.memory_space<vmem>> -> memref<64x128xf32, #tpu.memory_space<vmem>>
    tpu.wait_dma2 semaphore(%arg16 : memref<!tpu.dma_semaphore, #tpu.memory_space<semaphore_mem>>) src(%dma_wait3A_433 : memref<64x128xf32, #tpu.memory_space<vmem>>) dst(%dma_wait3A_430 : memref<64x128xf32, #tpu.memory_space<hbm>>)
    %dma_wait3A_434 = arith.constant 128 : i32
    %dma_wait3A_435 = arith.constant 0 : i32
    %dma_wait3A_436 = tpu.memref_slice %arg8[%dma_wait3A_434, %dma_wait3A_435] : memref<256x128xf32, #tpu.memory_space<vmem>> -> memref<64x128xf32, #tpu.memory_space<vmem>>
    %dma_wait3A_437 = arith.constant 0 : i32
    %dma_wait3A_438 = tpu.memref_slice %arg5[%add3A_333, %dma_wait3A_437] : memref<8192x128xf32, #tpu.memory_space<hbm>> -> memref<64x128xf32, #tpu.memory_space<hbm>>
    %dma_wait3A_439 = arith.constant 0 : i32
    %dma_wait3A_440 = tpu.memref_slice %arg5[%add3A_333, %dma_wait3A_439] : memref<8192x128xf32, #tpu.memory_space<hbm>> -> memref<64x128xf32, #tpu.memory_space<hbm>>
    %dma_wait3A_441 = arith.constant 128 : i32
    %dma_wait3A_442 = arith.constant 0 : i32
    %dma_wait3A_443 = tpu.memref_slice %arg8[%dma_wait3A_441, %dma_wait3A_442] : memref<256x128xf32, #tpu.memory_space<vmem>> -> memref<64x128xf32, #tpu.memory_space<vmem>>
    tpu.wait_dma2 semaphore(%arg16 : memref<!tpu.dma_semaphore, #tpu.memory_space<semaphore_mem>>) src(%dma_wait3A_443 : memref<64x128xf32, #tpu.memory_space<vmem>>) dst(%dma_wait3A_440 : memref<64x128xf32, #tpu.memory_space<hbm>>)
    %dma_wait3A_444 = arith.constant 192 : i32
    %dma_wait3A_445 = arith.constant 0 : i32
    %dma_wait3A_446 = tpu.memref_slice %arg8[%dma_wait3A_444, %dma_wait3A_445] : memref<256x128xf32, #tpu.memory_space<vmem>> -> memref<32x128xf32, #tpu.memory_space<vmem>>
    %dma_wait3A_447 = arith.constant 0 : i32
    %dma_wait3A_448 = tpu.memref_slice %arg5[%add3A_363, %dma_wait3A_447] : memref<8192x128xf32, #tpu.memory_space<hbm>> -> memref<32x128xf32, #tpu.memory_space<hbm>>
    %dma_wait3A_449 = arith.constant 0 : i32
    %dma_wait3A_450 = tpu.memref_slice %arg5[%add3A_363, %dma_wait3A_449] : memref<8192x128xf32, #tpu.memory_space<hbm>> -> memref<32x128xf32, #tpu.memory_space<hbm>>
    %dma_wait3A_451 = arith.constant 192 : i32
    %dma_wait3A_452 = arith.constant 0 : i32
    %dma_wait3A_453 = tpu.memref_slice %arg8[%dma_wait3A_451, %dma_wait3A_452] : memref<256x128xf32, #tpu.memory_space<vmem>> -> memref<32x128xf32, #tpu.memory_space<vmem>>
    tpu.wait_dma2 semaphore(%arg16 : memref<!tpu.dma_semaphore, #tpu.memory_space<semaphore_mem>>) src(%dma_wait3A_453 : memref<32x128xf32, #tpu.memory_space<vmem>>) dst(%dma_wait3A_450 : memref<32x128xf32, #tpu.memory_space<hbm>>)
    %dma_wait3A_454 = arith.constant 224 : i32
    %dma_wait3A_455 = arith.constant 0 : i32
    %dma_wait3A_456 = tpu.memref_slice %arg8[%dma_wait3A_454, %dma_wait3A_455] : memref<256x128xf32, #tpu.memory_space<vmem>> -> memref<32x128xf32, #tpu.memory_space<vmem>>
    %dma_wait3A_457 = arith.constant 0 : i32
    %dma_wait3A_458 = tpu.memref_slice %arg5[%add3A_393, %dma_wait3A_457] : memref<8192x128xf32, #tpu.memory_space<hbm>> -> memref<32x128xf32, #tpu.memory_space<hbm>>
    %dma_wait3A_459 = arith.constant 0 : i32
    %dma_wait3A_460 = tpu.memref_slice %arg5[%add3A_393, %dma_wait3A_459] : memref<8192x128xf32, #tpu.memory_space<hbm>> -> memref<32x128xf32, #tpu.memory_space<hbm>>
    %dma_wait3A_461 = arith.constant 224 : i32
    %dma_wait3A_462 = arith.constant 0 : i32
    %dma_wait3A_463 = tpu.memref_slice %arg8[%dma_wait3A_461, %dma_wait3A_462] : memref<256x128xf32, #tpu.memory_space<vmem>> -> memref<32x128xf32, #tpu.memory_space<vmem>>
    tpu.wait_dma2 semaphore(%arg16 : memref<!tpu.dma_semaphore, #tpu.memory_space<semaphore_mem>>) src(%dma_wait3A_463 : memref<32x128xf32, #tpu.memory_space<vmem>>) dst(%dma_wait3A_460 : memref<32x128xf32, #tpu.memory_space<hbm>>)
    return
  }
}

</mosaic_0001>

<sc_bundles>
// kernel: kernel.3.cloned.1.call-start
scs
__scs_entry_jumppad:
0x0: {  	(pc) =	sbr.rel $0x88, $3  }
0x1: {  	(tag) =	ssettag $0x0;
	lr =	simm.s32 $0x1  }
0x2: {  	[smem:$0x3F9E] =	sst lr;
	_ =	strace $0xD0000000  }
0x3: {  	_ = 	snop  }
0x4: {  	_ = 	snop  }
0x5: {  	_ = 	snop  }
0x6: {  	_ = 	snop  }
0x7: {  	_ = 	snop  }
__scs_overlays_trampoline_lowered:
0x8: {  	[smem:$0x3FAD] =	sst s0  }
0x9: {  	[smem:$0x3FAE] =	sst s1  }
0xa: {  	[smem:$0x3FAF] =	sst s2  }
0xb: {  	[smem:$0x3FB0] =	sst s3  }
0xc: {  	[smem:$0x3FB1] =	sst s4  }
0xd: {  	[smem:$0x3FB2] =	sst s5  }
0xe: {  	[smem:$0x3FB3] =	sst s6  }
0xf: {  	[smem:$0x3FB4] =	sst s7  }
0x10: {  	[smem:$0x3FB5] =	sst s8  }
0x11: {  	[smem:$0x3FB6] =	sst s9;
	s0 =	simm.s32 @!p0 $0x0  }
0x12: {  	s1 =	sld [smem:$0x3F9C];
	s0 =	simm.s32 @p0 $0x1  }
0x13: {  	[smem:$0x3FB7] =	sst s0;
	s0 =	simm.s32 @!p1 $0x0  }
0x14: {  	s2 =	sld [smem:$0x3F9B];
	s0 =	simm.s32 @p1 $0x1  }
0x15: {  	[smem:$0x3FB8] =	sst s0;
	s0 =	simm.s32 @!p2 $0x0  }
0x16: {  	s3 =	sld [smem:$0x3FDB];
	s0 =	simm.s32 @p2 $0x1  }
0x17: {  	s4 =	simm.s32 $0x1BF5;
	[smem:$0x3FBA] =	sst s0  }
0x18: {  	s0 =	sld [smem:$0x3F9D];
	_ =	swait.ge [sflag:s4], $0x0  }
0x19: {  	s7 =	sld [smem:$0x3F9E]  }
0x1a: {  	s8 =	sadd.s32 $0xFFFFE003, lr  }
0x1b: {  	s9 =	sadd.s32 $0xFFFFFEF7, lr;
	s5 =	simm.s32 $0xFFFFFFFF;
	p2 =	slt.u32 s8, $0xFFFFF086  }
0x1c: {  	p1 =	slt.u32 s9, $0xF7A;
	s5 =	simm.s32 @!p2 $0x0  }
0x1d: {  	s5 =	simm.s32 @p1 $0x1;
	p0 =	seq.s32 s7, s2  }
0x1e: {  	s7 =	smul.u32 @!p0 $0xF7A, s2;
	p2 =	seq.s32 @!p0 s5, $0x0  }
0x1f: {  	s9 =	smul.u32 $0xF7A, s1;
	s8 =	simm.s32 @!p0 $0x1BF5;
	p2 =	por !p2, p0  }
0x20: {  	[sflag:s8] =	ssyncset.s32 @!p0 $0xFFFFF086;
	s6 =	sadd.s32 @!p0 s3, s7;
	s7 =	simm.s32 @!p0 $0x108  }
0x21: {  	s3 =	sadd.s32 s3, s9;
	s6 =	sadd.s32 @!p0 $0x88, s6;
	s7 =	simm.s32 @p2 $0x1082  }
0x22: {  	[simem:s7], [sflag:s8] =	dma.local @!p0 [hbm:s6], $0xF7A  }
0x23: {  	s9 =	sor.u32 $0xD0000000, s2;
	s6 =	simm.s32 $0x108;
	_ =	swait.ge @!p0 [sflag:s8], $0x0  }
0x24: {  	s3 =	sadd.s32 $0x88, s3;
	s6 =	simm.s32 @!p1 $0x1082;
	[sflag:s4] =	ssyncset.s32 $0xFFFFF086  }
0x25: {  	[simem:s6], [sflag:s4] =	dma.local [hbm:s3], $0xF7A  }
0x26: {  	[smem:$0x3F9E] =	sst s1;
	(tag) =	ssettag s2;
	_ =	strace s9  }
0x27: {  	s1 =	sld [smem:$0x3FAE]  }
0x28: {  	s2 =	sld [smem:$0x3FAF]  }
0x29: {  	s4 =	sld [smem:$0x3FB1]  }
0x2a: {  	p0 =	seq.s32 s5, $0x0;
	s5 =	sld [smem:$0x3FB2]  }
0x2b: {  	s6 =	sld [smem:$0x3FB3]  }
0x2c: {  	s7 =	sld [smem:$0x3FB4]  }
0x2d: {  	s3 =	simm.s32 $0x108;
	s8 =	sld [smem:$0x3FB5]  }
0x2e: {  	s3 =	simm.s32 @!p0 $0x1082;
	s9 =	sld [smem:$0x3FB6]  }
0x2f: {  	lr =	sadd.s32 s0, s3;
	s0 =	sld [smem:$0x3FAD]  }
0x30: {  	s3 =	sld [smem:$0x3FB0]  }
0x31: {  	[smem:$0x3FB9] =	sst s10  }
0x32: {  	s10 =	sld [smem:$0x3FB7];
	_ =	sdelay $0x3  }
0x33: {  	p0 =	seq.s32 s10, $0x1;
	s10 =	sld [smem:$0x3FB9];
	_ =	sdelay $0x3  }
0x34: {  	[smem:$0x3FB9] =	sst s10  }
0x35: {  	s10 =	sld [smem:$0x3FB8];
	_ =	sdelay $0x3  }
0x36: {  	p1 =	seq.s32 s10, $0x1;
	s10 =	sld [smem:$0x3FB9];
	_ =	sdelay $0x3  }
0x37: {  	[smem:$0x3FB9] =	sst s10  }
0x38: {  	s10 =	sld [smem:$0x3FBA]  }
0x39: {  	_ = 	snop;
	(pc) =	sbr.ind lr, $3  }
0x3a: {  	_ = 	snop  }
0x3b: {  	_ = 	snop  }
0x3c: {  	p2 =	seq.s32 s10, $0x1;
	s10 =	sld [smem:$0x3FB9]  }
0x3d: {  	_ =	shalt  }
0x3e: {  	_ =	shalt  }
0x3f: {  	_ =	shalt  }
0x40: {  	_ =	shalt  }
0x41: {  	_ =	shalt  }
0x42: {  	_ =	shalt  }
0x43: {  	_ =	shalt  }
0x44: {  	_ =	shalt  }
0x45: {  	_ =	shalt  }
0x46: {  	_ =	shalt  }
0x47: {  	_ =	shalt  }
0x48: {  	_ =	shalt  }
0x49: {  	_ =	shalt  }
0x4a: {  	_ =	shalt  }
0x4b: {  	_ =	shalt  }
0x4c: {  	_ =	shalt  }
0x4d: {  	_ =	shalt  }
0x4e: {  	_ =	shalt  }
0x4f: {  	_ =	shalt  }
0x50: {  	_ =	shalt  }
0x51: {  	_ =	shalt  }
0x52: {  	_ =	shalt  }
0x53: {  	_ =	shalt  }
0x54: {  	_ =	shalt  }
0x55: {  	_ =	shalt  }
0x56: {  	_ =	shalt  }
0x57: {  	_ =	shalt  }
0x58: {  	_ =	shalt  }
0x59: {  	_ =	shalt  }
0x5a: {  	_ =	shalt  }
0x5b: {  	_ =	shalt  }
0x5c: {  	_ =	shalt  }
0x5d: {  	_ =	shalt  }
0x5e: {  	_ =	shalt  }
0x5f: {  	_ =	shalt  }
0x60: {  	_ =	shalt  }
0x61: {  	_ =	shalt  }
0x62: {  	_ =	shalt  }
0x63: {  	_ =	shalt  }
0x64: {  	_ =	shalt  }
0x65: {  	_ =	shalt  }
0x66: {  	_ =	shalt  }
0x67: {  	_ =	shalt  }
0x68: {  	_ =	shalt  }
0x69: {  	_ =	shalt  }
0x6a: {  	_ =	shalt  }
0x6b: {  	_ =	shalt  }
0x6c: {  	_ =	shalt  }
0x6d: {  	_ =	shalt  }
0x6e: {  	_ =	shalt  }
0x6f: {  	_ =	shalt  }
0x70: {  	_ =	shalt  }
0x71: {  	_ =	shalt  }
0x72: {  	_ =	shalt  }
0x73: {  	_ =	shalt  }
0x74: {  	_ =	shalt  }
0x75: {  	_ =	shalt  }
0x76: {  	_ =	shalt  }
0x77: {  	_ =	shalt  }
0x78: {  	_ =	shalt  }
0x79: {  	_ =	shalt  }
0x7a: {  	_ =	shalt  }
0x7b: {  	_ =	shalt  }
0x7c: {  	_ =	shalt  }
0x7d: {  	_ =	shalt  }
0x7e: {  	_ =	shalt  }
0x7f: {  	_ =	shalt  }
0x80: {  	_ =	shalt  }
0x81: {  	_ =	shalt  }
0x82: {  	_ =	shalt  }
0x83: {  	_ =	shalt  }
0x84: {  	_ =	shalt  }
0x85: {  	_ =	shalt  }
0x86: {  	_ =	shalt  }
0x87: {  	_ =	shalt  }
.Lfunc_end0:
.L_simem_size_0:
called_computation_lowered:
.L_overlay_start_0:
0x88: {  	s2 =	sld [smem:$0x3FD9]  }
0x89: {  	s3 =	sld [smem:$0x3FFE];
	_ =	sdelay $0x1  }
0x8a: {  	s1 =	srdreg.scid  }
0x8b: {  	s0 =	sand.u32 $0x1, s1  }
0x8c: {  	s18 =	sshll.u32 s0, $0xA;
	s2 =	sadd.s32 s3, s2  }
0x8d: {  	s2 =	sadd.s32 s2, s18  }
0x8e: {  	[smem:$0x3FC5] =	sst s2  }
0x8f: {  	_ = 	snop  }
0x90: {  	s2 =	sld [smem:$0x3FC9]  }
0x91: {  	s19 =	sld [smem:$0x3FC8]  }
0x92: {  	s4 =	sld [smem:$0x3FC7]  }
0x93: {  	s5 =	sld [smem:$0x3FD0];
	(tm) =	ssettm $0x1  }
0x94: {  	s6 =	sld [smem:$0x3FFB];
	_ =	sdelay $0x3  }
0x95: {  	_ =	strace s6  }
0x96: {  	s6 =	sld [smem:$0x3FFC];
	_ =	sdelay $0x3  }
0x97: {  	_ =	strace s6  }
0x98: {  	s6 =	sld [smem:$0x3FFD];
	_ =	sdelay $0x3  }
0x99: {  	_ =	strace s6  }
0x9a: {  	_ =	strace $0x8FFFFFFF  }
0x9b: {  	s20 =	sld [smem:$0x3FDB];
	_ =	sdelay $0x1  }
0x9c: {  	s7 =	simm.s32 $_scs_section_size  }
0x9d: {  	s8 =	simm.s32 $_size__tile_overlayer_lowered;
	s9 =	simm.s32 $_tile_overlayer_lowered  }
0x9e: {  	s23 =	simm.s32 $0x1BFF;
	s22 =	sshll.u32 s9, $0x1;
	s6 =	sadd.s32 s7, s20  }
0x9f: {  	s10 =	simm.s32 $0x0;
	s21 =	sshll.u32 s8, $0x1;
	s8 =	sadd.s32 s22, s6  }
0xa0: {  	[timem:s10], [sflag:s23] =	dma.local [hbm:s8], s21  }
0xa1: {  	_ =	swait.ge [sflag:s23], s21  }
0xa2: {  	s7 =	ssub.s32 $0x0, s21;
	[sflag:s23] =	ssyncset.done $0x0  }
0xa3: {  	[sflag:s23] =	ssyncadd.s32 s7;
	_ =	sdelay $0x1  }
0xa4: {  	s24 =	simm.s32 $0x1B8B  }
0xa5: {  	_ =	swait.ge [sflag:s24], $0x1  }
0xa6: {  	[sflag:s24] =	ssyncset.done $0x0  }
0xa7: {  	s25 =	simm.s32 $0x1B8E;
	[sflag:s24] =	ssyncadd.s32 $0xFFFFFFFF  }
0xa8: {  	s26 =	simm.s32 $execute0_lowered;
	[smem:$0x3FD2] =	sst s25  }
0xa9: {  	s7 =	sshll.u32 s26, $0x1;
	_ =	strace $0x80000046;
	[dreg:$0x1] =	wrdreg $0xFFFFFFFF  }
0xaa: {  	s28 =	simm.s32 $_size_execute0_lowered;
	s6 =	sadd.s32 s6, s7;
	[dreg:$0x0] =	wrdreg $0x0  }
0xab: {  	s7 =	sshll.u32 s28, $0x1;
	[dreg:$0x2] =	wrdreg s6  }
0xac: {  	[dreg:$0x3] =	wrdreg s7  }
0xad: {  	[dreg:$0x4] =	wrdreg $0xC0  }
0xae: {  	_ =	task [dreg:s10], $0x5FFFF  }
0xaf: {  	[dreg:$0x1] =	wrdreg $0xFFFFFFFF  }
0xb0: {  	[dreg:$0x0] =	wrdreg $0x60  }
0xb1: {  	[dreg:$0x2] =	wrdreg s2  }
0xb2: {  	[dreg:$0x3] =	wrdreg s19  }
0xb3: {  	[dreg:$0x4] =	wrdreg s4  }
0xb4: {  	[dreg:$0x5] =	wrdreg s5  }
0xb5: {  	[dreg:$0x6] =	wrdreg $0x9  }
0xb6: {  	_ =	task.clear_ibuf [dreg:s10], $0x7FFFF;
	_ =	strace $0x90000046  }
0xb7: {  	s29 =	simm.s32 $0x9;
	_ =	strace $0x80000048  }
0xb8: {  	_ =	swait.ge [sflag:s29], $0x1  }
0xb9: {  	[sflag:s29] =	ssyncadd.s32 $0xFFFFFFFF  }
0xba: {  	_ =	strace $0x90000048  }
0xbb: {  	_ =	sfence  }
0xbc: {  	s30 =	sld [smem:$0x0];
	_ =	sdelay $0x2  }
0xbd: {  	s31 =	sshll.u32 s1, $0xD;
	s1 =	sshrl.u32 s1, $0x2  }
0xbe: {  	s3 =	sand.u32 $0x4000, s31;
	s1 =	sadd.s32 s1, s30  }
0xbf: {  	s0 =	sor.u32 s3, s0;
	s1 =	sshll.u32 s1, $0x11  }
0xc0: {  	s0 =	sor.u32 s1, s0  }
0xc1: {  	s0 =	sadd.s32 $0x8F2B, s0  }
0xc2: {  	[sflag:s0] =	ssyncadd.remote.s32 $0x1  }
0xc3: {  	_ =	sfence.sel $0xFFFF  }
0xc4: {  	[dreg:$0x0] =	wrdreg $0xFFFFFFFF;
	(pc) =	sbr.abs _section_cstart, $3  }
0xc5: {  	[dreg:$0x1] =	wrdreg $0xFFFFFFFF  }
0xc6: {  	_ =	task.clear_ibuf [dreg:s10], $0x2FFFF;
	_ =	strace $0x9FFFFFFF  }
0xc7: {  	(tm) =	ssettm $0x7FFFFFFF  }
tec
execute0_lowered:
.L_overlay_start_1:
0x0: {  	(tag) =	ssettag $0x1  }
0x1: {  	s0 =	rddreg [dreg:$0x0]  }
0x2: {  	s1 =	rddreg [dreg:$0x1]  }
0x3: {  	s2 =	rddreg [dreg:$0x2]  }
0x4: {  	s4 =	rddreg [dreg:$0x3]  }
0x5: {  	s3 =	srdreg.scid;
	s6 =	stileid.u32  }
0x6: {  	s28 =	simm.s32 $0x2;
	s29 =	simm.s32 $0x3400;
	s30 =	simm.s32 $0x3  }
0x7: {  	s31 =	simm.s32 $0x40;
	s13 =	simm.s32 $0x280;
	s5 =	sand.u32 $0x1, s3  }
0x8: {  	s3 =	simm.s32 $0x0;
	s6 =	sshll.u32 s6, $0x7;
	s7 =	sshll.u32 s5, $0x6  }
0x9: {  	[smem:$0x7FF] =	sst s3;
	s5 =	ssub.s32 $0x2, s5;
	s6 =	sor.u32 s7, s6  }
0xa: {  	_ =	strace $0x80000047;
	s8 =	sshrl.u32 s5, $0x1;
	s9 =	sshll.u32 s6, $0x2  }
0xb: {  	s8 =	ssub.s32 s5, s8;
	s11 =	sor.u32 $0x20, s6;
	s6 =	sshll.u32 s6, $0x4  }
0xc: {  	s17 =	sand.u32 $0x1E00, s9;
	s12 =	sand.u32 $0x60, s11;
	s2 =	sadd.s32 s2, s6  }
0xd: {  	s24 =	sshll.u32 s11, $0x4;
	s10 =	sor.u32 s7, s17;
	[dreg:$0x5] =	wrdreg s2  }
0xe: {  	s19 =	sor.u32 s12, s17;
	s7 =	sor.u32 s7, s9;
	s9 =	sor.u32 s9, s12  }
0xf: {  	s25 =	sadd.s32 s4, s24;
	s17 =	smax.u32 s8, $0x1;
	s24 =	simm.s32 $0x1  }
0x10: {  	s8 =	simm.s32 $0x9400;
	s12 =	simm.s32 $0x200;
	s18 =	sshrl.u32 s10, $0x3  }
0x11: {  	s20 =	sshrl.u32 s19, $0x3;
	s22 =	sshrl.u32 s7, $0x3;
	s23 =	sshrl.u32 s9, $0x3  }
0x12: {  	s10 =	sadd.s32 s4, s6;
	[dreg:$0xb] =	wrdreg s25;
	s25 =	simm.s32 $0x20  }
0x13: {  	s4 =	simm.s32 $0x5;
	s6 =	simm.s32 $0x8400;
	s9 =	simm.s32 $0x7  }
0x14: {  	s19 =	simm.s32 $0x8;
	s5 =	sadd.s32 s0, s18;
	s2 =	sadd.s32 s0, s20  }
0x15: {  	s7 =	sor.u32 $0x20, s22;
	s26 =	sadd.s32 $0x8000, s10;
	s14 =	sadd.s32 $0x10000, s10  }
0x16: {  	s15 =	sadd.s32 $0x18000, s10;
	s16 =	sadd.s32 $0x18200, s10;
	[dreg:$0x6] =	wrdreg s2  }
0x17: {  	s18 =	simm.s32 $0x6400;
	s21 =	sadd.s32 $0x10, s5;
	[dreg:$0xc] =	wrdreg s26  }
0x18: {  	s2 =	sor.u32 $0x30, s22;
	s7 =	sadd.s32 s0, s7;
	[dreg:$0x7] =	wrdreg s21  }
0x19: {  	s20 =	simm.s32 $0x0;
	[dreg:$0x8] =	wrdreg s7;
	s2 =	sadd.s32 s0, s2  }
0x1a: {  	s26 =	simm.s32 $0x2400;
	[dreg:$0x9] =	wrdreg s2;
	s2 =	sor.u32 $0x30, s23  }
0x1b: {  	s7 =	simm.s32 $0x6;
	s23 =	simm.s32 $0x180;
	s0 =	sadd.s32 s0, s2  }
0x1c: {  	s2 =	simm.s32 $0x4;
	[dreg:$0xa] =	wrdreg s0;
	s0 =	simm.s32 $0x4400  }
.LBB2_1:
0x1d: {  	s21 =	rddreg [dreg:$0x5];
	s22 =	simm.s32 $0x400  }
0x1e: {  	[tilespmem:s22], [sflag:$0x7] =	stream.linear.gather [hbm4b:s21+s3], $0x2000, $0x38;
	[tilespmem:$0xA400] =	vst v63  }
0x1f: {  	_ = 	snop  }
0x20: {  	[tilespmem:s3], [sflag:$0x1] =	stream.linear.gather [hbm4b:s5+s3], $0x20, $0x38;
	[tilespmem:$0xA400] =	vst v63  }
0x21: {  	s11 =	rddreg [dreg:$0x6];
	s22 =	simm.s32 $0x80  }
0x22: {  	[tilespmem:s22], [sflag:$0x2] =	stream.linear.gather [hbm4b:s11+s3], $0x20, $0x38;
	[tilespmem:$0xA400] =	vst v63  }
0x23: {  	s21 =	rddreg [dreg:$0x7];
	s11 =	simm.s32 $0x100  }
0x24: {  	[tilespmem:s11], [sflag:$0x3] =	stream.linear.gather [hbm4b:s21+s3], $0x40, $0x38;
	[tilespmem:$0xA400] =	vst v63  }
0x25: {  	s21 =	rddreg [dreg:$0x8]  }
0x26: {  	[tilespmem:s23], [sflag:$0x4] =	stream.linear.gather [hbm4b:s21+s3], $0x40, $0x38;
	[tilespmem:$0xA400] =	vst v63  }
0x27: {  	s21 =	rddreg [dreg:$0x9]  }
0x28: {  	[tilespmem:s12], [sflag:$0x5] =	stream.linear.gather [hbm4b:s21+s3], $0x20, $0x38;
	[tilespmem:$0xA400] =	vst v63  }
0x29: {  	s21 =	rddreg [dreg:$0xa]  }
0x2a: {  	[tilespmem:s13], [sflag:$0x6] =	stream.linear.gather [hbm4b:s21+s3], $0x20, $0x38;
	[tilespmem:$0xA400] =	vst v63  }
0x2b: {  	_ =	swait.ge [sflag:s24], $0x20  }
0x2c: {  	[sflag:s24] =	ssyncset.done $0x0  }
0x2d: {  	[sflag:s24] =	ssyncadd.s32 $0xFFFFFFE0  }
0x2e: {  	[tilespmem:s26], [sflag:$0x1] =	stream.indirect.gather [hbm4b:s1+s25], $0x80, s3, s25, $0xb8;
	[tilespmem:$0xA400] =	vst v63  }
0x2f: {  	_ =	swait.ge [sflag:s28], $0x20  }
0x30: {  	[sflag:s28] =	ssyncset.done $0x0  }
0x31: {  	[sflag:s28] =	ssyncadd.s32 $0xFFFFFFE0  }
0x32: {  	[tilespmem:s29], [sflag:$0x2] =	stream.indirect.gather [hbm4b:s1+s25], $0x80, s22, s25, $0xb8;
	[tilespmem:$0xA400] =	vst v63  }
0x33: {  	_ =	swait.ge [sflag:s30], $0x40  }
0x34: {  	[sflag:s30] =	ssyncset.done $0x0  }
0x35: {  	[sflag:s30] =	ssyncadd.s32 $0xFFFFFFC0  }
0x36: {  	[tilespmem:s0], [sflag:$0x3] =	stream.indirect.gather [hbm4b:s1+s31], $0x80, s11, s31, $0xb8;
	[tilespmem:$0xA400] =	vst v63  }
0x37: {  	_ =	swait.ge [sflag:s2], $0x40  }
0x38: {  	[sflag:s2] =	ssyncset.done $0x0  }
0x39: {  	[sflag:s2] =	ssyncadd.s32 $0xFFFFFFC0  }
0x3a: {  	[tilespmem:s18], [sflag:$0x4] =	stream.indirect.gather [hbm4b:s1+s31], $0x80, s23, s31, $0xb8;
	[tilespmem:$0xA400] =	vst v63  }
0x3b: {  	_ =	swait.ge [sflag:s4], $0x20  }
0x3c: {  	[sflag:s4] =	ssyncset.done $0x0  }
0x3d: {  	[sflag:s4] =	ssyncadd.s32 $0xFFFFFFE0  }
0x3e: {  	[tilespmem:s6], [sflag:$0x5] =	stream.indirect.gather [hbm4b:s1+s25], $0x80, s12, s25, $0xb8;
	[tilespmem:$0xA400] =	vst v63  }
0x3f: {  	_ =	swait.ge [sflag:s7], $0x20  }
0x40: {  	[sflag:s7] =	ssyncset.done $0x0  }
0x41: {  	[sflag:s7] =	ssyncadd.s32 $0xFFFFFFE0  }
0x42: {  	[tilespmem:s8], [sflag:$0x6] =	stream.indirect.gather [hbm4b:s1+s25], $0x80, s13, s25, $0xb8;
	[tilespmem:$0xA400] =	vst v63  }
0x43: {  	_ =	swait.ge [sflag:s9], $0x2000  }
0x44: {  	[sflag:s9] =	ssyncset.done $0x0  }
0x45: {  	[sflag:s9] =	ssyncadd.s32 $0xFFFFE000  }
0x46: {  	_ =	swait.ge [sflag:s24], $0x1000  }
0x47: {  	[sflag:s24] =	ssyncset.done $0x0  }
0x48: {  	s21 =	simm.s32 $0x0;
	s22 =	simm.s32 $0x400;
	[sflag:s24] =	ssyncadd.s32 $0xFFFFF000  }
.LBB2_2:
0x49: {  	p0 =	sne.s32 s22, $0x3C00;
	v0 =	vld [tilespmem:s21+$0x4F0]  }
0x4a: {  	v1 =	vld [tilespmem:s21+$0x400]  }
0x4b: {  	v2 =	vld [tilespmem:s21+$0x410]  }
0x4c: {  	v3 =	vld [tilespmem:s21+$0x420]  }
0x4d: {  	v4 =	vld [tilespmem:s21+$0x430]  }
0x4e: {  	[tilespmem:s21+$0x24F0] =	vst.add.f32.msk $0xffff, v0  }
0x4f: {  	v0 =	vld [tilespmem:s21+$0x440]  }
0x50: {  	v5 =	vld [tilespmem:s21+$0x450]  }
0x51: {  	v6 =	vld [tilespmem:s21+$0x460]  }
0x52: {  	v7 =	vld [tilespmem:s21+$0x470]  }
0x53: {  	v8 =	vld [tilespmem:s21+$0x480]  }
0x54: {  	v9 =	vld [tilespmem:s21+$0x490]  }
0x55: {  	v10 =	vld [tilespmem:s21+$0x4A0]  }
0x56: {  	v11 =	vld [tilespmem:s21+$0x4B0]  }
0x57: {  	v12 =	vld [tilespmem:s21+$0x4C0]  }
0x58: {  	v13 =	vld [tilespmem:s21+$0x4D0]  }
0x59: {  	v14 =	vld [tilespmem:s21+$0x4E0]  }
0x5a: {  	[tilespmem:s21+$0x2400] =	vst.add.f32.msk $0xffff, v1  }
0x5b: {  	[tilespmem:s21+$0x2410] =	vst.add.f32.msk $0xffff, v2  }
0x5c: {  	[tilespmem:s21+$0x2420] =	vst.add.f32.msk $0xffff, v3  }
0x5d: {  	[tilespmem:s21+$0x2430] =	vst.add.f32.msk $0xffff, v4  }
0x5e: {  	[tilespmem:s21+$0x2440] =	vst.add.f32.msk $0xffff, v0  }
0x5f: {  	[tilespmem:s21+$0x2450] =	vst.add.f32.msk $0xffff, v5  }
0x60: {  	[tilespmem:s21+$0x2460] =	vst.add.f32.msk $0xffff, v6  }
0x61: {  	[tilespmem:s21+$0x2470] =	vst.add.f32.msk $0xffff, v7  }
0x62: {  	[tilespmem:s21+$0x2480] =	vst.add.f32.msk $0xffff, v8  }
0x63: {  	[tilespmem:s21+$0x2490] =	vst.add.f32.msk $0xffff, v9  }
.Ltmp0:
0x64: {  	[tilespmem:s21+$0x24A0] =	vst.add.f32.msk $0xffff, v10;
	(pc) =	sbr.rel @p0 .LBB2_2-.Ltmp0, $4  }
0x65: {  	[tilespmem:s21+$0x24B0] =	vst.add.f32.msk $0xffff, v11  }
0x66: {  	[tilespmem:s21+$0x24C0] =	vst.add.f32.msk $0xffff, v12  }
0x67: {  	[tilespmem:s21+$0x24D0] =	vst.add.f32.msk $0xffff, v13  }
0x68: {  	[tilespmem:s21+$0x24E0] =	vst.add.f32.msk $0xffff, v14;
	s21 =	sshra.s32 s22, $0x2;
	s22 =	sadd.s32 $0x400, s22  }
0x69: {  	v0 =	vld [tilespmem:s21+$0x4F0]  }
0x6a: {  	v1 =	vld [tilespmem:s21+$0x400]  }
0x6b: {  	v2 =	vld [tilespmem:s21+$0x410]  }
0x6c: {  	v3 =	vld [tilespmem:s21+$0x420]  }
0x6d: {  	v4 =	vld [tilespmem:s21+$0x430]  }
0x6e: {  	v63 =	vld [tilespmem:s21+$0x440]  }
0x6f: {  	v5 =	vld [tilespmem:s21+$0x450]  }
0x70: {  	v6 =	vld [tilespmem:s21+$0x460]  }
0x71: {  	v7 =	vld [tilespmem:s21+$0x470]  }
0x72: {  	v8 =	vld [tilespmem:s21+$0x480]  }
0x73: {  	v9 =	vld [tilespmem:s21+$0x490]  }
0x74: {  	v10 =	vld [tilespmem:s21+$0x4A0]  }
0x75: {  	v11 =	vld [tilespmem:s21+$0x4B0]  }
0x76: {  	v12 =	vld [tilespmem:s21+$0x4C0]  }
0x77: {  	v13 =	vld [tilespmem:s21+$0x4D0]  }
0x78: {  	v14 =	vld [tilespmem:s21+$0x4E0]  }
0x79: {  	[tilespmem:s21+$0x24F0] =	vst.add.f32.msk $0xffff, v0  }
0x7a: {  	[tilespmem:s21+$0x2400] =	vst.add.f32.msk $0xffff, v1  }
0x7b: {  	[tilespmem:s21+$0x2410] =	vst.add.f32.msk $0xffff, v2  }
0x7c: {  	[tilespmem:s21+$0x2420] =	vst.add.f32.msk $0xffff, v3  }
0x7d: {  	[tilespmem:s21+$0x2430] =	vst.add.f32.msk $0xffff, v4  }
0x7e: {  	[tilespmem:s21+$0x2440] =	vst.add.f32.msk $0xffff, v63  }
0x7f: {  	[tilespmem:s21+$0x2450] =	vst.add.f32.msk $0xffff, v5  }
0x80: {  	[tilespmem:s21+$0x2460] =	vst.add.f32.msk $0xffff, v6  }
0x81: {  	[tilespmem:s21+$0x2470] =	vst.add.f32.msk $0xffff, v7  }
0x82: {  	[tilespmem:s21+$0x2480] =	vst.add.f32.msk $0xffff, v8  }
0x83: {  	[tilespmem:s21+$0x2490] =	vst.add.f32.msk $0xffff, v9  }
0x84: {  	[tilespmem:s21+$0x24A0] =	vst.add.f32.msk $0xffff, v10  }
0x85: {  	[tilespmem:s21+$0x24B0] =	vst.add.f32.msk $0xffff, v11  }
0x86: {  	[tilespmem:s21+$0x24C0] =	vst.add.f32.msk $0xffff, v12  }
0x87: {  	[tilespmem:s21+$0x24D0] =	vst.add.f32.msk $0xffff, v13  }
0x88: {  	s22 =	simm.s32 $0x0;
	[tilespmem:s21+$0x24E0] =	vst.add.f32.msk $0xffff, v14  }
0x89: {  	[hbm4b:s10+s22] =	stream.linear.scatter [tilespmem:s26], [sflag:$0x8], $0x1000, $0x38;
	[tilespmem:$0xA400] =	vst v63  }
0x8a: {  	_ =	swait.ge [sflag:s28], $0x1000  }
0x8b: {  	[sflag:s28] =	ssyncset.done $0x0  }
0x8c: {  	s21 =	simm.s32 $0x0;
	s22 =	simm.s32 $0x400;
	[sflag:s28] =	ssyncadd.s32 $0xFFFFF000  }
.LBB2_4:
0x8d: {  	p0 =	sne.s32 s22, $0x3C00;
	v0 =	vld [tilespmem:s21+$0x14F0]  }
0x8e: {  	v1 =	vld [tilespmem:s21+$0x1400]  }
0x8f: {  	v2 =	vld [tilespmem:s21+$0x1410]  }
0x90: {  	v3 =	vld [tilespmem:s21+$0x1420]  }
0x91: {  	v4 =	vld [tilespmem:s21+$0x1430]  }
0x92: {  	[tilespmem:s21+$0x34F0] =	vst.add.f32.msk $0xffff, v0  }
0x93: {  	v0 =	vld [tilespmem:s21+$0x1440]  }
0x94: {  	v5 =	vld [tilespmem:s21+$0x1450]  }
0x95: {  	v6 =	vld [tilespmem:s21+$0x1460]  }
0x96: {  	v7 =	vld [tilespmem:s21+$0x1470]  }
0x97: {  	v8 =	vld [tilespmem:s21+$0x1480]  }
0x98: {  	v9 =	vld [tilespmem:s21+$0x1490]  }
0x99: {  	v10 =	vld [tilespmem:s21+$0x14A0]  }
0x9a: {  	v11 =	vld [tilespmem:s21+$0x14B0]  }
0x9b: {  	v12 =	vld [tilespmem:s21+$0x14C0]  }
0x9c: {  	v13 =	vld [tilespmem:s21+$0x14D0]  }
0x9d: {  	v14 =	vld [tilespmem:s21+$0x14E0]  }
0x9e: {  	[tilespmem:s21+$0x3400] =	vst.add.f32.msk $0xffff, v1  }
0x9f: {  	[tilespmem:s21+$0x3410] =	vst.add.f32.msk $0xffff, v2  }
0xa0: {  	[tilespmem:s21+$0x3420] =	vst.add.f32.msk $0xffff, v3  }
0xa1: {  	[tilespmem:s21+$0x3430] =	vst.add.f32.msk $0xffff, v4  }
0xa2: {  	[tilespmem:s21+$0x3440] =	vst.add.f32.msk $0xffff, v0  }
0xa3: {  	[tilespmem:s21+$0x3450] =	vst.add.f32.msk $0xffff, v5  }
0xa4: {  	[tilespmem:s21+$0x3460] =	vst.add.f32.msk $0xffff, v6  }
0xa5: {  	[tilespmem:s21+$0x3470] =	vst.add.f32.msk $0xffff, v7  }
0xa6: {  	[tilespmem:s21+$0x3480] =	vst.add.f32.msk $0xffff, v8  }
0xa7: {  	[tilespmem:s21+$0x3490] =	vst.add.f32.msk $0xffff, v9  }
.Ltmp1:
0xa8: {  	[tilespmem:s21+$0x34A0] =	vst.add.f32.msk $0xffff, v10;
	(pc) =	sbr.rel @p0 .LBB2_4-.Ltmp1, $4  }
0xa9: {  	[tilespmem:s21+$0x34B0] =	vst.add.f32.msk $0xffff, v11  }
0xaa: {  	[tilespmem:s21+$0x34C0] =	vst.add.f32.msk $0xffff, v12  }
0xab: {  	[tilespmem:s21+$0x34D0] =	vst.add.f32.msk $0xffff, v13  }
0xac: {  	[tilespmem:s21+$0x34E0] =	vst.add.f32.msk $0xffff, v14;
	s21 =	sshra.s32 s22, $0x2;
	s22 =	sadd.s32 $0x400, s22  }
0xad: {  	v0 =	vld [tilespmem:s21+$0x14F0]  }
0xae: {  	v1 =	vld [tilespmem:s21+$0x1400]  }
0xaf: {  	v2 =	vld [tilespmem:s21+$0x1410]  }
0xb0: {  	v3 =	vld [tilespmem:s21+$0x1420]  }
0xb1: {  	v4 =	vld [tilespmem:s21+$0x1430]  }
0xb2: {  	v63 =	vld [tilespmem:s21+$0x1440]  }
0xb3: {  	v5 =	vld [tilespmem:s21+$0x1450]  }
0xb4: {  	v6 =	vld [tilespmem:s21+$0x1460]  }
0xb5: {  	v7 =	vld [tilespmem:s21+$0x1470]  }
0xb6: {  	v8 =	vld [tilespmem:s21+$0x1480]  }
0xb7: {  	v9 =	vld [tilespmem:s21+$0x1490]  }
0xb8: {  	v10 =	vld [tilespmem:s21+$0x14A0]  }
0xb9: {  	v11 =	vld [tilespmem:s21+$0x14B0]  }
0xba: {  	v12 =	vld [tilespmem:s21+$0x14C0]  }
0xbb: {  	v13 =	vld [tilespmem:s21+$0x14D0]  }
0xbc: {  	v14 =	vld [tilespmem:s21+$0x14E0]  }
0xbd: {  	[tilespmem:s21+$0x34F0] =	vst.add.f32.msk $0xffff, v0  }
0xbe: {  	[tilespmem:s21+$0x3400] =	vst.add.f32.msk $0xffff, v1  }
0xbf: {  	[tilespmem:s21+$0x3410] =	vst.add.f32.msk $0xffff, v2  }
0xc0: {  	[tilespmem:s21+$0x3420] =	vst.add.f32.msk $0xffff, v3  }
0xc1: {  	[tilespmem:s21+$0x3430] =	vst.add.f32.msk $0xffff, v4  }
0xc2: {  	[tilespmem:s21+$0x3440] =	vst.add.f32.msk $0xffff, v63  }
0xc3: {  	[tilespmem:s21+$0x3450] =	vst.add.f32.msk $0xffff, v5  }
0xc4: {  	[tilespmem:s21+$0x3460] =	vst.add.f32.msk $0xffff, v6  }
0xc5: {  	[tilespmem:s21+$0x3470] =	vst.add.f32.msk $0xffff, v7  }
0xc6: {  	[tilespmem:s21+$0x3480] =	vst.add.f32.msk $0xffff, v8  }
0xc7: {  	[tilespmem:s21+$0x3490] =	vst.add.f32.msk $0xffff, v9  }
0xc8: {  	[tilespmem:s21+$0x34A0] =	vst.add.f32.msk $0xffff, v10  }
0xc9: {  	[tilespmem:s21+$0x34B0] =	vst.add.f32.msk $0xffff, v11  }
0xca: {  	[tilespmem:s21+$0x34C0] =	vst.add.f32.msk $0xffff, v12  }
0xcb: {  	[tilespmem:s21+$0x34D0] =	vst.add.f32.msk $0xffff, v13  }
0xcc: {  	s22 =	simm.s32 $0x0;
	s11 =	rddreg [dreg:$0xb];
	[tilespmem:s21+$0x34E0] =	vst.add.f32.msk $0xffff, v14  }
0xcd: {  	[hbm4b:s11+s22] =	stream.linear.scatter [tilespmem:s29], [sflag:$0x8], $0x1000, $0x38;
	[tilespmem:$0xA400] =	vst v63  }
0xce: {  	_ =	swait.ge [sflag:s30], $0x2000  }
0xcf: {  	[sflag:s30] =	ssyncset.done $0x0  }
0xd0: {  	s21 =	simm.s32 $0x0;
	s22 =	simm.s32 $0x400;
	[sflag:s30] =	ssyncadd.s32 $0xFFFFE000  }
.LBB2_6:
0xd1: {  	p0 =	sne.s32 s22, $0x7C00;
	v0 =	vld [tilespmem:s21+$0x4F0]  }
0xd2: {  	v1 =	vld [tilespmem:s21+$0x400]  }
0xd3: {  	v2 =	vld [tilespmem:s21+$0x410]  }
0xd4: {  	v3 =	vld [tilespmem:s21+$0x420]  }
0xd5: {  	v4 =	vld [tilespmem:s21+$0x430]  }
0xd6: {  	[tilespmem:s21+$0x44F0] =	vst.add.f32.msk $0xffff, v0  }
0xd7: {  	v0 =	vld [tilespmem:s21+$0x440]  }
0xd8: {  	v5 =	vld [tilespmem:s21+$0x450]  }
0xd9: {  	v6 =	vld [tilespmem:s21+$0x460]  }
0xda: {  	v7 =	vld [tilespmem:s21+$0x470]  }
0xdb: {  	v8 =	vld [tilespmem:s21+$0x480]  }
0xdc: {  	v9 =	vld [tilespmem:s21+$0x490]  }
0xdd: {  	v10 =	vld [tilespmem:s21+$0x4A0]  }
0xde: {  	v11 =	vld [tilespmem:s21+$0x4B0]  }
0xdf: {  	v12 =	vld [tilespmem:s21+$0x4C0]  }
0xe0: {  	v13 =	vld [tilespmem:s21+$0x4D0]  }
0xe1: {  	v14 =	vld [tilespmem:s21+$0x4E0]  }
0xe2: {  	[tilespmem:s21+$0x4400] =	vst.add.f32.msk $0xffff, v1  }
0xe3: {  	[tilespmem:s21+$0x4410] =	vst.add.f32.msk $0xffff, v2  }
0xe4: {  	[tilespmem:s21+$0x4420] =	vst.add.f32.msk $0xffff, v3  }
0xe5: {  	[tilespmem:s21+$0x4430] =	vst.add.f32.msk $0xffff, v4  }
0xe6: {  	[tilespmem:s21+$0x4440] =	vst.add.f32.msk $0xffff, v0  }
0xe7: {  	[tilespmem:s21+$0x4450] =	vst.add.f32.msk $0xffff, v5  }
0xe8: {  	[tilespmem:s21+$0x4460] =	vst.add.f32.msk $0xffff, v6  }
0xe9: {  	[tilespmem:s21+$0x4470] =	vst.add.f32.msk $0xffff, v7  }
0xea: {  	[tilespmem:s21+$0x4480] =	vst.add.f32.msk $0xffff, v8  }
0xeb: {  	[tilespmem:s21+$0x4490] =	vst.add.f32.msk $0xffff, v9  }
.Ltmp2:
0xec: {  	[tilespmem:s21+$0x44A0] =	vst.add.f32.msk $0xffff, v10;
	(pc) =	sbr.rel @p0 .LBB2_6-.Ltmp2, $4  }
0xed: {  	[tilespmem:s21+$0x44B0] =	vst.add.f32.msk $0xffff, v11  }
0xee: {  	[tilespmem:s21+$0x44C0] =	vst.add.f32.msk $0xffff, v12  }
0xef: {  	[tilespmem:s21+$0x44D0] =	vst.add.f32.msk $0xffff, v13  }
0xf0: {  	[tilespmem:s21+$0x44E0] =	vst.add.f32.msk $0xffff, v14;
	s21 =	sshra.s32 s22, $0x2;
	s22 =	sadd.s32 $0x400, s22  }
0xf1: {  	v0 =	vld [tilespmem:s21+$0x4F0]  }
0xf2: {  	v1 =	vld [tilespmem:s21+$0x400]  }
0xf3: {  	v2 =	vld [tilespmem:s21+$0x410]  }
0xf4: {  	v3 =	vld [tilespmem:s21+$0x420]  }
0xf5: {  	v4 =	vld [tilespmem:s21+$0x430]  }
0xf6: {  	v63 =	vld [tilespmem:s21+$0x440]  }
0xf7: {  	v5 =	vld [tilespmem:s21+$0x450]  }
0xf8: {  	v6 =	vld [tilespmem:s21+$0x460]  }
0xf9: {  	v7 =	vld [tilespmem:s21+$0x470]  }
0xfa: {  	v8 =	vld [tilespmem:s21+$0x480]  }
0xfb: {  	v9 =	vld [tilespmem:s21+$0x490]  }
0xfc: {  	v10 =	vld [tilespmem:s21+$0x4A0]  }
0xfd: {  	v11 =	vld [tilespmem:s21+$0x4B0]  }
0xfe: {  	v12 =	vld [tilespmem:s21+$0x4C0]  }
0xff: {  	v13 =	vld [tilespmem:s21+$0x4D0]  }
0x100: {  	v14 =	vld [tilespmem:s21+$0x4E0]  }
0x101: {  	[tilespmem:s21+$0x44F0] =	vst.add.f32.msk $0xffff, v0  }
0x102: {  	[tilespmem:s21+$0x4400] =	vst.add.f32.msk $0xffff, v1  }
0x103: {  	[tilespmem:s21+$0x4410] =	vst.add.f32.msk $0xffff, v2  }
0x104: {  	[tilespmem:s21+$0x4420] =	vst.add.f32.msk $0xffff, v3  }
0x105: {  	[tilespmem:s21+$0x4430] =	vst.add.f32.msk $0xffff, v4  }
0x106: {  	[tilespmem:s21+$0x4440] =	vst.add.f32.msk $0xffff, v63  }
0x107: {  	[tilespmem:s21+$0x4450] =	vst.add.f32.msk $0xffff, v5  }
0x108: {  	[tilespmem:s21+$0x4460] =	vst.add.f32.msk $0xffff, v6  }
0x109: {  	[tilespmem:s21+$0x4470] =	vst.add.f32.msk $0xffff, v7  }
0x10a: {  	[tilespmem:s21+$0x4480] =	vst.add.f32.msk $0xffff, v8  }
0x10b: {  	[tilespmem:s21+$0x4490] =	vst.add.f32.msk $0xffff, v9  }
0x10c: {  	[tilespmem:s21+$0x44A0] =	vst.add.f32.msk $0xffff, v10  }
0x10d: {  	[tilespmem:s21+$0x44B0] =	vst.add.f32.msk $0xffff, v11  }
0x10e: {  	[tilespmem:s21+$0x44C0] =	vst.add.f32.msk $0xffff, v12  }
0x10f: {  	[tilespmem:s21+$0x44D0] =	vst.add.f32.msk $0xffff, v13  }
0x110: {  	s22 =	simm.s32 $0x0;
	s11 =	rddreg [dreg:$0xc];
	[tilespmem:s21+$0x44E0] =	vst.add.f32.msk $0xffff, v14  }
0x111: {  	[hbm4b:s11+s22] =	stream.linear.scatter [tilespmem:s0], [sflag:$0x8], $0x2000, $0x38;
	[tilespmem:$0xA400] =	vst v63  }
0x112: {  	_ =	swait.ge [sflag:s2], $0x2000  }
0x113: {  	[sflag:s2] =	ssyncset.done $0x0  }
0x114: {  	s21 =	simm.s32 $0x0;
	s22 =	simm.s32 $0x400;
	[sflag:s2] =	ssyncadd.s32 $0xFFFFE000  }
.LBB2_8:
0x115: {  	p0 =	sne.s32 s22, $0x7C00;
	v0 =	vld [tilespmem:s21+$0x4F0]  }
0x116: {  	v1 =	vld [tilespmem:s21+$0x400]  }
0x117: {  	v2 =	vld [tilespmem:s21+$0x410]  }
0x118: {  	v3 =	vld [tilespmem:s21+$0x420]  }
0x119: {  	v4 =	vld [tilespmem:s21+$0x430]  }
0x11a: {  	[tilespmem:s21+$0x64F0] =	vst.add.f32.msk $0xffff, v0  }
0x11b: {  	v0 =	vld [tilespmem:s21+$0x440]  }
0x11c: {  	v5 =	vld [tilespmem:s21+$0x450]  }
0x11d: {  	v6 =	vld [tilespmem:s21+$0x460]  }
0x11e: {  	v7 =	vld [tilespmem:s21+$0x470]  }
0x11f: {  	v8 =	vld [tilespmem:s21+$0x480]  }
0x120: {  	v9 =	vld [tilespmem:s21+$0x490]  }
0x121: {  	v10 =	vld [tilespmem:s21+$0x4A0]  }
0x122: {  	v11 =	vld [tilespmem:s21+$0x4B0]  }
0x123: {  	v12 =	vld [tilespmem:s21+$0x4C0]  }
0x124: {  	v13 =	vld [tilespmem:s21+$0x4D0]  }
0x125: {  	v14 =	vld [tilespmem:s21+$0x4E0]  }
0x126: {  	[tilespmem:s21+$0x6400] =	vst.add.f32.msk $0xffff, v1  }
0x127: {  	[tilespmem:s21+$0x6410] =	vst.add.f32.msk $0xffff, v2  }
0x128: {  	[tilespmem:s21+$0x6420] =	vst.add.f32.msk $0xffff, v3  }
0x129: {  	[tilespmem:s21+$0x6430] =	vst.add.f32.msk $0xffff, v4  }
0x12a: {  	[tilespmem:s21+$0x6440] =	vst.add.f32.msk $0xffff, v0  }
0x12b: {  	[tilespmem:s21+$0x6450] =	vst.add.f32.msk $0xffff, v5  }
0x12c: {  	[tilespmem:s21+$0x6460] =	vst.add.f32.msk $0xffff, v6  }
0x12d: {  	[tilespmem:s21+$0x6470] =	vst.add.f32.msk $0xffff, v7  }
0x12e: {  	[tilespmem:s21+$0x6480] =	vst.add.f32.msk $0xffff, v8  }
0x12f: {  	[tilespmem:s21+$0x6490] =	vst.add.f32.msk $0xffff, v9  }
.Ltmp3:
0x130: {  	[tilespmem:s21+$0x64A0] =	vst.add.f32.msk $0xffff, v10;
	(pc) =	sbr.rel @p0 .LBB2_8-.Ltmp3, $4  }
0x131: {  	[tilespmem:s21+$0x64B0] =	vst.add.f32.msk $0xffff, v11  }
0x132: {  	[tilespmem:s21+$0x64C0] =	vst.add.f32.msk $0xffff, v12  }
0x133: {  	[tilespmem:s21+$0x64D0] =	vst.add.f32.msk $0xffff, v13  }
0x134: {  	[tilespmem:s21+$0x64E0] =	vst.add.f32.msk $0xffff, v14;
	s21 =	sshra.s32 s22, $0x2;
	s22 =	sadd.s32 $0x400, s22  }
0x135: {  	v0 =	vld [tilespmem:s21+$0x4F0]  }
0x136: {  	v1 =	vld [tilespmem:s21+$0x400]  }
0x137: {  	v2 =	vld [tilespmem:s21+$0x410]  }
0x138: {  	v3 =	vld [tilespmem:s21+$0x420]  }
0x139: {  	v4 =	vld [tilespmem:s21+$0x430]  }
0x13a: {  	v63 =	vld [tilespmem:s21+$0x440]  }
0x13b: {  	v5 =	vld [tilespmem:s21+$0x450]  }
0x13c: {  	v6 =	vld [tilespmem:s21+$0x460]  }
0x13d: {  	v7 =	vld [tilespmem:s21+$0x470]  }
0x13e: {  	v8 =	vld [tilespmem:s21+$0x480]  }
0x13f: {  	v9 =	vld [tilespmem:s21+$0x490]  }
0x140: {  	v10 =	vld [tilespmem:s21+$0x4A0]  }
0x141: {  	v11 =	vld [tilespmem:s21+$0x4B0]  }
0x142: {  	v12 =	vld [tilespmem:s21+$0x4C0]  }
0x143: {  	v13 =	vld [tilespmem:s21+$0x4D0]  }
0x144: {  	v14 =	vld [tilespmem:s21+$0x4E0]  }
0x145: {  	[tilespmem:s21+$0x64F0] =	vst.add.f32.msk $0xffff, v0  }
0x146: {  	[tilespmem:s21+$0x6400] =	vst.add.f32.msk $0xffff, v1  }
0x147: {  	[tilespmem:s21+$0x6410] =	vst.add.f32.msk $0xffff, v2  }
0x148: {  	[tilespmem:s21+$0x6420] =	vst.add.f32.msk $0xffff, v3  }
0x149: {  	[tilespmem:s21+$0x6430] =	vst.add.f32.msk $0xffff, v4  }
0x14a: {  	[tilespmem:s21+$0x6440] =	vst.add.f32.msk $0xffff, v63  }
0x14b: {  	[tilespmem:s21+$0x6450] =	vst.add.f32.msk $0xffff, v5  }
0x14c: {  	[tilespmem:s21+$0x6460] =	vst.add.f32.msk $0xffff, v6  }
0x14d: {  	[tilespmem:s21+$0x6470] =	vst.add.f32.msk $0xffff, v7  }
0x14e: {  	[tilespmem:s21+$0x6480] =	vst.add.f32.msk $0xffff, v8  }
0x14f: {  	[tilespmem:s21+$0x6490] =	vst.add.f32.msk $0xffff, v9  }
0x150: {  	[tilespmem:s21+$0x64A0] =	vst.add.f32.msk $0xffff, v10  }
0x151: {  	[tilespmem:s21+$0x64B0] =	vst.add.f32.msk $0xffff, v11  }
0x152: {  	[tilespmem:s21+$0x64C0] =	vst.add.f32.msk $0xffff, v12  }
0x153: {  	[tilespmem:s21+$0x64D0] =	vst.add.f32.msk $0xffff, v13  }
0x154: {  	s22 =	simm.s32 $0x0;
	[tilespmem:s21+$0x64E0] =	vst.add.f32.msk $0xffff, v14  }
0x155: {  	[hbm4b:s14+s22] =	stream.linear.scatter [tilespmem:s18], [sflag:$0x8], $0x2000, $0x38;
	[tilespmem:$0xA400] =	vst v63  }
0x156: {  	_ =	swait.ge [sflag:s4], $0x1000  }
0x157: {  	[sflag:s4] =	ssyncset.done $0x0  }
0x158: {  	s21 =	simm.s32 $0x0;
	s22 =	simm.s32 $0x400;
	[sflag:s4] =	ssyncadd.s32 $0xFFFFF000  }
.LBB2_10:
0x159: {  	p0 =	sne.s32 s22, $0x3C00;
	v0 =	vld [tilespmem:s21+$0x4F0]  }
0x15a: {  	v1 =	vld [tilespmem:s21+$0x400]  }
0x15b: {  	v2 =	vld [tilespmem:s21+$0x410]  }
0x15c: {  	v3 =	vld [tilespmem:s21+$0x420]  }
0x15d: {  	v4 =	vld [tilespmem:s21+$0x430]  }
0x15e: {  	[tilespmem:s21+$0x84F0] =	vst.add.f32.msk $0xffff, v0  }
0x15f: {  	v0 =	vld [tilespmem:s21+$0x440]  }
0x160: {  	v5 =	vld [tilespmem:s21+$0x450]  }
0x161: {  	v6 =	vld [tilespmem:s21+$0x460]  }
0x162: {  	v7 =	vld [tilespmem:s21+$0x470]  }
0x163: {  	v8 =	vld [tilespmem:s21+$0x480]  }
0x164: {  	v9 =	vld [tilespmem:s21+$0x490]  }
0x165: {  	v10 =	vld [tilespmem:s21+$0x4A0]  }
0x166: {  	v11 =	vld [tilespmem:s21+$0x4B0]  }
0x167: {  	v12 =	vld [tilespmem:s21+$0x4C0]  }
0x168: {  	v13 =	vld [tilespmem:s21+$0x4D0]  }
0x169: {  	v14 =	vld [tilespmem:s21+$0x4E0]  }
0x16a: {  	[tilespmem:s21+$0x8400] =	vst.add.f32.msk $0xffff, v1  }
0x16b: {  	[tilespmem:s21+$0x8410] =	vst.add.f32.msk $0xffff, v2  }
0x16c: {  	[tilespmem:s21+$0x8420] =	vst.add.f32.msk $0xffff, v3  }
0x16d: {  	[tilespmem:s21+$0x8430] =	vst.add.f32.msk $0xffff, v4  }
0x16e: {  	[tilespmem:s21+$0x8440] =	vst.add.f32.msk $0xffff, v0  }
0x16f: {  	[tilespmem:s21+$0x8450] =	vst.add.f32.msk $0xffff, v5  }
0x170: {  	[tilespmem:s21+$0x8460] =	vst.add.f32.msk $0xffff, v6  }
0x171: {  	[tilespmem:s21+$0x8470] =	vst.add.f32.msk $0xffff, v7  }
0x172: {  	[tilespmem:s21+$0x8480] =	vst.add.f32.msk $0xffff, v8  }
0x173: {  	[tilespmem:s21+$0x8490] =	vst.add.f32.msk $0xffff, v9  }
.Ltmp4:
0x174: {  	[tilespmem:s21+$0x84A0] =	vst.add.f32.msk $0xffff, v10;
	(pc) =	sbr.rel @p0 .LBB2_10-.Ltmp4, $4  }
0x175: {  	[tilespmem:s21+$0x84B0] =	vst.add.f32.msk $0xffff, v11  }
0x176: {  	[tilespmem:s21+$0x84C0] =	vst.add.f32.msk $0xffff, v12  }
0x177: {  	[tilespmem:s21+$0x84D0] =	vst.add.f32.msk $0xffff, v13  }
0x178: {  	[tilespmem:s21+$0x84E0] =	vst.add.f32.msk $0xffff, v14;
	s21 =	sshra.s32 s22, $0x2;
	s22 =	sadd.s32 $0x400, s22  }
0x179: {  	v0 =	vld [tilespmem:s21+$0x4F0]  }
0x17a: {  	v1 =	vld [tilespmem:s21+$0x400]  }
0x17b: {  	v2 =	vld [tilespmem:s21+$0x410]  }
0x17c: {  	v3 =	vld [tilespmem:s21+$0x420]  }
0x17d: {  	v4 =	vld [tilespmem:s21+$0x430]  }
0x17e: {  	v63 =	vld [tilespmem:s21+$0x440]  }
0x17f: {  	v5 =	vld [tilespmem:s21+$0x450]  }
0x180: {  	v6 =	vld [tilespmem:s21+$0x460]  }
0x181: {  	v7 =	vld [tilespmem:s21+$0x470]  }
0x182: {  	v8 =	vld [tilespmem:s21+$0x480]  }
0x183: {  	v9 =	vld [tilespmem:s21+$0x490]  }
0x184: {  	v10 =	vld [tilespmem:s21+$0x4A0]  }
0x185: {  	v11 =	vld [tilespmem:s21+$0x4B0]  }
0x186: {  	v12 =	vld [tilespmem:s21+$0x4C0]  }
0x187: {  	v13 =	vld [tilespmem:s21+$0x4D0]  }
0x188: {  	v14 =	vld [tilespmem:s21+$0x4E0]  }
0x189: {  	[tilespmem:s21+$0x84F0] =	vst.add.f32.msk $0xffff, v0  }
0x18a: {  	[tilespmem:s21+$0x8400] =	vst.add.f32.msk $0xffff, v1  }
0x18b: {  	[tilespmem:s21+$0x8410] =	vst.add.f32.msk $0xffff, v2  }
0x18c: {  	[tilespmem:s21+$0x8420] =	vst.add.f32.msk $0xffff, v3  }
0x18d: {  	[tilespmem:s21+$0x8430] =	vst.add.f32.msk $0xffff, v4  }
0x18e: {  	[tilespmem:s21+$0x8440] =	vst.add.f32.msk $0xffff, v63  }
0x18f: {  	[tilespmem:s21+$0x8450] =	vst.add.f32.msk $0xffff, v5  }
0x190: {  	[tilespmem:s21+$0x8460] =	vst.add.f32.msk $0xffff, v6  }
0x191: {  	[tilespmem:s21+$0x8470] =	vst.add.f32.msk $0xffff, v7  }
0x192: {  	[tilespmem:s21+$0x8480] =	vst.add.f32.msk $0xffff, v8  }
0x193: {  	[tilespmem:s21+$0x8490] =	vst.add.f32.msk $0xffff, v9  }
0x194: {  	[tilespmem:s21+$0x84A0] =	vst.add.f32.msk $0xffff, v10  }
0x195: {  	[tilespmem:s21+$0x84B0] =	vst.add.f32.msk $0xffff, v11  }
0x196: {  	[tilespmem:s21+$0x84C0] =	vst.add.f32.msk $0xffff, v12  }
0x197: {  	[tilespmem:s21+$0x84D0] =	vst.add.f32.msk $0xffff, v13  }
0x198: {  	s22 =	simm.s32 $0x0;
	[tilespmem:s21+$0x84E0] =	vst.add.f32.msk $0xffff, v14  }
0x199: {  	[hbm4b:s15+s22] =	stream.linear.scatter [tilespmem:s6], [sflag:$0x8], $0x1000, $0x38;
	[tilespmem:$0xA400] =	vst v63  }
0x19a: {  	_ =	swait.ge [sflag:s7], $0x1000  }
0x19b: {  	[sflag:s7] =	ssyncset.done $0x0  }
0x19c: {  	s21 =	simm.s32 $0x0;
	s22 =	simm.s32 $0x400;
	[sflag:s7] =	ssyncadd.s32 $0xFFFFF000  }
.LBB2_12:
0x19d: {  	p0 =	sne.s32 s22, $0x3C00;
	v0 =	vld [tilespmem:s21+$0x14F0]  }
0x19e: {  	v1 =	vld [tilespmem:s21+$0x1400]  }
0x19f: {  	v2 =	vld [tilespmem:s21+$0x1410]  }
0x1a0: {  	v3 =	vld [tilespmem:s21+$0x1420]  }
0x1a1: {  	v4 =	vld [tilespmem:s21+$0x1430]  }
0x1a2: {  	[tilespmem:s21+$0x94F0] =	vst.add.f32.msk $0xffff, v0  }
0x1a3: {  	v0 =	vld [tilespmem:s21+$0x1440]  }
0x1a4: {  	v5 =	vld [tilespmem:s21+$0x1450]  }
0x1a5: {  	v6 =	vld [tilespmem:s21+$0x1460]  }
0x1a6: {  	v7 =	vld [tilespmem:s21+$0x1470]  }
0x1a7: {  	v8 =	vld [tilespmem:s21+$0x1480]  }
0x1a8: {  	v9 =	vld [tilespmem:s21+$0x1490]  }
0x1a9: {  	v10 =	vld [tilespmem:s21+$0x14A0]  }
0x1aa: {  	v11 =	vld [tilespmem:s21+$0x14B0]  }
0x1ab: {  	v12 =	vld [tilespmem:s21+$0x14C0]  }
0x1ac: {  	v13 =	vld [tilespmem:s21+$0x14D0]  }
0x1ad: {  	v14 =	vld [tilespmem:s21+$0x14E0]  }
0x1ae: {  	[tilespmem:s21+$0x9400] =	vst.add.f32.msk $0xffff, v1  }
0x1af: {  	[tilespmem:s21+$0x9410] =	vst.add.f32.msk $0xffff, v2  }
0x1b0: {  	[tilespmem:s21+$0x9420] =	vst.add.f32.msk $0xffff, v3  }
0x1b1: {  	[tilespmem:s21+$0x9430] =	vst.add.f32.msk $0xffff, v4  }
0x1b2: {  	[tilespmem:s21+$0x9440] =	vst.add.f32.msk $0xffff, v0  }
0x1b3: {  	[tilespmem:s21+$0x9450] =	vst.add.f32.msk $0xffff, v5  }
0x1b4: {  	[tilespmem:s21+$0x9460] =	vst.add.f32.msk $0xffff, v6  }
0x1b5: {  	[tilespmem:s21+$0x9470] =	vst.add.f32.msk $0xffff, v7  }
0x1b6: {  	[tilespmem:s21+$0x9480] =	vst.add.f32.msk $0xffff, v8  }
0x1b7: {  	[tilespmem:s21+$0x9490] =	vst.add.f32.msk $0xffff, v9  }
.Ltmp5:
0x1b8: {  	[tilespmem:s21+$0x94A0] =	vst.add.f32.msk $0xffff, v10;
	(pc) =	sbr.rel @p0 .LBB2_12-.Ltmp5, $4  }
0x1b9: {  	[tilespmem:s21+$0x94B0] =	vst.add.f32.msk $0xffff, v11  }
0x1ba: {  	[tilespmem:s21+$0x94C0] =	vst.add.f32.msk $0xffff, v12  }
0x1bb: {  	[tilespmem:s21+$0x94D0] =	vst.add.f32.msk $0xffff, v13  }
0x1bc: {  	[tilespmem:s21+$0x94E0] =	vst.add.f32.msk $0xffff, v14;
	s21 =	sshra.s32 s22, $0x2;
	s22 =	sadd.s32 $0x400, s22  }
0x1bd: {  	v0 =	vld [tilespmem:s21+$0x14F0]  }
0x1be: {  	v1 =	vld [tilespmem:s21+$0x1400]  }
0x1bf: {  	v2 =	vld [tilespmem:s21+$0x1410]  }
0x1c0: {  	v3 =	vld [tilespmem:s21+$0x1420]  }
0x1c1: {  	v4 =	vld [tilespmem:s21+$0x1430]  }
0x1c2: {  	v63 =	vld [tilespmem:s21+$0x1440]  }
0x1c3: {  	v5 =	vld [tilespmem:s21+$0x1450]  }
0x1c4: {  	v6 =	vld [tilespmem:s21+$0x1460]  }
0x1c5: {  	v7 =	vld [tilespmem:s21+$0x1470]  }
0x1c6: {  	v8 =	vld [tilespmem:s21+$0x1480]  }
0x1c7: {  	v9 =	vld [tilespmem:s21+$0x1490]  }
0x1c8: {  	v10 =	vld [tilespmem:s21+$0x14A0]  }
0x1c9: {  	v11 =	vld [tilespmem:s21+$0x14B0]  }
0x1ca: {  	v12 =	vld [tilespmem:s21+$0x14C0]  }
0x1cb: {  	v13 =	vld [tilespmem:s21+$0x14D0]  }
0x1cc: {  	v14 =	vld [tilespmem:s21+$0x14E0]  }
0x1cd: {  	[tilespmem:s21+$0x94F0] =	vst.add.f32.msk $0xffff, v0  }
0x1ce: {  	[tilespmem:s21+$0x9400] =	vst.add.f32.msk $0xffff, v1  }
0x1cf: {  	[tilespmem:s21+$0x9410] =	vst.add.f32.msk $0xffff, v2  }
0x1d0: {  	[tilespmem:s21+$0x9420] =	vst.add.f32.msk $0xffff, v3  }
0x1d1: {  	[tilespmem:s21+$0x9430] =	vst.add.f32.msk $0xffff, v4  }
0x1d2: {  	[tilespmem:s21+$0x9440] =	vst.add.f32.msk $0xffff, v63  }
0x1d3: {  	[tilespmem:s21+$0x9450] =	vst.add.f32.msk $0xffff, v5  }
0x1d4: {  	[tilespmem:s21+$0x9460] =	vst.add.f32.msk $0xffff, v6  }
0x1d5: {  	[tilespmem:s21+$0x9470] =	vst.add.f32.msk $0xffff, v7  }
0x1d6: {  	[tilespmem:s21+$0x9480] =	vst.add.f32.msk $0xffff, v8  }
0x1d7: {  	[tilespmem:s21+$0x9490] =	vst.add.f32.msk $0xffff, v9  }
0x1d8: {  	[tilespmem:s21+$0x94A0] =	vst.add.f32.msk $0xffff, v10  }
0x1d9: {  	[tilespmem:s21+$0x94B0] =	vst.add.f32.msk $0xffff, v11  }
0x1da: {  	[tilespmem:s21+$0x94C0] =	vst.add.f32.msk $0xffff, v12  }
0x1db: {  	[tilespmem:s21+$0x94D0] =	vst.add.f32.msk $0xffff, v13  }
0x1dc: {  	[tilespmem:s21+$0x94E0] =	vst.add.f32.msk $0xffff, v14  }
0x1dd: {  	[hbm4b:s16+s3] =	stream.linear.scatter [tilespmem:s8], [sflag:$0x8], $0x1000, $0x38;
	[tilespmem:$0xA400] =	vst v63  }
0x1de: {  	_ =	swait.ge [sflag:s19], $0x1000  }
0x1df: {  	[sflag:s19] =	ssyncset.done $0x0  }
0x1e0: {  	[sflag:s19] =	ssyncadd.s32 $0xFFFFF000  }
0x1e1: {  	_ =	swait.ge [sflag:s19], $0x1000  }
0x1e2: {  	[sflag:s19] =	ssyncset.done $0x0  }
0x1e3: {  	[sflag:s19] =	ssyncadd.s32 $0xFFFFF000  }
0x1e4: {  	_ =	swait.ge [sflag:s19], $0x2000  }
0x1e5: {  	[sflag:s19] =	ssyncset.done $0x0  }
0x1e6: {  	[sflag:s19] =	ssyncadd.s32 $0xFFFFE000  }
0x1e7: {  	_ =	swait.ge [sflag:s19], $0x2000  }
0x1e8: {  	[sflag:s19] =	ssyncset.done $0x0  }
0x1e9: {  	s20 =	sadd.s32 $0x1, s20;
	[sflag:s19] =	ssyncadd.s32 $0xFFFFE000  }
0x1ea: {  	p0 =	sne.s32 s20, s17;
	_ =	swait.ge [sflag:s19], $0x1000  }
.Ltmp6:
0x1eb: {  	[sflag:s19] =	ssyncset.done $0x0;
	(pc) =	sbr.rel @p0 .LBB2_1-.Ltmp6, $4  }
0x1ec: {  	[sflag:s19] =	ssyncadd.s32 $0xFFFFF000  }
0x1ed: {  	_ =	swait.ge [sflag:s19], $0x1000  }
0x1ee: {  	[sflag:s19] =	ssyncset.done $0x0  }
0x1ef: {  	[sflag:s19] =	ssyncadd.s32 $0xFFFFF000  }
0x1f0: {  	_ =	sfence.sel $0x180000  }
0x1f1: {  	[bflag:$0x0] =	sbarrier.arrive $0xFFFF  }
0x1f2: {  	_ =	strace $0x90000047  }
0x1f3: {  	s0 =	stileid.u32;
	[bflag:$0x2] =	sbarrier.arrive $0xFFFF  }
0x1f4: {  	p0 =	sne.s32 s0, $0x0;
	s0 =	rddreg [dreg:$0x4]  }
0x1f5: {  	s0 =	sadd.s32 @!p0 $0x100000, s0  }
0x1f6: {  	[sflag:s0] =	ssyncadd.tile.s32 @!p0 $0x1;
	_ =	shalt  }
.Lfunc_end2:
_tile_overlayer_lowered:
.L_overlay_start_2:
0x1f7: {  	(tag) =	ssettag $0x2  }
0x1f8: {  	s0 =	rddreg [dreg:$0x0];
	s2 =	stileid.u32  }
0x1f9: {  	s1 =	rddreg [dreg:$0x1];
	p0 =	sne.s32 s2, $0x0  }
0x1fa: {  	s3 =	rddreg [dreg:$0x2];
	[bflag:$0x3] =	sbarrier.arrive $0xFFFF;
	s2 =	simm.s32 @!p0 $0x1C09  }
0x1fb: {  	[timem:s3], [sflag:s2] =	dma.local @!p0 [hbm:s0], s1  }
0x1fc: {  	s0 =	simm.s32 @!p0 $0x9  }
0x1fd: {  	_ =	swait.ge @!p0 [sflag:s0], s1  }
0x1fe: {  	s1 =	ssub.s32 @!p0 $0x0, s1;
	[sflag:s0] =	ssyncset.done @!p0 $0x0  }
0x1ff: {  	[sflag:s0] =	ssyncadd.s32 @!p0 s1  }
0x200: {  	[bflag:$0x3] =	sbarrier.arrive $0xFFFF  }
0x201: {  	_ =	shalt  }

</sc_bundles>
